<compile_context>
chip_gen: v7x
topology: tpu7x:2x2x1
jax: 0.10.2.dev20260603
libtpu: 0.0.44.dev20260713+nightly
codegen_flags: <defaults>
</compile_context>

<pallas_src>
import functools

import jax
import jax.numpy as jnp
from jax import lax
from jax.experimental import pallas as pl
from jax.experimental.pallas import tpu as pltpu
from jax.experimental.pallas import tpu_sc as plsc

K = 3
N_SUB = 2048
N_ORIG = 8192
DIM = 64
SLICES = 8
R = 1024
NT = N_ORIG // R
NBLK = SLICES * NT
CHUNK = 128
SPC = 8
BIG = 1e30


def _topk_tc_body(s0, xs_ref, xo_ref, idx_ref, w_ref):
    xs = xs_ref[0]
    xo = xo_ref[0]
    cross = jnp.dot(xs.astype(jnp.bfloat16), xo.astype(jnp.bfloat16),
                    preferred_element_type=jnp.float32)
    b2 = jnp.sum(xs * xs, axis=1, keepdims=True)
    a2 = jnp.sum(xo * xo, axis=0, keepdims=True)
    d2 = jnp.maximum(b2 + a2 - 2.0 * cross, 0.0)

    it = lax.broadcasted_iota(jnp.int32, (N_SUB, R), 0).astype(jnp.float32)
    nsub_f = float(N_SUB)

    m1 = jnp.min(d2, axis=0, keepdims=True)
    e1 = d2 == m1
    i1 = jnp.min(jnp.where(e1, it, nsub_f), axis=0, keepdims=True)
    d2 = jnp.where(it == i1, BIG, d2)

    m2 = jnp.min(d2, axis=0, keepdims=True)
    e2 = d2 == m2
    i2 = jnp.min(jnp.where(e2, it, nsub_f), axis=0, keepdims=True)
    d2 = jnp.where(it == i2, BIG, d2)

    m3 = jnp.min(d2, axis=0, keepdims=True)
    e3 = d2 == m3
    i3 = jnp.min(jnp.where(e3, it, nsub_f), axis=0, keepdims=True)
    i1 = i1.astype(jnp.int32)
    i2 = i2.astype(jnp.int32)
    i3 = i3.astype(jnp.int32)

    w1 = 1.0 / (m1 + 1e-6)
    w2 = 1.0 / (m2 + 1e-6)
    w3 = 1.0 / (m3 + 1e-6)
    s = w1 + w2 + w3

    base = (s0 + pl.program_id(0)) * N_SUB
    zi = jnp.zeros((5, R), jnp.int32)
    zw = jnp.zeros((5, R), jnp.float32)
    idx_ref[0] = jnp.concatenate([i1 + base, i2 + base, i3 + base, zi], axis=0)
    w_ref[0] = jnp.concatenate([w1 / s, w2 / s, w3 / s, zw], axis=0)


def _topk_tc(xs_pad, xo_t_pad, s0=0, nsl=SLICES, interpret=False):
    body = functools.partial(_topk_tc_body, s0)
    nblk = nsl * NT
    return pl.pallas_call(
        body,
        grid=(nsl, NT),
        in_specs=[
            pl.BlockSpec((1, N_SUB, 8), lambda s, t: (s, 0, 0)),
            pl.BlockSpec((1, 8, R), lambda s, t: (s, 0, t)),
        ],
        out_specs=[
            pl.BlockSpec((1, 8, R), lambda s, t: (s * NT + t, 0, 0)),
            pl.BlockSpec((1, 8, R), lambda s, t: (s * NT + t, 0, 0)),
        ],
        out_shape=[
            jax.ShapeDtypeStruct((nblk, 8, R), jnp.int32),
            jax.ShapeDtypeStruct((nblk, 8, R), jnp.float32),
        ],
        interpret=interpret,
    )(xs_pad, xo_t_pad)


def _gather_sc_body(nblk, feats_hbm, idx_hbm, w_hbm, out_hbm,
                    idx0_v, idx1_v, idx2_v, r0_v, r1_v, r2_v, w_v, out_v,
                    sem):
    nc = 2
    wid = lax.axis_index("s") * nc + lax.axis_index("c")
    chunks_per_worker = (nblk * (R // CHUNK)) // 32
    cpb = R // CHUNK

    def chunk_body(t, carry):
        g = wid * chunks_per_worker + t
        nb = g // cpb
        c = g % cpb
        col = c * CHUNK
        pltpu.sync_copy(idx_hbm.at[nb, 0, pl.ds(col, CHUNK)], idx0_v)
        pltpu.sync_copy(idx_hbm.at[nb, 1, pl.ds(col, CHUNK)], idx1_v)
        pltpu.sync_copy(idx_hbm.at[nb, 2, pl.ds(col, CHUNK)], idx2_v)
        pltpu.sync_copy(w_hbm.at[nb, pl.ds(0, 4), pl.ds(col, CHUNK)], w_v)
        g0 = pltpu.async_copy(feats_hbm.at[idx0_v], r0_v, sem)
        g1 = pltpu.async_copy(feats_hbm.at[idx1_v], r1_v, sem)
        g2 = pltpu.async_copy(feats_hbm.at[idx2_v], r2_v, sem)
        g0.wait()
        g1.wait()
        g2.wait()

        def group_body(g, carry2):
            b16 = pl.multiple_of(g * 16, 16)
            wv0 = w_v[0, pl.ds(b16, 16)]
            wv1 = w_v[1, pl.ds(b16, 16)]
            wv2 = w_v[2, pl.ds(b16, 16)]
            for j in range(16):
                r = b16 + j
                w0 = wv0[j]
                w1 = wv1[j]
                w2 = wv2[j]
                for cc in range(DIM // 16):
                    sl = pl.ds(cc * 16, 16)
                    out_v[r, sl] = (r0_v[r, sl] * w0 + r1_v[r, sl] * w1
                                    + r2_v[r, sl] * w2)
            return carry2

        lax.fori_loop(0, CHUNK // 16, group_body, 0)
        s_idx = nb // NT
        n_base = (nb % NT) * R + col
        pltpu.sync_copy(out_v, out_hbm.at[pl.ds(n_base, CHUNK), s_idx, :])
        return carry

    lax.fori_loop(0, chunks_per_worker, chunk_body, 0)


def _gather_sc(feats_flat, idx, w, nsl=SLICES):
    mesh = plsc.VectorSubcoreMesh(core_axis_name="c", subcore_axis_name="s")
    f = pl.kernel(
        functools.partial(_gather_sc_body, nsl * NT),
        out_type=jax.ShapeDtypeStruct((N_ORIG, nsl, DIM), jnp.float32),
        mesh=mesh,
        scratch_types=[
            pltpu.VMEM((CHUNK,), jnp.int32),
            pltpu.VMEM((CHUNK,), jnp.int32),
            pltpu.VMEM((CHUNK,), jnp.int32),
            pltpu.VMEM((CHUNK, DIM), jnp.float32),
            pltpu.VMEM((CHUNK, DIM), jnp.float32),
            pltpu.VMEM((CHUNK, DIM), jnp.float32),
            pltpu.VMEM((4, CHUNK), jnp.float32),
            pltpu.VMEM((CHUNK, DIM), jnp.float32),
            pltpu.SemaphoreType.DMA,
        ],
        compiler_params=pltpu.CompilerParams(use_tc_tiling_on_sc=False),
    )
    return f(feats_flat, idx, w)


def kernel(xyz_subsampled, feats_subsampled, xyz_original):
    B, L, N, _ = xyz_original.shape
    xs = xyz_subsampled.reshape(SLICES, N_SUB, 3)
    xs_pad = jnp.concatenate(
        [xs, jnp.zeros((SLICES, N_SUB, 5), jnp.float32)], axis=-1)
    xo_t = jnp.transpose(xyz_original.reshape(SLICES, N_ORIG, 3), (0, 2, 1))
    xo_t_pad = jnp.concatenate(
        [xo_t, jnp.zeros((SLICES, 5, N_ORIG), jnp.float32)], axis=1)

    feats_flat = feats_subsampled.reshape(SLICES * N_SUB, DIM)
    outs = []
    for c in range(SLICES // SPC):
        s0 = c * SPC
        idx_c, w_c = _topk_tc(xs_pad[s0:s0 + SPC], xo_t_pad[s0:s0 + SPC],
                              s0=s0, nsl=SPC)
        outs.append(_gather_sc(feats_flat, idx_c, w_c, nsl=SPC))
    out = jnp.concatenate(outs, axis=1) if len(outs) > 1 else outs[0]
    return out.reshape(B, L, N, DIM)

# --- scband reference (transcript-rebuilt; emitter-appended) ---
"""Pipeline reference for scband-feature-propagation-84945863181017 (READ-ONLY COPY).

The authoritative reference and input builder live on the scoring server;
editing this copy changes nothing except your own understanding.
"""

import jax, jax.numpy as jnp
import numpy as np

K = 3

def _cdist(a, b):
    # Euclidean distance matrix, matmul formulation (matches torch.cdist p=2)
    a2 = jnp.sum(a * a, axis=-1, keepdims=True)          # [N,1]
    b2 = jnp.sum(b * b, axis=-1, keepdims=True).T        # [1,M]
    sq = a2 + b2 - 2.0 * (a @ b.T)
    return jnp.sqrt(jnp.clip(sq, 0.0, None))

def setup_inputs(seed: int = 0) -> dict:
    key = jax.random.key(seed)
    k1, k2, k3 = jax.random.split(key, 3)
    xyz_subsampled = jax.random.normal(k1, (2, 4, 2048, 3), dtype=jnp.float32)
    feats_subsampled = jax.random.normal(k2, (2, 4, 2048, 64), dtype=jnp.float32)
    xyz_original = jax.random.normal(k3, (2, 4, 8192, 3), dtype=jnp.float32)
    return {
        "xyz_subsampled": xyz_subsampled,
        "feats_subsampled": feats_subsampled,
        "xyz_original": xyz_original,
    }

def reference(xyz_subsampled, feats_subsampled, xyz_original):
    B, L, N, _ = xyz_original.shape
    _, _, N_sub, dim = feats_subsampled.shape
    feats_propagated = []
    for b in range(B):
        for t in range(L):
            xyz_o = xyz_original[b, t]            # [N,3]
            xyz_s = xyz_subsampled[b, t]          # [N_sub,3]
            feats_s = feats_subsampled[b, t]      # [N_sub,dim]
            dist = _cdist(xyz_o, xyz_s)           # [N,N_sub]
            neg_vals, idx = jax.lax.top_k(-dist, K)   # k smallest
            feats_neighbors = feats_s[idx]        # [N,k,dim] gather
            dist_neighbors = jnp.take_along_axis(dist, idx, axis=1)  # [N,k]
            weights = 1.0 / (dist_neighbors ** 2 + 1e-06)
            weights = weights / jnp.sum(weights, axis=-1, keepdims=True)
            feats_p = jnp.sum(feats_neighbors * weights[..., None], axis=1)  # [N,dim]
            feats_propagated.append(feats_p)
    # faithful to torch: stack along dim=1 then reshape (including original layout quirk)
    out = jnp.stack(feats_propagated, axis=1).reshape(B, L, N, dim)
    return out

if __name__ == "__main__":
    import jax
    _d = setup_inputs()
    print(jax.jit(kernel)(*tuple(_d.values())))

</pallas_src>

<mosaic_0001>
#map = affine_map<(d0, d1) -> (0, 0)>
#map1 = affine_map<(d0, d1) -> (0, 0, 0)>
module attributes {stable_mosaic.version = 14 : i64} {
  func.func @_gather_sc_body(%arg0: i32, %arg1: i32, %arg2: memref<16384x64xf32, #tpu.memory_space<hbm>>, %arg3: memref<64x8x1024xi32, #tpu.memory_space<hbm>>, %arg4: memref<64x8x1024xf32, #tpu.memory_space<hbm>>, %arg5: memref<8192x8x64xf32, #tpu.memory_space<hbm>>, %arg6: memref<128xi32, #tpu.memory_space<vmem>>, %arg7: memref<128xi32, #tpu.memory_space<vmem>>, %arg8: memref<128xi32, #tpu.memory_space<vmem>>, %arg9: memref<128x64xf32, #tpu.memory_space<vmem>>, %arg10: memref<128x64xf32, #tpu.memory_space<vmem>>, %arg11: memref<128x64xf32, #tpu.memory_space<vmem>>, %arg12: memref<4x128xf32, #tpu.memory_space<vmem>>, %arg13: memref<128x64xf32, #tpu.memory_space<vmem>>, %arg14: memref<!tpu.dma_semaphore, #tpu.memory_space<semaphore_mem>>) attributes {dimension_semantics = [#tpu.dimension_semantics<core_parallel>, #tpu.dimension_semantics<subcore_parallel>], iteration_bounds = array<i64: 2, 16>, scalar_prefetch = 0 : i64, scratch_operands = 9 : i64, tpu.core_type = #tpu.core_type<sc_vector_subcore>, window_params = [{transform_indices = #map}, {transform_indices = #map1}, {transform_indices = #map1}, {transform_indices = #map1}]} {
    %mul3A = arith.constant 2 : i32
    %mul3A_0 = arith.muli %arg1, %mul3A : i32
    %add3A = arith.addi %mul3A_0, %arg0 : i32
    %scan3A = arith.constant 0 : i32
    %scan3A_1 = arith.constant 0 : i32
    %scan3A_2 = arith.constant 16 : i32
    %scan3A_3 = arith.addi %scan3A_1, %scan3A_2 : i32
    %scan3A_4 = arith.constant 1 : i32
    scf.for %scan3A_6 = %scan3A_1 to %scan3A_3 step %scan3A_4  : i32 {
      %mul3A_7 = arith.constant 16 : i32
      %mul3A_8 = arith.muli %add3A, %mul3A_7 : i32
      %add3A_9 = arith.addi %mul3A_8, %scan3A_6 : i32
      %jit3A = arith.constant 8 : i32
      %div3A = arith.divsi %add3A_9, %jit3A : i32
      %sign3A = arith.constant 0 : i32
      %sign3A_10 = arith.cmpi sgt, %add3A_9, %sign3A : i32
      %sign3A_11 = arith.extui %sign3A_10 : i1 to i32
      %sign3A_12 = arith.constant 0 : i32
      %sign3A_13 = arith.cmpi slt, %add3A_9, %sign3A_12 : i32
      %sign3A_14 = arith.extui %sign3A_13 : i1 to i32
      %sign3A_15 = arith.subi %sign3A_11, %sign3A_14 : i32
      %sign3A_16 = arith.constant 0 : i32
      %sign3A_17 = arith.cmpi sgt, %jit3A, %sign3A_16 : i32
      %sign3A_18 = arith.extui %sign3A_17 : i1 to i32
      %sign3A_19 = arith.constant 0 : i32
      %sign3A_20 = arith.cmpi slt, %jit3A, %sign3A_19 : i32
      %sign3A_21 = arith.extui %sign3A_20 : i1 to i32
      %sign3A_22 = arith.subi %sign3A_18, %sign3A_21 : i32
      %ne3A = arith.cmpi ne, %sign3A_15, %sign3A_22 : i32
      %rem3A = arith.remsi %add3A_9, %jit3A : i32
      %ne3A_23 = arith.constant 0 : i32
      %ne3A_24 = arith.cmpi ne, %rem3A, %ne3A_23 : i32
      %and3A = arith.andi %ne3A, %ne3A_24 : i1
      %sub3A = arith.constant 1 : i32
      %sub3A_25 = arith.subi %div3A, %sub3A : i32
      %select_n3A = arith.select %and3A, %sub3A_25, %div3A : i32
      %jit3A_26 = arith.constant 8 : i32
      %eq3A = arith.constant 0 : i32
      %eq3A_27 = arith.cmpi eq, %jit3A_26, %eq3A : i32
      %jit3A_28 = arith.constant 1 : i32
      %select_n3A_29 = arith.select %eq3A_27, %jit3A_28, %jit3A_26 : i32
      %rem3A_30 = arith.remsi %add3A_9, %select_n3A_29 : i32
      %ne3A_31 = arith.constant 0 : i32
      %ne3A_32 = arith.cmpi ne, %rem3A_30, %ne3A_31 : i32
      %lt3A = arith.constant 0 : i32
      %lt3A_33 = arith.cmpi slt, %rem3A_30, %lt3A : i32
      %lt3A_34 = arith.constant 0 : i32
      %lt3A_35 = arith.cmpi slt, %select_n3A_29, %lt3A_34 : i32
      %ne3A_36 = arith.xori %lt3A_33, %lt3A_35 : i1
      %and3A_37 = arith.andi %ne3A_36, %ne3A_32 : i1
      %add3A_38 = arith.addi %rem3A_30, %select_n3A_29 : i32
      %select_n3A_39 = arith.select %and3A_37, %add3A_38, %rem3A_30 : i32
      %mul3A_40 = arith.constant 128 : i32
      %mul3A_41 = arith.muli %select_n3A_39, %mul3A_40 : i32
      %run_scoped3A = arith.constant 0 : i32
      "tpu.region"() ({
        %run_scoped3A_109 = tpu.sem_alloc : memref<!tpu.dma_semaphore, #tpu.memory_space<semaphore_mem>>
        %dma_start3A_110 = tpu.memref_slice %arg3[%select_n3A, %run_scoped3A, %mul3A_41] : memref<64x8x1024xi32, #tpu.memory_space<hbm>> -> memref<1x1x128xi32, #tpu.memory_space<hbm>>
        %dma_start3A_111 = tpu.memref_squeeze %dma_start3A_110 : memref<1x1x128xi32, #tpu.memory_space<hbm>> -> memref<128xi32, #tpu.memory_space<hbm>>
        %dma_start3A_112 = tpu.memref_slice %arg3[%select_n3A, %run_scoped3A, %mul3A_41] : memref<64x8x1024xi32, #tpu.memory_space<hbm>> -> memref<1x1x128xi32, #tpu.memory_space<hbm>>
        %dma_start3A_113 = tpu.memref_squeeze %dma_start3A_112 : memref<1x1x128xi32, #tpu.memory_space<hbm>> -> memref<128xi32, #tpu.memory_space<hbm>>
        tpu.enqueue_dma source(%dma_start3A_113 : memref<128xi32, #tpu.memory_space<hbm>>) target(%arg6 : memref<128xi32, #tpu.memory_space<vmem>>) target_semaphore(%run_scoped3A_109 : memref<!tpu.dma_semaphore, #tpu.memory_space<semaphore_mem>>)
        %dma_wait3A_114 = tpu.memref_slice %arg3[%select_n3A, %run_scoped3A, %mul3A_41] : memref<64x8x1024xi32, #tpu.memory_space<hbm>> -> memref<1x1x128xi32, #tpu.memory_space<hbm>>
        %dma_wait3A_115 = tpu.memref_squeeze %dma_wait3A_114 : memref<1x1x128xi32, #tpu.memory_space<hbm>> -> memref<128xi32, #tpu.memory_space<hbm>>
        %dma_wait3A_116 = tpu.memref_slice %arg3[%select_n3A, %run_scoped3A, %mul3A_41] : memref<64x8x1024xi32, #tpu.memory_space<hbm>> -> memref<1x1x128xi32, #tpu.memory_space<hbm>>
        %dma_wait3A_117 = tpu.memref_squeeze %dma_wait3A_116 : memref<1x1x128xi32, #tpu.memory_space<hbm>> -> memref<128xi32, #tpu.memory_space<hbm>>
        tpu.wait_dma2 semaphore(%run_scoped3A_109 : memref<!tpu.dma_semaphore, #tpu.memory_space<semaphore_mem>>) src(%dma_wait3A_117 : memref<128xi32, #tpu.memory_space<hbm>>) dst(%arg6 : memref<128xi32, #tpu.memory_space<vmem>>)
        tpu.yield
      }) : () -> ()
      %run_scoped3A_42 = arith.constant 1 : i32
      "tpu.region"() ({
        %run_scoped3A_109 = tpu.sem_alloc : memref<!tpu.dma_semaphore, #tpu.memory_space<semaphore_mem>>
        %dma_start3A_110 = tpu.memref_slice %arg3[%select_n3A, %run_scoped3A_42, %mul3A_41] : memref<64x8x1024xi32, #tpu.memory_space<hbm>> -> memref<1x1x128xi32, #tpu.memory_space<hbm>>
        %dma_start3A_111 = tpu.memref_squeeze %dma_start3A_110 : memref<1x1x128xi32, #tpu.memory_space<hbm>> -> memref<128xi32, #tpu.memory_space<hbm>>
        %dma_start3A_112 = tpu.memref_slice %arg3[%select_n3A, %run_scoped3A_42, %mul3A_41] : memref<64x8x1024xi32, #tpu.memory_space<hbm>> -> memref<1x1x128xi32, #tpu.memory_space<hbm>>
        %dma_start3A_113 = tpu.memref_squeeze %dma_start3A_112 : memref<1x1x128xi32, #tpu.memory_space<hbm>> -> memref<128xi32, #tpu.memory_space<hbm>>
        tpu.enqueue_dma source(%dma_start3A_113 : memref<128xi32, #tpu.memory_space<hbm>>) target(%arg7 : memref<128xi32, #tpu.memory_space<vmem>>) target_semaphore(%run_scoped3A_109 : memref<!tpu.dma_semaphore, #tpu.memory_space<semaphore_mem>>)
        %dma_wait3A_114 = tpu.memref_slice %arg3[%select_n3A, %run_scoped3A_42, %mul3A_41] : memref<64x8x1024xi32, #tpu.memory_space<hbm>> -> memref<1x1x128xi32, #tpu.memory_space<hbm>>
        %dma_wait3A_115 = tpu.memref_squeeze %dma_wait3A_114 : memref<1x1x128xi32, #tpu.memory_space<hbm>> -> memref<128xi32, #tpu.memory_space<hbm>>
        %dma_wait3A_116 = tpu.memref_slice %arg3[%select_n3A, %run_scoped3A_42, %mul3A_41] : memref<64x8x1024xi32, #tpu.memory_space<hbm>> -> memref<1x1x128xi32, #tpu.memory_space<hbm>>
        %dma_wait3A_117 = tpu.memref_squeeze %dma_wait3A_116 : memref<1x1x128xi32, #tpu.memory_space<hbm>> -> memref<128xi32, #tpu.memory_space<hbm>>
        tpu.wait_dma2 semaphore(%run_scoped3A_109 : memref<!tpu.dma_semaphore, #tpu.memory_space<semaphore_mem>>) src(%dma_wait3A_117 : memref<128xi32, #tpu.memory_space<hbm>>) dst(%arg7 : memref<128xi32, #tpu.memory_space<vmem>>)
        tpu.yield
      }) : () -> ()
      %run_scoped3A_43 = arith.constant 2 : i32
      "tpu.region"() ({
        %run_scoped3A_109 = tpu.sem_alloc : memref<!tpu.dma_semaphore, #tpu.memory_space<semaphore_mem>>
        %dma_start3A_110 = tpu.memref_slice %arg3[%select_n3A, %run_scoped3A_43, %mul3A_41] : memref<64x8x1024xi32, #tpu.memory_space<hbm>> -> memref<1x1x128xi32, #tpu.memory_space<hbm>>
        %dma_start3A_111 = tpu.memref_squeeze %dma_start3A_110 : memref<1x1x128xi32, #tpu.memory_space<hbm>> -> memref<128xi32, #tpu.memory_space<hbm>>
        %dma_start3A_112 = tpu.memref_slice %arg3[%select_n3A, %run_scoped3A_43, %mul3A_41] : memref<64x8x1024xi32, #tpu.memory_space<hbm>> -> memref<1x1x128xi32, #tpu.memory_space<hbm>>
        %dma_start3A_113 = tpu.memref_squeeze %dma_start3A_112 : memref<1x1x128xi32, #tpu.memory_space<hbm>> -> memref<128xi32, #tpu.memory_space<hbm>>
        tpu.enqueue_dma source(%dma_start3A_113 : memref<128xi32, #tpu.memory_space<hbm>>) target(%arg8 : memref<128xi32, #tpu.memory_space<vmem>>) target_semaphore(%run_scoped3A_109 : memref<!tpu.dma_semaphore, #tpu.memory_space<semaphore_mem>>)
        %dma_wait3A_114 = tpu.memref_slice %arg3[%select_n3A, %run_scoped3A_43, %mul3A_41] : memref<64x8x1024xi32, #tpu.memory_space<hbm>> -> memref<1x1x128xi32, #tpu.memory_space<hbm>>
        %dma_wait3A_115 = tpu.memref_squeeze %dma_wait3A_114 : memref<1x1x128xi32, #tpu.memory_space<hbm>> -> memref<128xi32, #tpu.memory_space<hbm>>
        %dma_wait3A_116 = tpu.memref_slice %arg3[%select_n3A, %run_scoped3A_43, %mul3A_41] : memref<64x8x1024xi32, #tpu.memory_space<hbm>> -> memref<1x1x128xi32, #tpu.memory_space<hbm>>
        %dma_wait3A_117 = tpu.memref_squeeze %dma_wait3A_116 : memref<1x1x128xi32, #tpu.memory_space<hbm>> -> memref<128xi32, #tpu.memory_space<hbm>>
        tpu.wait_dma2 semaphore(%run_scoped3A_109 : memref<!tpu.dma_semaphore, #tpu.memory_space<semaphore_mem>>) src(%dma_wait3A_117 : memref<128xi32, #tpu.memory_space<hbm>>) dst(%arg8 : memref<128xi32, #tpu.memory_space<vmem>>)
        tpu.yield
      }) : () -> ()
      "tpu.region"() ({
        %run_scoped3A_109 = tpu.sem_alloc : memref<!tpu.dma_semaphore, #tpu.memory_space<semaphore_mem>>
        %dma_start3A_110 = arith.constant 0 : i32
        %dma_start3A_111 = tpu.memref_slice %arg4[%select_n3A, %dma_start3A_110, %mul3A_41] : memref<64x8x1024xf32, #tpu.memory_space<hbm>> -> memref<1x4x128xf32, #tpu.memory_space<hbm>>
        %dma_start3A_112 = tpu.memref_squeeze %dma_start3A_111 : memref<1x4x128xf32, #tpu.memory_space<hbm>> -> memref<4x128xf32, #tpu.memory_space<hbm>>
        %dma_start3A_113 = arith.constant 0 : i32
        %dma_start3A_114 = tpu.memref_slice %arg4[%select_n3A, %dma_start3A_113, %mul3A_41] : memref<64x8x1024xf32, #tpu.memory_space<hbm>> -> memref<1x4x128xf32, #tpu.memory_space<hbm>>
        %dma_start3A_115 = tpu.memref_squeeze %dma_start3A_114 : memref<1x4x128xf32, #tpu.memory_space<hbm>> -> memref<4x128xf32, #tpu.memory_space<hbm>>
        tpu.enqueue_dma source(%dma_start3A_115 : memref<4x128xf32, #tpu.memory_space<hbm>>) target(%arg12 : memref<4x128xf32, #tpu.memory_space<vmem>>) target_semaphore(%run_scoped3A_109 : memref<!tpu.dma_semaphore, #tpu.memory_space<semaphore_mem>>)
        %dma_wait3A_116 = arith.constant 0 : i32
        %dma_wait3A_117 = tpu.memref_slice %arg4[%select_n3A, %dma_wait3A_116, %mul3A_41] : memref<64x8x1024xf32, #tpu.memory_space<hbm>> -> memref<1x4x128xf32, #tpu.memory_space<hbm>>
        %dma_wait3A_118 = tpu.memref_squeeze %dma_wait3A_117 : memref<1x4x128xf32, #tpu.memory_space<hbm>> -> memref<4x128xf32, #tpu.memory_space<hbm>>
        %dma_wait3A_119 = arith.constant 0 : i32
        %dma_wait3A_120 = tpu.memref_slice %arg4[%select_n3A, %dma_wait3A_119, %mul3A_41] : memref<64x8x1024xf32, #tpu.memory_space<hbm>> -> memref<1x4x128xf32, #tpu.memory_space<hbm>>
        %dma_wait3A_121 = tpu.memref_squeeze %dma_wait3A_120 : memref<1x4x128xf32, #tpu.memory_space<hbm>> -> memref<4x128xf32, #tpu.memory_space<hbm>>
        tpu.wait_dma2 semaphore(%run_scoped3A_109 : memref<!tpu.dma_semaphore, #tpu.memory_space<semaphore_mem>>) src(%dma_wait3A_121 : memref<4x128xf32, #tpu.memory_space<hbm>>) dst(%arg12 : memref<4x128xf32, #tpu.memory_space<vmem>>)
        tpu.yield
      }) : () -> ()
      %dma_start3A = arith.constant 0 : i32
      %dma_start3A_44 = arith.constant 0 : i32
      %dma_start3A_45 = tpu.memref_slice %arg2[%dma_start3A, %dma_start3A_44] : memref<16384x64xf32, #tpu.memory_space<hbm>> -> memref<16384x64xf32, #tpu.memory_space<hbm>>
      tpu.enqueue_indirect_dma source(%dma_start3A_45 : memref<16384x64xf32, #tpu.memory_space<hbm>>) target(%arg9 : memref<128x64xf32, #tpu.memory_space<vmem>>) offsets(%arg6 : memref<128xi32, #tpu.memory_space<vmem>>) semaphore(%arg14 : memref<!tpu.dma_semaphore, #tpu.memory_space<semaphore_mem>>)
      %dma_start3A_46 = arith.constant 0 : i32
      %dma_start3A_47 = arith.constant 0 : i32
      %dma_start3A_48 = tpu.memref_slice %arg2[%dma_start3A_46, %dma_start3A_47] : memref<16384x64xf32, #tpu.memory_space<hbm>> -> memref<16384x64xf32, #tpu.memory_space<hbm>>
      tpu.enqueue_indirect_dma source(%dma_start3A_48 : memref<16384x64xf32, #tpu.memory_space<hbm>>) target(%arg10 : memref<128x64xf32, #tpu.memory_space<vmem>>) offsets(%arg7 : memref<128xi32, #tpu.memory_space<vmem>>) semaphore(%arg14 : memref<!tpu.dma_semaphore, #tpu.memory_space<semaphore_mem>>)
      %dma_start3A_49 = arith.constant 0 : i32
      %dma_start3A_50 = arith.constant 0 : i32
      %dma_start3A_51 = tpu.memref_slice %arg2[%dma_start3A_49, %dma_start3A_50] : memref<16384x64xf32, #tpu.memory_space<hbm>> -> memref<16384x64xf32, #tpu.memory_space<hbm>>
      tpu.enqueue_indirect_dma source(%dma_start3A_51 : memref<16384x64xf32, #tpu.memory_space<hbm>>) target(%arg11 : memref<128x64xf32, #tpu.memory_space<vmem>>) offsets(%arg8 : memref<128xi32, #tpu.memory_space<vmem>>) semaphore(%arg14 : memref<!tpu.dma_semaphore, #tpu.memory_space<semaphore_mem>>)
      %dma_wait3A = arith.constant 0 : i32
      %dma_wait3A_52 = arith.constant 0 : i32
      %dma_wait3A_53 = tpu.memref_slice %arg2[%dma_wait3A, %dma_wait3A_52] : memref<16384x64xf32, #tpu.memory_space<hbm>> -> memref<16384x64xf32, #tpu.memory_space<hbm>>
      tpu.wait_indirect_dma semaphore(%arg14 : memref<!tpu.dma_semaphore, #tpu.memory_space<semaphore_mem>>) src(%dma_wait3A_53 : memref<16384x64xf32, #tpu.memory_space<hbm>>) dst(%arg9 : memref<128x64xf32, #tpu.memory_space<vmem>>)
      %dma_wait3A_54 = arith.constant 0 : i32
      %dma_wait3A_55 = arith.constant 0 : i32
      %dma_wait3A_56 = tpu.memref_slice %arg2[%dma_wait3A_54, %dma_wait3A_55] : memref<16384x64xf32, #tpu.memory_space<hbm>> -> memref<16384x64xf32, #tpu.memory_space<hbm>>
      tpu.wait_indirect_dma semaphore(%arg14 : memref<!tpu.dma_semaphore, #tpu.memory_space<semaphore_mem>>) src(%dma_wait3A_56 : memref<16384x64xf32, #tpu.memory_space<hbm>>) dst(%arg10 : memref<128x64xf32, #tpu.memory_space<vmem>>)
      %dma_wait3A_57 = arith.constant 0 : i32
      %dma_wait3A_58 = arith.constant 0 : i32
      %dma_wait3A_59 = tpu.memref_slice %arg2[%dma_wait3A_57, %dma_wait3A_58] : memref<16384x64xf32, #tpu.memory_space<hbm>> -> memref<16384x64xf32, #tpu.memory_space<hbm>>
      tpu.wait_indirect_dma semaphore(%arg14 : memref<!tpu.dma_semaphore, #tpu.memory_space<semaphore_mem>>) src(%dma_wait3A_59 : memref<16384x64xf32, #tpu.memory_space<hbm>>) dst(%arg11 : memref<128x64xf32, #tpu.memory_space<vmem>>)
      %scan3A_60 = arith.constant 0 : i32
      %scan3A_61 = arith.constant 0 : i32
      %scan3A_62 = arith.constant 8 : i32
      %scan3A_63 = arith.addi %scan3A_61, %scan3A_62 : i32
      %scan3A_64 = arith.constant 1 : i32
      scf.for %scan3A_109 = %scan3A_61 to %scan3A_63 step %scan3A_64  : i32 {
        %mul3A_110 = arith.constant 16 : i32
        %mul3A_111 = arith.muli %scan3A_109, %mul3A_110 : i32
        %multiple_of3A = tpu.assume_multiple %mul3A_111, 16 : i32
        %get3A = arith.constant 0 : i32
        %get3A_112 = arith.index_cast %get3A : i32 to index
        %get3A_113 = arith.index_cast %multiple_of3A : i32 to index
        %get3A_114 = tpu.vector_load %arg12[%get3A_112, %get3A_113] {strides = array<i32>} : memref<4x128xf32, #tpu.memory_space<vmem>>, vector<1x16xf32>,
        %get3A_115 = vector.shape_cast %get3A_114 : vector<1x16xf32> to vector<16xf32>
        %get3A_116 = arith.constant 1 : i32
        %get3A_117 = arith.index_cast %get3A_116 : i32 to index
        %get3A_118 = arith.index_cast %multiple_of3A : i32 to index
        %get3A_119 = tpu.vector_load %arg12[%get3A_117, %get3A_118] {strides = array<i32>} : memref<4x128xf32, #tpu.memory_space<vmem>>, vector<1x16xf32>,
        %get3A_120 = vector.shape_cast %get3A_119 : vector<1x16xf32> to vector<16xf32>
        %get3A_121 = arith.constant 2 : i32
        %get3A_122 = arith.index_cast %get3A_121 : i32 to index
        %get3A_123 = arith.index_cast %multiple_of3A : i32 to index
        %get3A_124 = tpu.vector_load %arg12[%get3A_122, %get3A_123] {strides = array<i32>} : memref<4x128xf32, #tpu.memory_space<vmem>>, vector<1x16xf32>,
        %get3A_125 = vector.shape_cast %get3A_124 : vector<1x16xf32> to vector<16xf32>
        %add3A_126 = arith.constant 0 : i32
        %add3A_127 = arith.addi %multiple_of3A, %add3A_126 : i32
        %slice3A = vector.extract_strided_slice %get3A_115 {offsets = [0], sizes = [1], strides = [1]} : vector<16xf32> to vector<1xf32>
        %squeeze3A = vector.extract %slice3A[0] : f32 from vector<1xf32>
        %slice3A_128 = vector.extract_strided_slice %get3A_120 {offsets = [0], sizes = [1], strides = [1]} : vector<16xf32> to vector<1xf32>
        %squeeze3A_129 = vector.extract %slice3A_128[0] : f32 from vector<1xf32>
        %slice3A_130 = vector.extract_strided_slice %get3A_125 {offsets = [0], sizes = [1], strides = [1]} : vector<16xf32> to vector<1xf32>
        %squeeze3A_131 = vector.extract %slice3A_130[0] : f32 from vector<1xf32>
        %get3A_132 = arith.index_cast %add3A_127 : i32 to index
        %get3A_133 = arith.constant 0 : index
        %get3A_134 = tpu.vector_load %arg9[%get3A_132, %get3A_133] {strides = array<i32>} : memref<128x64xf32, #tpu.memory_space<vmem>>, vector<1x16xf32>,
        %get3A_135 = vector.shape_cast %get3A_134 : vector<1x16xf32> to vector<16xf32>
        %mul3A_136 = vector.broadcast %squeeze3A : f32 to vector<16xf32>
        %mul3A_137 = arith.mulf %get3A_135, %mul3A_136 : vector<16xf32>
        %get3A_138 = arith.index_cast %add3A_127 : i32 to index
        %get3A_139 = arith.constant 0 : index
        %get3A_140 = tpu.vector_load %arg10[%get3A_138, %get3A_139] {strides = array<i32>} : memref<128x64xf32, #tpu.memory_space<vmem>>, vector<1x16xf32>,
        %get3A_141 = vector.shape_cast %get3A_140 : vector<1x16xf32> to vector<16xf32>
        %mul3A_142 = vector.broadcast %squeeze3A_129 : f32 to vector<16xf32>
        %mul3A_143 = arith.mulf %get3A_141, %mul3A_142 : vector<16xf32>
        %add3A_144 = arith.addf %mul3A_137, %mul3A_143 : vector<16xf32>
        %get3A_145 = arith.index_cast %add3A_127 : i32 to index
        %get3A_146 = arith.constant 0 : index
        %get3A_147 = tpu.vector_load %arg11[%get3A_145, %get3A_146] {strides = array<i32>} : memref<128x64xf32, #tpu.memory_space<vmem>>, vector<1x16xf32>,
        %get3A_148 = vector.shape_cast %get3A_147 : vector<1x16xf32> to vector<16xf32>
        %mul3A_149 = vector.broadcast %squeeze3A_131 : f32 to vector<16xf32>
        %mul3A_150 = arith.mulf %get3A_148, %mul3A_149 : vector<16xf32>
        %add3A_151 = arith.addf %add3A_144, %mul3A_150 : vector<16xf32>
        %swap3A = arith.index_cast %add3A_127 : i32 to index
        %swap3A_152 = arith.constant 0 : index
        %swap3A_153 = tpu.vector_load %arg13[%swap3A, %swap3A_152] {strides = array<i32>} : memref<128x64xf32, #tpu.memory_space<vmem>>, vector<1x16xf32>,
        %swap3A_154 = vector.shape_cast %swap3A_153 : vector<1x16xf32> to vector<16xf32>
        %swap3A_155 = vector.shape_cast %add3A_151 : vector<16xf32> to vector<1x16xf32>
        tpu.vector_store %arg13[%swap3A, %swap3A_152], %swap3A_155 {strides = array<i32>} : memref<128x64xf32, #tpu.memory_space<vmem>>, vector<1x16xf32>,
        %get3A_156 = arith.index_cast %add3A_127 : i32 to index
        %get3A_157 = arith.constant 16 : index
        %get3A_158 = tpu.vector_load %arg9[%get3A_156, %get3A_157] {strides = array<i32>} : memref<128x64xf32, #tpu.memory_space<vmem>>, vector<1x16xf32>,
        %get3A_159 = vector.shape_cast %get3A_158 : vector<1x16xf32> to vector<16xf32>
        %mul3A_160 = vector.broadcast %squeeze3A : f32 to vector<16xf32>
        %mul3A_161 = arith.mulf %get3A_159, %mul3A_160 : vector<16xf32>
        %get3A_162 = arith.index_cast %add3A_127 : i32 to index
        %get3A_163 = arith.constant 16 : index
        %get3A_164 = tpu.vector_load %arg10[%get3A_162, %get3A_163] {strides = array<i32>} : memref<128x64xf32, #tpu.memory_space<vmem>>, vector<1x16xf32>,
        %get3A_165 = vector.shape_cast %get3A_164 : vector<1x16xf32> to vector<16xf32>
        %mul3A_166 = vector.broadcast %squeeze3A_129 : f32 to vector<16xf32>
        %mul3A_167 = arith.mulf %get3A_165, %mul3A_166 : vector<16xf32>
        %add3A_168 = arith.addf %mul3A_161, %mul3A_167 : vector<16xf32>
        %get3A_169 = arith.index_cast %add3A_127 : i32 to index
        %get3A_170 = arith.constant 16 : index
        %get3A_171 = tpu.vector_load %arg11[%get3A_169, %get3A_170] {strides = array<i32>} : memref<128x64xf32, #tpu.memory_space<vmem>>, vector<1x16xf32>,
        %get3A_172 = vector.shape_cast %get3A_171 : vector<1x16xf32> to vector<16xf32>
        %mul3A_173 = vector.broadcast %squeeze3A_131 : f32 to vector<16xf32>
        %mul3A_174 = arith.mulf %get3A_172, %mul3A_173 : vector<16xf32>
        %add3A_175 = arith.addf %add3A_168, %mul3A_174 : vector<16xf32>
        %swap3A_176 = arith.index_cast %add3A_127 : i32 to index
        %swap3A_177 = arith.constant 16 : index
        %swap3A_178 = tpu.vector_load %arg13[%swap3A_176, %swap3A_177] {strides = array<i32>} : memref<128x64xf32, #tpu.memory_space<vmem>>, vector<1x16xf32>,
        %swap3A_179 = vector.shape_cast %swap3A_178 : vector<1x16xf32> to vector<16xf32>
        %swap3A_180 = vector.shape_cast %add3A_175 : vector<16xf32> to vector<1x16xf32>
        tpu.vector_store %arg13[%swap3A_176, %swap3A_177], %swap3A_180 {strides = array<i32>} : memref<128x64xf32, #tpu.memory_space<vmem>>, vector<1x16xf32>,
        %get3A_181 = arith.index_cast %add3A_127 : i32 to index
        %get3A_182 = arith.constant 32 : index
        %get3A_183 = tpu.vector_load %arg9[%get3A_181, %get3A_182] {strides = array<i32>} : memref<128x64xf32, #tpu.memory_space<vmem>>, vector<1x16xf32>,
        %get3A_184 = vector.shape_cast %get3A_183 : vector<1x16xf32> to vector<16xf32>
        %mul3A_185 = vector.broadcast %squeeze3A : f32 to vector<16xf32>
        %mul3A_186 = arith.mulf %get3A_184, %mul3A_185 : vector<16xf32>
        %get3A_187 = arith.index_cast %add3A_127 : i32 to index
        %get3A_188 = arith.constant 32 : index
        %get3A_189 = tpu.vector_load %arg10[%get3A_187, %get3A_188] {strides = array<i32>} : memref<128x64xf32, #tpu.memory_space<vmem>>, vector<1x16xf32>,
        %get3A_190 = vector.shape_cast %get3A_189 : vector<1x16xf32> to vector<16xf32>
        %mul3A_191 = vector.broadcast %squeeze3A_129 : f32 to vector<16xf32>
        %mul3A_192 = arith.mulf %get3A_190, %mul3A_191 : vector<16xf32>
        %add3A_193 = arith.addf %mul3A_186, %mul3A_192 : vector<16xf32>
        %get3A_194 = arith.index_cast %add3A_127 : i32 to index
        %get3A_195 = arith.constant 32 : index
        %get3A_196 = tpu.vector_load %arg11[%get3A_194, %get3A_195] {strides = array<i32>} : memref<128x64xf32, #tpu.memory_space<vmem>>, vector<1x16xf32>,
        %get3A_197 = vector.shape_cast %get3A_196 : vector<1x16xf32> to vector<16xf32>
        %mul3A_198 = vector.broadcast %squeeze3A_131 : f32 to vector<16xf32>
        %mul3A_199 = arith.mulf %get3A_197, %mul3A_198 : vector<16xf32>
        %add3A_200 = arith.addf %add3A_193, %mul3A_199 : vector<16xf32>
        %swap3A_201 = arith.index_cast %add3A_127 : i32 to index
        %swap3A_202 = arith.constant 32 : index
        %swap3A_203 = tpu.vector_load %arg13[%swap3A_201, %swap3A_202] {strides = array<i32>} : memref<128x64xf32, #tpu.memory_space<vmem>>, vector<1x16xf32>,
        %swap3A_204 = vector.shape_cast %swap3A_203 : vector<1x16xf32> to vector<16xf32>
        %swap3A_205 = vector.shape_cast %add3A_200 : vector<16xf32> to vector<1x16xf32>
        tpu.vector_store %arg13[%swap3A_201, %swap3A_202], %swap3A_205 {strides = array<i32>} : memref<128x64xf32, #tpu.memory_space<vmem>>, vector<1x16xf32>,
        %get3A_206 = arith.index_cast %add3A_127 : i32 to index
        %get3A_207 = arith.constant 48 : index
        %get3A_208 = tpu.vector_load %arg9[%get3A_206, %get3A_207] {strides = array<i32>} : memref<128x64xf32, #tpu.memory_space<vmem>>, vector<1x16xf32>,
        %get3A_209 = vector.shape_cast %get3A_208 : vector<1x16xf32> to vector<16xf32>
        %mul3A_210 = vector.broadcast %squeeze3A : f32 to vector<16xf32>
        %mul3A_211 = arith.mulf %get3A_209, %mul3A_210 : vector<16xf32>
        %get3A_212 = arith.index_cast %add3A_127 : i32 to index
        %get3A_213 = arith.constant 48 : index
        %get3A_214 = tpu.vector_load %arg10[%get3A_212, %get3A_213] {strides = array<i32>} : memref<128x64xf32, #tpu.memory_space<vmem>>, vector<1x16xf32>,
        %get3A_215 = vector.shape_cast %get3A_214 : vector<1x16xf32> to vector<16xf32>
        %mul3A_216 = vector.broadcast %squeeze3A_129 : f32 to vector<16xf32>
        %mul3A_217 = arith.mulf %get3A_215, %mul3A_216 : vector<16xf32>
        %add3A_218 = arith.addf %mul3A_211, %mul3A_217 : vector<16xf32>
        %get3A_219 = arith.index_cast %add3A_127 : i32 to index
        %get3A_220 = arith.constant 48 : index
        %get3A_221 = tpu.vector_load %arg11[%get3A_219, %get3A_220] {strides = array<i32>} : memref<128x64xf32, #tpu.memory_space<vmem>>, vector<1x16xf32>,
        %get3A_222 = vector.shape_cast %get3A_221 : vector<1x16xf32> to vector<16xf32>
        %mul3A_223 = vector.broadcast %squeeze3A_131 : f32 to vector<16xf32>
        %mul3A_224 = arith.mulf %get3A_222, %mul3A_223 : vector<16xf32>
        %add3A_225 = arith.addf %add3A_218, %mul3A_224 : vector<16xf32>
        %swap3A_226 = arith.index_cast %add3A_127 : i32 to index
        %swap3A_227 = arith.constant 48 : index
        %swap3A_228 = tpu.vector_load %arg13[%swap3A_226, %swap3A_227] {strides = array<i32>} : memref<128x64xf32, #tpu.memory_space<vmem>>, vector<1x16xf32>,
        %swap3A_229 = vector.shape_cast %swap3A_228 : vector<1x16xf32> to vector<16xf32>
        %swap3A_230 = vector.shape_cast %add3A_225 : vector<16xf32> to vector<1x16xf32>
        tpu.vector_store %arg13[%swap3A_226, %swap3A_227], %swap3A_230 {strides = array<i32>} : memref<128x64xf32, #tpu.memory_space<vmem>>, vector<1x16xf32>,
        %add3A_231 = arith.constant 1 : i32
        %add3A_232 = arith.addi %multiple_of3A, %add3A_231 : i32
        %slice3A_233 = vector.extract_strided_slice %get3A_115 {offsets = [1], sizes = [1], strides = [1]} : vector<16xf32> to vector<1xf32>
        %squeeze3A_234 = vector.extract %slice3A_233[0] : f32 from vector<1xf32>
        %slice3A_235 = vector.extract_strided_slice %get3A_120 {offsets = [1], sizes = [1], strides = [1]} : vector<16xf32> to vector<1xf32>
        %squeeze3A_236 = vector.extract %slice3A_235[0] : f32 from vector<1xf32>
        %slice3A_237 = vector.extract_strided_slice %get3A_125 {offsets = [1], sizes = [1], strides = [1]} : vector<16xf32> to vector<1xf32>
        %squeeze3A_238 = vector.extract %slice3A_237[0] : f32 from vector<1xf32>
        %get3A_239 = arith.index_cast %add3A_232 : i32 to index
        %get3A_240 = arith.constant 0 : index
        %get3A_241 = tpu.vector_load %arg9[%get3A_239, %get3A_240] {strides = array<i32>} : memref<128x64xf32, #tpu.memory_space<vmem>>, vector<1x16xf32>,
        %get3A_242 = vector.shape_cast %get3A_241 : vector<1x16xf32> to vector<16xf32>
        %mul3A_243 = vector.broadcast %squeeze3A_234 : f32 to vector<16xf32>
        %mul3A_244 = arith.mulf %get3A_242, %mul3A_243 : vector<16xf32>
        %get3A_245 = arith.index_cast %add3A_232 : i32 to index
        %get3A_246 = arith.constant 0 : index
        %get3A_247 = tpu.vector_load %arg10[%get3A_245, %get3A_246] {strides = array<i32>} : memref<128x64xf32, #tpu.memory_space<vmem>>, vector<1x16xf32>,
        %get3A_248 = vector.shape_cast %get3A_247 : vector<1x16xf32> to vector<16xf32>
        %mul3A_249 = vector.broadcast %squeeze3A_236 : f32 to vector<16xf32>
        %mul3A_250 = arith.mulf %get3A_248, %mul3A_249 : vector<16xf32>
        %add3A_251 = arith.addf %mul3A_244, %mul3A_250 : vector<16xf32>
        %get3A_252 = arith.index_cast %add3A_232 : i32 to index
        %get3A_253 = arith.constant 0 : index
        %get3A_254 = tpu.vector_load %arg11[%get3A_252, %get3A_253] {strides = array<i32>} : memref<128x64xf32, #tpu.memory_space<vmem>>, vector<1x16xf32>,
        %get3A_255 = vector.shape_cast %get3A_254 : vector<1x16xf32> to vector<16xf32>
        %mul3A_256 = vector.broadcast %squeeze3A_238 : f32 to vector<16xf32>
        %mul3A_257 = arith.mulf %get3A_255, %mul3A_256 : vector<16xf32>
        %add3A_258 = arith.addf %add3A_251, %mul3A_257 : vector<16xf32>
        %swap3A_259 = arith.index_cast %add3A_232 : i32 to index
        %swap3A_260 = arith.constant 0 : index
        %swap3A_261 = tpu.vector_load %arg13[%swap3A_259, %swap3A_260] {strides = array<i32>} : memref<128x64xf32, #tpu.memory_space<vmem>>, vector<1x16xf32>,
        %swap3A_262 = vector.shape_cast %swap3A_261 : vector<1x16xf32> to vector<16xf32>
        %swap3A_263 = vector.shape_cast %add3A_258 : vector<16xf32> to vector<1x16xf32>
        tpu.vector_store %arg13[%swap3A_259, %swap3A_260], %swap3A_263 {strides = array<i32>} : memref<128x64xf32, #tpu.memory_space<vmem>>, vector<1x16xf32>,
        %get3A_264 = arith.index_cast %add3A_232 : i32 to index
        %get3A_265 = arith.constant 16 : index
        %get3A_266 = tpu.vector_load %arg9[%get3A_264, %get3A_265] {strides = array<i32>} : memref<128x64xf32, #tpu.memory_space<vmem>>, vector<1x16xf32>,
        %get3A_267 = vector.shape_cast %get3A_266 : vector<1x16xf32> to vector<16xf32>
        %mul3A_268 = vector.broadcast %squeeze3A_234 : f32 to vector<16xf32>
        %mul3A_269 = arith.mulf %get3A_267, %mul3A_268 : vector<16xf32>
        %get3A_270 = arith.index_cast %add3A_232 : i32 to index
        %get3A_271 = arith.constant 16 : index
        %get3A_272 = tpu.vector_load %arg10[%get3A_270, %get3A_271] {strides = array<i32>} : memref<128x64xf32, #tpu.memory_space<vmem>>, vector<1x16xf32>,
        %get3A_273 = vector.shape_cast %get3A_272 : vector<1x16xf32> to vector<16xf32>
        %mul3A_274 = vector.broadcast %squeeze3A_236 : f32 to vector<16xf32>
        %mul3A_275 = arith.mulf %get3A_273, %mul3A_274 : vector<16xf32>
        %add3A_276 = arith.addf %mul3A_269, %mul3A_275 : vector<16xf32>
        %get3A_277 = arith.index_cast %add3A_232 : i32 to index
        %get3A_278 = arith.constant 16 : index
        %get3A_279 = tpu.vector_load %arg11[%get3A_277, %get3A_278] {strides = array<i32>} : memref<128x64xf32, #tpu.memory_space<vmem>>, vector<1x16xf32>,
        %get3A_280 = vector.shape_cast %get3A_279 : vector<1x16xf32> to vector<16xf32>
        %mul3A_281 = vector.broadcast %squeeze3A_238 : f32 to vector<16xf32>
        %mul3A_282 = arith.mulf %get3A_280, %mul3A_281 : vector<16xf32>
        %add3A_283 = arith.addf %add3A_276, %mul3A_282 : vector<16xf32>
        %swap3A_284 = arith.index_cast %add3A_232 : i32 to index
        %swap3A_285 = arith.constant 16 : index
        %swap3A_286 = tpu.vector_load %arg13[%swap3A_284, %swap3A_285] {strides = array<i32>} : memref<128x64xf32, #tpu.memory_space<vmem>>, vector<1x16xf32>,
        %swap3A_287 = vector.shape_cast %swap3A_286 : vector<1x16xf32> to vector<16xf32>
        %swap3A_288 = vector.shape_cast %add3A_283 : vector<16xf32> to vector<1x16xf32>
        tpu.vector_store %arg13[%swap3A_284, %swap3A_285], %swap3A_288 {strides = array<i32>} : memref<128x64xf32, #tpu.memory_space<vmem>>, vector<1x16xf32>,
        %get3A_289 = arith.index_cast %add3A_232 : i32 to index
        %get3A_290 = arith.constant 32 : index
        %get3A_291 = tpu.vector_load %arg9[%get3A_289, %get3A_290] {strides = array<i32>} : memref<128x64xf32, #tpu.memory_space<vmem>>, vector<1x16xf32>,
        %get3A_292 = vector.shape_cast %get3A_291 : vector<1x16xf32> to vector<16xf32>
        %mul3A_293 = vector.broadcast %squeeze3A_234 : f32 to vector<16xf32>
        %mul3A_294 = arith.mulf %get3A_292, %mul3A_293 : vector<16xf32>
        %get3A_295 = arith.index_cast %add3A_232 : i32 to index
        %get3A_296 = arith.constant 32 : index
        %get3A_297 = tpu.vector_load %arg10[%get3A_295, %get3A_296] {strides = array<i32>} : memref<128x64xf32, #tpu.memory_space<vmem>>, vector<1x16xf32>,
        %get3A_298 = vector.shape_cast %get3A_297 : vector<1x16xf32> to vector<16xf32>
        %mul3A_299 = vector.broadcast %squeeze3A_236 : f32 to vector<16xf32>
        %mul3A_300 = arith.mulf %get3A_298, %mul3A_299 : vector<16xf32>
        %add3A_301 = arith.addf %mul3A_294, %mul3A_300 : vector<16xf32>
        %get3A_302 = arith.index_cast %add3A_232 : i32 to index
        %get3A_303 = arith.constant 32 : index
        %get3A_304 = tpu.vector_load %arg11[%get3A_302, %get3A_303] {strides = array<i32>} : memref<128x64xf32, #tpu.memory_space<vmem>>, vector<1x16xf32>,
        %get3A_305 = vector.shape_cast %get3A_304 : vector<1x16xf32> to vector<16xf32>
        %mul3A_306 = vector.broadcast %squeeze3A_238 : f32 to vector<16xf32>
        %mul3A_307 = arith.mulf %get3A_305, %mul3A_306 : vector<16xf32>
        %add3A_308 = arith.addf %add3A_301, %mul3A_307 : vector<16xf32>
        %swap3A_309 = arith.index_cast %add3A_232 : i32 to index
        %swap3A_310 = arith.constant 32 : index
        %swap3A_311 = tpu.vector_load %arg13[%swap3A_309, %swap3A_310] {strides = array<i32>} : memref<128x64xf32, #tpu.memory_space<vmem>>, vector<1x16xf32>,
        %swap3A_312 = vector.shape_cast %swap3A_311 : vector<1x16xf32> to vector<16xf32>
        %swap3A_313 = vector.shape_cast %add3A_308 : vector<16xf32> to vector<1x16xf32>
        tpu.vector_store %arg13[%swap3A_309, %swap3A_310], %swap3A_313 {strides = array<i32>} : memref<128x64xf32, #tpu.memory_space<vmem>>, vector<1x16xf32>,
        %get3A_314 = arith.index_cast %add3A_232 : i32 to index
        %get3A_315 = arith.constant 48 : index
        %get3A_316 = tpu.vector_load %arg9[%get3A_314, %get3A_315] {strides = array<i32>} : memref<128x64xf32, #tpu.memory_space<vmem>>, vector<1x16xf32>,
        %get3A_317 = vector.shape_cast %get3A_316 : vector<1x16xf32> to vector<16xf32>
        %mul3A_318 = vector.broadcast %squeeze3A_234 : f32 to vector<16xf32>
        %mul3A_319 = arith.mulf %get3A_317, %mul3A_318 : vector<16xf32>
        %get3A_320 = arith.index_cast %add3A_232 : i32 to index
        %get3A_321 = arith.constant 48 : index
        %get3A_322 = tpu.vector_load %arg10[%get3A_320, %get3A_321] {strides = array<i32>} : memref<128x64xf32, #tpu.memory_space<vmem>>, vector<1x16xf32>,
        %get3A_323 = vector.shape_cast %get3A_322 : vector<1x16xf32> to vector<16xf32>
        %mul3A_324 = vector.broadcast %squeeze3A_236 : f32 to vector<16xf32>
        %mul3A_325 = arith.mulf %get3A_323, %mul3A_324 : vector<16xf32>
        %add3A_326 = arith.addf %mul3A_319, %mul3A_325 : vector<16xf32>
        %get3A_327 = arith.index_cast %add3A_232 : i32 to index
        %get3A_328 = arith.constant 48 : index
        %get3A_329 = tpu.vector_load %arg11[%get3A_327, %get3A_328] {strides = array<i32>} : memref<128x64xf32, #tpu.memory_space<vmem>>, vector<1x16xf32>,
        %get3A_330 = vector.shape_cast %get3A_329 : vector<1x16xf32> to vector<16xf32>
        %mul3A_331 = vector.broadcast %squeeze3A_238 : f32 to vector<16xf32>
        %mul3A_332 = arith.mulf %get3A_330, %mul3A_331 : vector<16xf32>
        %add3A_333 = arith.addf %add3A_326, %mul3A_332 : vector<16xf32>
        %swap3A_334 = arith.index_cast %add3A_232 : i32 to index
        %swap3A_335 = arith.constant 48 : index
        %swap3A_336 = tpu.vector_load %arg13[%swap3A_334, %swap3A_335] {strides = array<i32>} : memref<128x64xf32, #tpu.memory_space<vmem>>, vector<1x16xf32>,
        %swap3A_337 = vector.shape_cast %swap3A_336 : vector<1x16xf32> to vector<16xf32>
        %swap3A_338 = vector.shape_cast %add3A_333 : vector<16xf32> to vector<1x16xf32>
        tpu.vector_store %arg13[%swap3A_334, %swap3A_335], %swap3A_338 {strides = array<i32>} : memref<128x64xf32, #tpu.memory_space<vmem>>, vector<1x16xf32>,
        %add3A_339 = arith.constant 2 : i32
        %add3A_340 = arith.addi %multiple_of3A, %add3A_339 : i32
        %slice3A_341 = vector.extract_strided_slice %get3A_115 {offsets = [2], sizes = [1], strides = [1]} : vector<16xf32> to vector<1xf32>
        %squeeze3A_342 = vector.extract %slice3A_341[0] : f32 from vector<1xf32>
        %slice3A_343 = vector.extract_strided_slice %get3A_120 {offsets = [2], sizes = [1], strides = [1]} : vector<16xf32> to vector<1xf32>
        %squeeze3A_344 = vector.extract %slice3A_343[0] : f32 from vector<1xf32>
        %slice3A_345 = vector.extract_strided_slice %get3A_125 {offsets = [2], sizes = [1], strides = [1]} : vector<16xf32> to vector<1xf32>
        %squeeze3A_346 = vector.extract %slice3A_345[0] : f32 from vector<1xf32>
        %get3A_347 = arith.index_cast %add3A_340 : i32 to index
        %get3A_348 = arith.constant 0 : index
        %get3A_349 = tpu.vector_load %arg9[%get3A_347, %get3A_348] {strides = array<i32>} : memref<128x64xf32, #tpu.memory_space<vmem>>, vector<1x16xf32>,
        %get3A_350 = vector.shape_cast %get3A_349 : vector<1x16xf32> to vector<16xf32>
        %mul3A_351 = vector.broadcast %squeeze3A_342 : f32 to vector<16xf32>
        %mul3A_352 = arith.mulf %get3A_350, %mul3A_351 : vector<16xf32>
        %get3A_353 = arith.index_cast %add3A_340 : i32 to index
        %get3A_354 = arith.constant 0 : index
        %get3A_355 = tpu.vector_load %arg10[%get3A_353, %get3A_354] {strides = array<i32>} : memref<128x64xf32, #tpu.memory_space<vmem>>, vector<1x16xf32>,
        %get3A_356 = vector.shape_cast %get3A_355 : vector<1x16xf32> to vector<16xf32>
        %mul3A_357 = vector.broadcast %squeeze3A_344 : f32 to vector<16xf32>
        %mul3A_358 = arith.mulf %get3A_356, %mul3A_357 : vector<16xf32>
        %add3A_359 = arith.addf %mul3A_352, %mul3A_358 : vector<16xf32>
        %get3A_360 = arith.index_cast %add3A_340 : i32 to index
        %get3A_361 = arith.constant 0 : index
        %get3A_362 = tpu.vector_load %arg11[%get3A_360, %get3A_361] {strides = array<i32>} : memref<128x64xf32, #tpu.memory_space<vmem>>, vector<1x16xf32>,
        %get3A_363 = vector.shape_cast %get3A_362 : vector<1x16xf32> to vector<16xf32>
        %mul3A_364 = vector.broadcast %squeeze3A_346 : f32 to vector<16xf32>
        %mul3A_365 = arith.mulf %get3A_363, %mul3A_364 : vector<16xf32>
        %add3A_366 = arith.addf %add3A_359, %mul3A_365 : vector<16xf32>
        %swap3A_367 = arith.index_cast %add3A_340 : i32 to index
        %swap3A_368 = arith.constant 0 : index
        %swap3A_369 = tpu.vector_load %arg13[%swap3A_367, %swap3A_368] {strides = array<i32>} : memref<128x64xf32, #tpu.memory_space<vmem>>, vector<1x16xf32>,
        %swap3A_370 = vector.shape_cast %swap3A_369 : vector<1x16xf32> to vector<16xf32>
        %swap3A_371 = vector.shape_cast %add3A_366 : vector<16xf32> to vector<1x16xf32>
        tpu.vector_store %arg13[%swap3A_367, %swap3A_368], %swap3A_371 {strides = array<i32>} : memref<128x64xf32, #tpu.memory_space<vmem>>, vector<1x16xf32>,
        %get3A_372 = arith.index_cast %add3A_340 : i32 to index
        %get3A_373 = arith.constant 16 : index
        %get3A_374 = tpu.vector_load %arg9[%get3A_372, %get3A_373] {strides = array<i32>} : memref<128x64xf32, #tpu.memory_space<vmem>>, vector<1x16xf32>,
        %get3A_375 = vector.shape_cast %get3A_374 : vector<1x16xf32> to vector<16xf32>
        %mul3A_376 = vector.broadcast %squeeze3A_342 : f32 to vector<16xf32>
        %mul3A_377 = arith.mulf %get3A_375, %mul3A_376 : vector<16xf32>
        %get3A_378 = arith.index_cast %add3A_340 : i32 to index
        %get3A_379 = arith.constant 16 : index
        %get3A_380 = tpu.vector_load %arg10[%get3A_378, %get3A_379] {strides = array<i32>} : memref<128x64xf32, #tpu.memory_space<vmem>>, vector<1x16xf32>,
        %get3A_381 = vector.shape_cast %get3A_380 : vector<1x16xf32> to vector<16xf32>
        %mul3A_382 = vector.broadcast %squeeze3A_344 : f32 to vector<16xf32>
        %mul3A_383 = arith.mulf %get3A_381, %mul3A_382 : vector<16xf32>
        %add3A_384 = arith.addf %mul3A_377, %mul3A_383 : vector<16xf32>
        %get3A_385 = arith.index_cast %add3A_340 : i32 to index
        %get3A_386 = arith.constant 16 : index
        %get3A_387 = tpu.vector_load %arg11[%get3A_385, %get3A_386] {strides = array<i32>} : memref<128x64xf32, #tpu.memory_space<vmem>>, vector<1x16xf32>,
        %get3A_388 = vector.shape_cast %get3A_387 : vector<1x16xf32> to vector<16xf32>
        %mul3A_389 = vector.broadcast %squeeze3A_346 : f32 to vector<16xf32>
        %mul3A_390 = arith.mulf %get3A_388, %mul3A_389 : vector<16xf32>
        %add3A_391 = arith.addf %add3A_384, %mul3A_390 : vector<16xf32>
        %swap3A_392 = arith.index_cast %add3A_340 : i32 to index
        %swap3A_393 = arith.constant 16 : index
        %swap3A_394 = tpu.vector_load %arg13[%swap3A_392, %swap3A_393] {strides = array<i32>} : memref<128x64xf32, #tpu.memory_space<vmem>>, vector<1x16xf32>,
        %swap3A_395 = vector.shape_cast %swap3A_394 : vector<1x16xf32> to vector<16xf32>
        %swap3A_396 = vector.shape_cast %add3A_391 : vector<16xf32> to vector<1x16xf32>
        tpu.vector_store %arg13[%swap3A_392, %swap3A_393], %swap3A_396 {strides = array<i32>} : memref<128x64xf32, #tpu.memory_space<vmem>>, vector<1x16xf32>,
        %get3A_397 = arith.index_cast %add3A_340 : i32 to index
        %get3A_398 = arith.constant 32 : index
        %get3A_399 = tpu.vector_load %arg9[%get3A_397, %get3A_398] {strides = array<i32>} : memref<128x64xf32, #tpu.memory_space<vmem>>, vector<1x16xf32>,
        %get3A_400 = vector.shape_cast %get3A_399 : vector<1x16xf32> to vector<16xf32>
        %mul3A_401 = vector.broadcast %squeeze3A_342 : f32 to vector<16xf32>
        %mul3A_402 = arith.mulf %get3A_400, %mul3A_401 : vector<16xf32>
        %get3A_403 = arith.index_cast %add3A_340 : i32 to index
        %get3A_404 = arith.constant 32 : index
        %get3A_405 = tpu.vector_load %arg10[%get3A_403, %get3A_404] {strides = array<i32>} : memref<128x64xf32, #tpu.memory_space<vmem>>, vector<1x16xf32>,
        %get3A_406 = vector.shape_cast %get3A_405 : vector<1x16xf32> to vector<16xf32>
        %mul3A_407 = vector.broadcast %squeeze3A_344 : f32 to vector<16xf32>
        %mul3A_408 = arith.mulf %get3A_406, %mul3A_407 : vector<16xf32>
        %add3A_409 = arith.addf %mul3A_402, %mul3A_408 : vector<16xf32>
        %get3A_410 = arith.index_cast %add3A_340 : i32 to index
        %get3A_411 = arith.constant 32 : index
        %get3A_412 = tpu.vector_load %arg11[%get3A_410, %get3A_411] {strides = array<i32>} : memref<128x64xf32, #tpu.memory_space<vmem>>, vector<1x16xf32>,
        %get3A_413 = vector.shape_cast %get3A_412 : vector<1x16xf32> to vector<16xf32>
        %mul3A_414 = vector.broadcast %squeeze3A_346 : f32 to vector<16xf32>
        %mul3A_415 = arith.mulf %get3A_413, %mul3A_414 : vector<16xf32>
        %add3A_416 = arith.addf %add3A_409, %mul3A_415 : vector<16xf32>
        %swap3A_417 = arith.index_cast %add3A_340 : i32 to index
        %swap3A_418 = arith.constant 32 : index
        %swap3A_419 = tpu.vector_load %arg13[%swap3A_417, %swap3A_418] {strides = array<i32>} : memref<128x64xf32, #tpu.memory_space<vmem>>, vector<1x16xf32>,
        %swap3A_420 = vector.shape_cast %swap3A_419 : vector<1x16xf32> to vector<16xf32>
        %swap3A_421 = vector.shape_cast %add3A_416 : vector<16xf32> to vector<1x16xf32>
        tpu.vector_store %arg13[%swap3A_417, %swap3A_418], %swap3A_421 {strides = array<i32>} : memref<128x64xf32, #tpu.memory_space<vmem>>, vector<1x16xf32>,
        %get3A_422 = arith.index_cast %add3A_340 : i32 to index
        %get3A_423 = arith.constant 48 : index
        %get3A_424 = tpu.vector_load %arg9[%get3A_422, %get3A_423] {strides = array<i32>} : memref<128x64xf32, #tpu.memory_space<vmem>>, vector<1x16xf32>,
        %get3A_425 = vector.shape_cast %get3A_424 : vector<1x16xf32> to vector<16xf32>
        %mul3A_426 = vector.broadcast %squeeze3A_342 : f32 to vector<16xf32>
        %mul3A_427 = arith.mulf %get3A_425, %mul3A_426 : vector<16xf32>
        %get3A_428 = arith.index_cast %add3A_340 : i32 to index
        %get3A_429 = arith.constant 48 : index
        %get3A_430 = tpu.vector_load %arg10[%get3A_428, %get3A_429] {strides = array<i32>} : memref<128x64xf32, #tpu.memory_space<vmem>>, vector<1x16xf32>,
        %get3A_431 = vector.shape_cast %get3A_430 : vector<1x16xf32> to vector<16xf32>
        %mul3A_432 = vector.broadcast %squeeze3A_344 : f32 to vector<16xf32>
        %mul3A_433 = arith.mulf %get3A_431, %mul3A_432 : vector<16xf32>
        %add3A_434 = arith.addf %mul3A_427, %mul3A_433 : vector<16xf32>
        %get3A_435 = arith.index_cast %add3A_340 : i32 to index
        %get3A_436 = arith.constant 48 : index
        %get3A_437 = tpu.vector_load %arg11[%get3A_435, %get3A_436] {strides = array<i32>} : memref<128x64xf32, #tpu.memory_space<vmem>>, vector<1x16xf32>,
        %get3A_438 = vector.shape_cast %get3A_437 : vector<1x16xf32> to vector<16xf32>
        %mul3A_439 = vector.broadcast %squeeze3A_346 : f32 to vector<16xf32>
        %mul3A_440 = arith.mulf %get3A_438, %mul3A_439 : vector<16xf32>
        %add3A_441 = arith.addf %add3A_434, %mul3A_440 : vector<16xf32>
        %swap3A_442 = arith.index_cast %add3A_340 : i32 to index
        %swap3A_443 = arith.constant 48 : index
        %swap3A_444 = tpu.vector_load %arg13[%swap3A_442, %swap3A_443] {strides = array<i32>} : memref<128x64xf32, #tpu.memory_space<vmem>>, vector<1x16xf32>,
        %swap3A_445 = vector.shape_cast %swap3A_444 : vector<1x16xf32> to vector<16xf32>
        %swap3A_446 = vector.shape_cast %add3A_441 : vector<16xf32> to vector<1x16xf32>
        tpu.vector_store %arg13[%swap3A_442, %swap3A_443], %swap3A_446 {strides = array<i32>} : memref<128x64xf32, #tpu.memory_space<vmem>>, vector<1x16xf32>,
        %add3A_447 = arith.constant 3 : i32
        %add3A_448 = arith.addi %multiple_of3A, %add3A_447 : i32
        %slice3A_449 = vector.extract_strided_slice %get3A_115 {offsets = [3], sizes = [1], strides = [1]} : vector<16xf32> to vector<1xf32>
        %squeeze3A_450 = vector.extract %slice3A_449[0] : f32 from vector<1xf32>
        %slice3A_451 = vector.extract_strided_slice %get3A_120 {offsets = [3], sizes = [1], strides = [1]} : vector<16xf32> to vector<1xf32>
        %squeeze3A_452 = vector.extract %slice3A_451[0] : f32 from vector<1xf32>
        %slice3A_453 = vector.extract_strided_slice %get3A_125 {offsets = [3], sizes = [1], strides = [1]} : vector<16xf32> to vector<1xf32>
        %squeeze3A_454 = vector.extract %slice3A_453[0] : f32 from vector<1xf32>
        %get3A_455 = arith.index_cast %add3A_448 : i32 to index
        %get3A_456 = arith.constant 0 : index
        %get3A_457 = tpu.vector_load %arg9[%get3A_455, %get3A_456] {strides = array<i32>} : memref<128x64xf32, #tpu.memory_space<vmem>>, vector<1x16xf32>,
        %get3A_458 = vector.shape_cast %get3A_457 : vector<1x16xf32> to vector<16xf32>
        %mul3A_459 = vector.broadcast %squeeze3A_450 : f32 to vector<16xf32>
        %mul3A_460 = arith.mulf %get3A_458, %mul3A_459 : vector<16xf32>
        %get3A_461 = arith.index_cast %add3A_448 : i32 to index
        %get3A_462 = arith.constant 0 : index
        %get3A_463 = tpu.vector_load %arg10[%get3A_461, %get3A_462] {strides = array<i32>} : memref<128x64xf32, #tpu.memory_space<vmem>>, vector<1x16xf32>,
        %get3A_464 = vector.shape_cast %get3A_463 : vector<1x16xf32> to vector<16xf32>
        %mul3A_465 = vector.broadcast %squeeze3A_452 : f32 to vector<16xf32>
        %mul3A_466 = arith.mulf %get3A_464, %mul3A_465 : vector<16xf32>
        %add3A_467 = arith.addf %mul3A_460, %mul3A_466 : vector<16xf32>
        %get3A_468 = arith.index_cast %add3A_448 : i32 to index
        %get3A_469 = arith.constant 0 : index
        %get3A_470 = tpu.vector_load %arg11[%get3A_468, %get3A_469] {strides = array<i32>} : memref<128x64xf32, #tpu.memory_space<vmem>>, vector<1x16xf32>,
        %get3A_471 = vector.shape_cast %get3A_470 : vector<1x16xf32> to vector<16xf32>
        %mul3A_472 = vector.broadcast %squeeze3A_454 : f32 to vector<16xf32>
        %mul3A_473 = arith.mulf %get3A_471, %mul3A_472 : vector<16xf32>
        %add3A_474 = arith.addf %add3A_467, %mul3A_473 : vector<16xf32>
        %swap3A_475 = arith.index_cast %add3A_448 : i32 to index
        %swap3A_476 = arith.constant 0 : index
        %swap3A_477 = tpu.vector_load %arg13[%swap3A_475, %swap3A_476] {strides = array<i32>} : memref<128x64xf32, #tpu.memory_space<vmem>>, vector<1x16xf32>,
        %swap3A_478 = vector.shape_cast %swap3A_477 : vector<1x16xf32> to vector<16xf32>
        %swap3A_479 = vector.shape_cast %add3A_474 : vector<16xf32> to vector<1x16xf32>
        tpu.vector_store %arg13[%swap3A_475, %swap3A_476], %swap3A_479 {strides = array<i32>} : memref<128x64xf32, #tpu.memory_space<vmem>>, vector<1x16xf32>,
        %get3A_480 = arith.index_cast %add3A_448 : i32 to index
        %get3A_481 = arith.constant 16 : index
        %get3A_482 = tpu.vector_load %arg9[%get3A_480, %get3A_481] {strides = array<i32>} : memref<128x64xf32, #tpu.memory_space<vmem>>, vector<1x16xf32>,
        %get3A_483 = vector.shape_cast %get3A_482 : vector<1x16xf32> to vector<16xf32>
        %mul3A_484 = vector.broadcast %squeeze3A_450 : f32 to vector<16xf32>
        %mul3A_485 = arith.mulf %get3A_483, %mul3A_484 : vector<16xf32>
        %get3A_486 = arith.index_cast %add3A_448 : i32 to index
        %get3A_487 = arith.constant 16 : index
        %get3A_488 = tpu.vector_load %arg10[%get3A_486, %get3A_487] {strides = array<i32>} : memref<128x64xf32, #tpu.memory_space<vmem>>, vector<1x16xf32>,
        %get3A_489 = vector.shape_cast %get3A_488 : vector<1x16xf32> to vector<16xf32>
        %mul3A_490 = vector.broadcast %squeeze3A_452 : f32 to vector<16xf32>
        %mul3A_491 = arith.mulf %get3A_489, %mul3A_490 : vector<16xf32>
        %add3A_492 = arith.addf %mul3A_485, %mul3A_491 : vector<16xf32>
        %get3A_493 = arith.index_cast %add3A_448 : i32 to index
        %get3A_494 = arith.constant 16 : index
        %get3A_495 = tpu.vector_load %arg11[%get3A_493, %get3A_494] {strides = array<i32>} : memref<128x64xf32, #tpu.memory_space<vmem>>, vector<1x16xf32>,
        %get3A_496 = vector.shape_cast %get3A_495 : vector<1x16xf32> to vector<16xf32>
        %mul3A_497 = vector.broadcast %squeeze3A_454 : f32 to vector<16xf32>
        %mul3A_498 = arith.mulf %get3A_496, %mul3A_497 : vector<16xf32>
        %add3A_499 = arith.addf %add3A_492, %mul3A_498 : vector<16xf32>
        %swap3A_500 = arith.index_cast %add3A_448 : i32 to index
        %swap3A_501 = arith.constant 16 : index
        %swap3A_502 = tpu.vector_load %arg13[%swap3A_500, %swap3A_501] {strides = array<i32>} : memref<128x64xf32, #tpu.memory_space<vmem>>, vector<1x16xf32>,
        %swap3A_503 = vector.shape_cast %swap3A_502 : vector<1x16xf32> to vector<16xf32>
        %swap3A_504 = vector.shape_cast %add3A_499 : vector<16xf32> to vector<1x16xf32>
        tpu.vector_store %arg13[%swap3A_500, %swap3A_501], %swap3A_504 {strides = array<i32>} : memref<128x64xf32, #tpu.memory_space<vmem>>, vector<1x16xf32>,
        %get3A_505 = arith.index_cast %add3A_448 : i32 to index
        %get3A_506 = arith.constant 32 : index
        %get3A_507 = tpu.vector_load %arg9[%get3A_505, %get3A_506] {strides = array<i32>} : memref<128x64xf32, #tpu.memory_space<vmem>>, vector<1x16xf32>,
        %get3A_508 = vector.shape_cast %get3A_507 : vector<1x16xf32> to vector<16xf32>
        %mul3A_509 = vector.broadcast %squeeze3A_450 : f32 to vector<16xf32>
        %mul3A_510 = arith.mulf %get3A_508, %mul3A_509 : vector<16xf32>
        %get3A_511 = arith.index_cast %add3A_448 : i32 to index
        %get3A_512 = arith.constant 32 : index
        %get3A_513 = tpu.vector_load %arg10[%get3A_511, %get3A_512] {strides = array<i32>} : memref<128x64xf32, #tpu.memory_space<vmem>>, vector<1x16xf32>,
        %get3A_514 = vector.shape_cast %get3A_513 : vector<1x16xf32> to vector<16xf32>
        %mul3A_515 = vector.broadcast %squeeze3A_452 : f32 to vector<16xf32>
        %mul3A_516 = arith.mulf %get3A_514, %mul3A_515 : vector<16xf32>
        %add3A_517 = arith.addf %mul3A_510, %mul3A_516 : vector<16xf32>
        %get3A_518 = arith.index_cast %add3A_448 : i32 to index
        %get3A_519 = arith.constant 32 : index
        %get3A_520 = tpu.vector_load %arg11[%get3A_518, %get3A_519] {strides = array<i32>} : memref<128x64xf32, #tpu.memory_space<vmem>>, vector<1x16xf32>,
        %get3A_521 = vector.shape_cast %get3A_520 : vector<1x16xf32> to vector<16xf32>
        %mul3A_522 = vector.broadcast %squeeze3A_454 : f32 to vector<16xf32>
        %mul3A_523 = arith.mulf %get3A_521, %mul3A_522 : vector<16xf32>
        %add3A_524 = arith.addf %add3A_517, %mul3A_523 : vector<16xf32>
        %swap3A_525 = arith.index_cast %add3A_448 : i32 to index
        %swap3A_526 = arith.constant 32 : index
        %swap3A_527 = tpu.vector_load %arg13[%swap3A_525, %swap3A_526] {strides = array<i32>} : memref<128x64xf32, #tpu.memory_space<vmem>>, vector<1x16xf32>,
        %swap3A_528 = vector.shape_cast %swap3A_527 : vector<1x16xf32> to vector<16xf32>
        %swap3A_529 = vector.shape_cast %add3A_524 : vector<16xf32> to vector<1x16xf32>
        tpu.vector_store %arg13[%swap3A_525, %swap3A_526], %swap3A_529 {strides = array<i32>} : memref<128x64xf32, #tpu.memory_space<vmem>>, vector<1x16xf32>,
        %get3A_530 = arith.index_cast %add3A_448 : i32 to index
        %get3A_531 = arith.constant 48 : index
        %get3A_532 = tpu.vector_load %arg9[%get3A_530, %get3A_531] {strides = array<i32>} : memref<128x64xf32, #tpu.memory_space<vmem>>, vector<1x16xf32>,
        %get3A_533 = vector.shape_cast %get3A_532 : vector<1x16xf32> to vector<16xf32>
        %mul3A_534 = vector.broadcast %squeeze3A_450 : f32 to vector<16xf32>
        %mul3A_535 = arith.mulf %get3A_533, %mul3A_534 : vector<16xf32>
        %get3A_536 = arith.index_cast %add3A_448 : i32 to index
        %get3A_537 = arith.constant 48 : index
        %get3A_538 = tpu.vector_load %arg10[%get3A_536, %get3A_537] {strides = array<i32>} : memref<128x64xf32, #tpu.memory_space<vmem>>, vector<1x16xf32>,
        %get3A_539 = vector.shape_cast %get3A_538 : vector<1x16xf32> to vector<16xf32>
        %mul3A_540 = vector.broadcast %squeeze3A_452 : f32 to vector<16xf32>
        %mul3A_541 = arith.mulf %get3A_539, %mul3A_540 : vector<16xf32>
        %add3A_542 = arith.addf %mul3A_535, %mul3A_541 : vector<16xf32>
        %get3A_543 = arith.index_cast %add3A_448 : i32 to index
        %get3A_544 = arith.constant 48 : index
        %get3A_545 = tpu.vector_load %arg11[%get3A_543, %get3A_544] {strides = array<i32>} : memref<128x64xf32, #tpu.memory_space<vmem>>, vector<1x16xf32>,
        %get3A_546 = vector.shape_cast %get3A_545 : vector<1x16xf32> to vector<16xf32>
        %mul3A_547 = vector.broadcast %squeeze3A_454 : f32 to vector<16xf32>
        %mul3A_548 = arith.mulf %get3A_546, %mul3A_547 : vector<16xf32>
        %add3A_549 = arith.addf %add3A_542, %mul3A_548 : vector<16xf32>
        %swap3A_550 = arith.index_cast %add3A_448 : i32 to index
        %swap3A_551 = arith.constant 48 : index
        %swap3A_552 = tpu.vector_load %arg13[%swap3A_550, %swap3A_551] {strides = array<i32>} : memref<128x64xf32, #tpu.memory_space<vmem>>, vector<1x16xf32>,
        %swap3A_553 = vector.shape_cast %swap3A_552 : vector<1x16xf32> to vector<16xf32>
        %swap3A_554 = vector.shape_cast %add3A_549 : vector<16xf32> to vector<1x16xf32>
        tpu.vector_store %arg13[%swap3A_550, %swap3A_551], %swap3A_554 {strides = array<i32>} : memref<128x64xf32, #tpu.memory_space<vmem>>, vector<1x16xf32>,
        %add3A_555 = arith.constant 4 : i32
        %add3A_556 = arith.addi %multiple_of3A, %add3A_555 : i32
        %slice3A_557 = vector.extract_strided_slice %get3A_115 {offsets = [4], sizes = [1], strides = [1]} : vector<16xf32> to vector<1xf32>
        %squeeze3A_558 = vector.extract %slice3A_557[0] : f32 from vector<1xf32>
        %slice3A_559 = vector.extract_strided_slice %get3A_120 {offsets = [4], sizes = [1], strides = [1]} : vector<16xf32> to vector<1xf32>
        %squeeze3A_560 = vector.extract %slice3A_559[0] : f32 from vector<1xf32>
        %slice3A_561 = vector.extract_strided_slice %get3A_125 {offsets = [4], sizes = [1], strides = [1]} : vector<16xf32> to vector<1xf32>
        %squeeze3A_562 = vector.extract %slice3A_561[0] : f32 from vector<1xf32>
        %get3A_563 = arith.index_cast %add3A_556 : i32 to index
        %get3A_564 = arith.constant 0 : index
        %get3A_565 = tpu.vector_load %arg9[%get3A_563, %get3A_564] {strides = array<i32>} : memref<128x64xf32, #tpu.memory_space<vmem>>, vector<1x16xf32>,
        %get3A_566 = vector.shape_cast %get3A_565 : vector<1x16xf32> to vector<16xf32>
        %mul3A_567 = vector.broadcast %squeeze3A_558 : f32 to vector<16xf32>
        %mul3A_568 = arith.mulf %get3A_566, %mul3A_567 : vector<16xf32>
        %get3A_569 = arith.index_cast %add3A_556 : i32 to index
        %get3A_570 = arith.constant 0 : index
        %get3A_571 = tpu.vector_load %arg10[%get3A_569, %get3A_570] {strides = array<i32>} : memref<128x64xf32, #tpu.memory_space<vmem>>, vector<1x16xf32>,
        %get3A_572 = vector.shape_cast %get3A_571 : vector<1x16xf32> to vector<16xf32>
        %mul3A_573 = vector.broadcast %squeeze3A_560 : f32 to vector<16xf32>
        %mul3A_574 = arith.mulf %get3A_572, %mul3A_573 : vector<16xf32>
        %add3A_575 = arith.addf %mul3A_568, %mul3A_574 : vector<16xf32>
        %get3A_576 = arith.index_cast %add3A_556 : i32 to index
        %get3A_577 = arith.constant 0 : index
        %get3A_578 = tpu.vector_load %arg11[%get3A_576, %get3A_577] {strides = array<i32>} : memref<128x64xf32, #tpu.memory_space<vmem>>, vector<1x16xf32>,
        %get3A_579 = vector.shape_cast %get3A_578 : vector<1x16xf32> to vector<16xf32>
        %mul3A_580 = vector.broadcast %squeeze3A_562 : f32 to vector<16xf32>
        %mul3A_581 = arith.mulf %get3A_579, %mul3A_580 : vector<16xf32>
        %add3A_582 = arith.addf %add3A_575, %mul3A_581 : vector<16xf32>
        %swap3A_583 = arith.index_cast %add3A_556 : i32 to index
        %swap3A_584 = arith.constant 0 : index
        %swap3A_585 = tpu.vector_load %arg13[%swap3A_583, %swap3A_584] {strides = array<i32>} : memref<128x64xf32, #tpu.memory_space<vmem>>, vector<1x16xf32>,
        %swap3A_586 = vector.shape_cast %swap3A_585 : vector<1x16xf32> to vector<16xf32>
        %swap3A_587 = vector.shape_cast %add3A_582 : vector<16xf32> to vector<1x16xf32>
        tpu.vector_store %arg13[%swap3A_583, %swap3A_584], %swap3A_587 {strides = array<i32>} : memref<128x64xf32, #tpu.memory_space<vmem>>, vector<1x16xf32>,
        %get3A_588 = arith.index_cast %add3A_556 : i32 to index
        %get3A_589 = arith.constant 16 : index
        %get3A_590 = tpu.vector_load %arg9[%get3A_588, %get3A_589] {strides = array<i32>} : memref<128x64xf32, #tpu.memory_space<vmem>>, vector<1x16xf32>,
        %get3A_591 = vector.shape_cast %get3A_590 : vector<1x16xf32> to vector<16xf32>
        %mul3A_592 = vector.broadcast %squeeze3A_558 : f32 to vector<16xf32>
        %mul3A_593 = arith.mulf %get3A_591, %mul3A_592 : vector<16xf32>
        %get3A_594 = arith.index_cast %add3A_556 : i32 to index
        %get3A_595 = arith.constant 16 : index
        %get3A_596 = tpu.vector_load %arg10[%get3A_594, %get3A_595] {strides = array<i32>} : memref<128x64xf32, #tpu.memory_space<vmem>>, vector<1x16xf32>,
        %get3A_597 = vector.shape_cast %get3A_596 : vector<1x16xf32> to vector<16xf32>
        %mul3A_598 = vector.broadcast %squeeze3A_560 : f32 to vector<16xf32>
        %mul3A_599 = arith.mulf %get3A_597, %mul3A_598 : vector<16xf32>
        %add3A_600 = arith.addf %mul3A_593, %mul3A_599 : vector<16xf32>
        %get3A_601 = arith.index_cast %add3A_556 : i32 to index
        %get3A_602 = arith.constant 16 : index
        %get3A_603 = tpu.vector_load %arg11[%get3A_601, %get3A_602] {strides = array<i32>} : memref<128x64xf32, #tpu.memory_space<vmem>>, vector<1x16xf32>,
        %get3A_604 = vector.shape_cast %get3A_603 : vector<1x16xf32> to vector<16xf32>
        %mul3A_605 = vector.broadcast %squeeze3A_562 : f32 to vector<16xf32>
        %mul3A_606 = arith.mulf %get3A_604, %mul3A_605 : vector<16xf32>
        %add3A_607 = arith.addf %add3A_600, %mul3A_606 : vector<16xf32>
        %swap3A_608 = arith.index_cast %add3A_556 : i32 to index
        %swap3A_609 = arith.constant 16 : index
        %swap3A_610 = tpu.vector_load %arg13[%swap3A_608, %swap3A_609] {strides = array<i32>} : memref<128x64xf32, #tpu.memory_space<vmem>>, vector<1x16xf32>,
        %swap3A_611 = vector.shape_cast %swap3A_610 : vector<1x16xf32> to vector<16xf32>
        %swap3A_612 = vector.shape_cast %add3A_607 : vector<16xf32> to vector<1x16xf32>
        tpu.vector_store %arg13[%swap3A_608, %swap3A_609], %swap3A_612 {strides = array<i32>} : memref<128x64xf32, #tpu.memory_space<vmem>>, vector<1x16xf32>,
        %get3A_613 = arith.index_cast %add3A_556 : i32 to index
        %get3A_614 = arith.constant 32 : index
        %get3A_615 = tpu.vector_load %arg9[%get3A_613, %get3A_614] {strides = array<i32>} : memref<128x64xf32, #tpu.memory_space<vmem>>, vector<1x16xf32>,
        %get3A_616 = vector.shape_cast %get3A_615 : vector<1x16xf32> to vector<16xf32>
        %mul3A_617 = vector.broadcast %squeeze3A_558 : f32 to vector<16xf32>
        %mul3A_618 = arith.mulf %get3A_616, %mul3A_617 : vector<16xf32>
        %get3A_619 = arith.index_cast %add3A_556 : i32 to index
        %get3A_620 = arith.constant 32 : index
        %get3A_621 = tpu.vector_load %arg10[%get3A_619, %get3A_620] {strides = array<i32>} : memref<128x64xf32, #tpu.memory_space<vmem>>, vector<1x16xf32>,
        %get3A_622 = vector.shape_cast %get3A_621 : vector<1x16xf32> to vector<16xf32>
        %mul3A_623 = vector.broadcast %squeeze3A_560 : f32 to vector<16xf32>
        %mul3A_624 = arith.mulf %get3A_622, %mul3A_623 : vector<16xf32>
        %add3A_625 = arith.addf %mul3A_618, %mul3A_624 : vector<16xf32>
        %get3A_626 = arith.index_cast %add3A_556 : i32 to index
        %get3A_627 = arith.constant 32 : index
        %get3A_628 = tpu.vector_load %arg11[%get3A_626, %get3A_627] {strides = array<i32>} : memref<128x64xf32, #tpu.memory_space<vmem>>, vector<1x16xf32>,
        %get3A_629 = vector.shape_cast %get3A_628 : vector<1x16xf32> to vector<16xf32>
        %mul3A_630 = vector.broadcast %squeeze3A_562 : f32 to vector<16xf32>
        %mul3A_631 = arith.mulf %get3A_629, %mul3A_630 : vector<16xf32>
        %add3A_632 = arith.addf %add3A_625, %mul3A_631 : vector<16xf32>
        %swap3A_633 = arith.index_cast %add3A_556 : i32 to index
        %swap3A_634 = arith.constant 32 : index
        %swap3A_635 = tpu.vector_load %arg13[%swap3A_633, %swap3A_634] {strides = array<i32>} : memref<128x64xf32, #tpu.memory_space<vmem>>, vector<1x16xf32>,
        %swap3A_636 = vector.shape_cast %swap3A_635 : vector<1x16xf32> to vector<16xf32>
        %swap3A_637 = vector.shape_cast %add3A_632 : vector<16xf32> to vector<1x16xf32>
        tpu.vector_store %arg13[%swap3A_633, %swap3A_634], %swap3A_637 {strides = array<i32>} : memref<128x64xf32, #tpu.memory_space<vmem>>, vector<1x16xf32>,
        %get3A_638 = arith.index_cast %add3A_556 : i32 to index
        %get3A_639 = arith.constant 48 : index
        %get3A_640 = tpu.vector_load %arg9[%get3A_638, %get3A_639] {strides = array<i32>} : memref<128x64xf32, #tpu.memory_space<vmem>>, vector<1x16xf32>,
        %get3A_641 = vector.shape_cast %get3A_640 : vector<1x16xf32> to vector<16xf32>
        %mul3A_642 = vector.broadcast %squeeze3A_558 : f32 to vector<16xf32>
        %mul3A_643 = arith.mulf %get3A_641, %mul3A_642 : vector<16xf32>
        %get3A_644 = arith.index_cast %add3A_556 : i32 to index
        %get3A_645 = arith.constant 48 : index
        %get3A_646 = tpu.vector_load %arg10[%get3A_644, %get3A_645] {strides = array<i32>} : memref<128x64xf32, #tpu.memory_space<vmem>>, vector<1x16xf32>,
        %get3A_647 = vector.shape_cast %get3A_646 : vector<1x16xf32> to vector<16xf32>
        %mul3A_648 = vector.broadcast %squeeze3A_560 : f32 to vector<16xf32>
        %mul3A_649 = arith.mulf %get3A_647, %mul3A_648 : vector<16xf32>
        %add3A_650 = arith.addf %mul3A_643, %mul3A_649 : vector<16xf32>
        %get3A_651 = arith.index_cast %add3A_556 : i32 to index
        %get3A_652 = arith.constant 48 : index
        %get3A_653 = tpu.vector_load %arg11[%get3A_651, %get3A_652] {strides = array<i32>} : memref<128x64xf32, #tpu.memory_space<vmem>>, vector<1x16xf32>,
        %get3A_654 = vector.shape_cast %get3A_653 : vector<1x16xf32> to vector<16xf32>
        %mul3A_655 = vector.broadcast %squeeze3A_562 : f32 to vector<16xf32>
        %mul3A_656 = arith.mulf %get3A_654, %mul3A_655 : vector<16xf32>
        %add3A_657 = arith.addf %add3A_650, %mul3A_656 : vector<16xf32>
        %swap3A_658 = arith.index_cast %add3A_556 : i32 to index
        %swap3A_659 = arith.constant 48 : index
        %swap3A_660 = tpu.vector_load %arg13[%swap3A_658, %swap3A_659] {strides = array<i32>} : memref<128x64xf32, #tpu.memory_space<vmem>>, vector<1x16xf32>,
        %swap3A_661 = vector.shape_cast %swap3A_660 : vector<1x16xf32> to vector<16xf32>
        %swap3A_662 = vector.shape_cast %add3A_657 : vector<16xf32> to vector<1x16xf32>
        tpu.vector_store %arg13[%swap3A_658, %swap3A_659], %swap3A_662 {strides = array<i32>} : memref<128x64xf32, #tpu.memory_space<vmem>>, vector<1x16xf32>,
        %add3A_663 = arith.constant 5 : i32
        %add3A_664 = arith.addi %multiple_of3A, %add3A_663 : i32
        %slice3A_665 = vector.extract_strided_slice %get3A_115 {offsets = [5], sizes = [1], strides = [1]} : vector<16xf32> to vector<1xf32>
        %squeeze3A_666 = vector.extract %slice3A_665[0] : f32 from vector<1xf32>
        %slice3A_667 = vector.extract_strided_slice %get3A_120 {offsets = [5], sizes = [1], strides = [1]} : vector<16xf32> to vector<1xf32>
        %squeeze3A_668 = vector.extract %slice3A_667[0] : f32 from vector<1xf32>
        %slice3A_669 = vector.extract_strided_slice %get3A_125 {offsets = [5], sizes = [1], strides = [1]} : vector<16xf32> to vector<1xf32>
        %squeeze3A_670 = vector.extract %slice3A_669[0] : f32 from vector<1xf32>
        %get3A_671 = arith.index_cast %add3A_664 : i32 to index
        %get3A_672 = arith.constant 0 : index
        %get3A_673 = tpu.vector_load %arg9[%get3A_671, %get3A_672] {strides = array<i32>} : memref<128x64xf32, #tpu.memory_space<vmem>>, vector<1x16xf32>,
        %get3A_674 = vector.shape_cast %get3A_673 : vector<1x16xf32> to vector<16xf32>
        %mul3A_675 = vector.broadcast %squeeze3A_666 : f32 to vector<16xf32>
        %mul3A_676 = arith.mulf %get3A_674, %mul3A_675 : vector<16xf32>
        %get3A_677 = arith.index_cast %add3A_664 : i32 to index
        %get3A_678 = arith.constant 0 : index
        %get3A_679 = tpu.vector_load %arg10[%get3A_677, %get3A_678] {strides = array<i32>} : memref<128x64xf32, #tpu.memory_space<vmem>>, vector<1x16xf32>,
        %get3A_680 = vector.shape_cast %get3A_679 : vector<1x16xf32> to vector<16xf32>
        %mul3A_681 = vector.broadcast %squeeze3A_668 : f32 to vector<16xf32>
        %mul3A_682 = arith.mulf %get3A_680, %mul3A_681 : vector<16xf32>
        %add3A_683 = arith.addf %mul3A_676, %mul3A_682 : vector<16xf32>
        %get3A_684 = arith.index_cast %add3A_664 : i32 to index
        %get3A_685 = arith.constant 0 : index
        %get3A_686 = tpu.vector_load %arg11[%get3A_684, %get3A_685] {strides = array<i32>} : memref<128x64xf32, #tpu.memory_space<vmem>>, vector<1x16xf32>,
        %get3A_687 = vector.shape_cast %get3A_686 : vector<1x16xf32> to vector<16xf32>
        %mul3A_688 = vector.broadcast %squeeze3A_670 : f32 to vector<16xf32>
        %mul3A_689 = arith.mulf %get3A_687, %mul3A_688 : vector<16xf32>
        %add3A_690 = arith.addf %add3A_683, %mul3A_689 : vector<16xf32>
        %swap3A_691 = arith.index_cast %add3A_664 : i32 to index
        %swap3A_692 = arith.constant 0 : index
        %swap3A_693 = tpu.vector_load %arg13[%swap3A_691, %swap3A_692] {strides = array<i32>} : memref<128x64xf32, #tpu.memory_space<vmem>>, vector<1x16xf32>,
        %swap3A_694 = vector.shape_cast %swap3A_693 : vector<1x16xf32> to vector<16xf32>
        %swap3A_695 = vector.shape_cast %add3A_690 : vector<16xf32> to vector<1x16xf32>
        tpu.vector_store %arg13[%swap3A_691, %swap3A_692], %swap3A_695 {strides = array<i32>} : memref<128x64xf32, #tpu.memory_space<vmem>>, vector<1x16xf32>,
        %get3A_696 = arith.index_cast %add3A_664 : i32 to index
        %get3A_697 = arith.constant 16 : index
        %get3A_698 = tpu.vector_load %arg9[%get3A_696, %get3A_697] {strides = array<i32>} : memref<128x64xf32, #tpu.memory_space<vmem>>, vector<1x16xf32>,
        %get3A_699 = vector.shape_cast %get3A_698 : vector<1x16xf32> to vector<16xf32>
        %mul3A_700 = vector.broadcast %squeeze3A_666 : f32 to vector<16xf32>
        %mul3A_701 = arith.mulf %get3A_699, %mul3A_700 : vector<16xf32>
        %get3A_702 = arith.index_cast %add3A_664 : i32 to index
        %get3A_703 = arith.constant 16 : index
        %get3A_704 = tpu.vector_load %arg10[%get3A_702, %get3A_703] {strides = array<i32>} : memref<128x64xf32, #tpu.memory_space<vmem>>, vector<1x16xf32>,
        %get3A_705 = vector.shape_cast %get3A_704 : vector<1x16xf32> to vector<16xf32>
        %mul3A_706 = vector.broadcast %squeeze3A_668 : f32 to vector<16xf32>
        %mul3A_707 = arith.mulf %get3A_705, %mul3A_706 : vector<16xf32>
        %add3A_708 = arith.addf %mul3A_701, %mul3A_707 : vector<16xf32>
        %get3A_709 = arith.index_cast %add3A_664 : i32 to index
        %get3A_710 = arith.constant 16 : index
        %get3A_711 = tpu.vector_load %arg11[%get3A_709, %get3A_710] {strides = array<i32>} : memref<128x64xf32, #tpu.memory_space<vmem>>, vector<1x16xf32>,
        %get3A_712 = vector.shape_cast %get3A_711 : vector<1x16xf32> to vector<16xf32>
        %mul3A_713 = vector.broadcast %squeeze3A_670 : f32 to vector<16xf32>
        %mul3A_714 = arith.mulf %get3A_712, %mul3A_713 : vector<16xf32>
        %add3A_715 = arith.addf %add3A_708, %mul3A_714 : vector<16xf32>
        %swap3A_716 = arith.index_cast %add3A_664 : i32 to index
        %swap3A_717 = arith.constant 16 : index
        %swap3A_718 = tpu.vector_load %arg13[%swap3A_716, %swap3A_717] {strides = array<i32>} : memref<128x64xf32, #tpu.memory_space<vmem>>, vector<1x16xf32>,
        %swap3A_719 = vector.shape_cast %swap3A_718 : vector<1x16xf32> to vector<16xf32>
        %swap3A_720 = vector.shape_cast %add3A_715 : vector<16xf32> to vector<1x16xf32>
        tpu.vector_store %arg13[%swap3A_716, %swap3A_717], %swap3A_720 {strides = array<i32>} : memref<128x64xf32, #tpu.memory_space<vmem>>, vector<1x16xf32>,
        %get3A_721 = arith.index_cast %add3A_664 : i32 to index
        %get3A_722 = arith.constant 32 : index
        %get3A_723 = tpu.vector_load %arg9[%get3A_721, %get3A_722] {strides = array<i32>} : memref<128x64xf32, #tpu.memory_space<vmem>>, vector<1x16xf32>,
        %get3A_724 = vector.shape_cast %get3A_723 : vector<1x16xf32> to vector<16xf32>
        %mul3A_725 = vector.broadcast %squeeze3A_666 : f32 to vector<16xf32>
        %mul3A_726 = arith.mulf %get3A_724, %mul3A_725 : vector<16xf32>
        %get3A_727 = arith.index_cast %add3A_664 : i32 to index
        %get3A_728 = arith.constant 32 : index
        %get3A_729 = tpu.vector_load %arg10[%get3A_727, %get3A_728] {strides = array<i32>} : memref<128x64xf32, #tpu.memory_space<vmem>>, vector<1x16xf32>,
        %get3A_730 = vector.shape_cast %get3A_729 : vector<1x16xf32> to vector<16xf32>
        %mul3A_731 = vector.broadcast %squeeze3A_668 : f32 to vector<16xf32>
        %mul3A_732 = arith.mulf %get3A_730, %mul3A_731 : vector<16xf32>
        %add3A_733 = arith.addf %mul3A_726, %mul3A_732 : vector<16xf32>
        %get3A_734 = arith.index_cast %add3A_664 : i32 to index
        %get3A_735 = arith.constant 32 : index
        %get3A_736 = tpu.vector_load %arg11[%get3A_734, %get3A_735] {strides = array<i32>} : memref<128x64xf32, #tpu.memory_space<vmem>>, vector<1x16xf32>,
        %get3A_737 = vector.shape_cast %get3A_736 : vector<1x16xf32> to vector<16xf32>
        %mul3A_738 = vector.broadcast %squeeze3A_670 : f32 to vector<16xf32>
        %mul3A_739 = arith.mulf %get3A_737, %mul3A_738 : vector<16xf32>
        %add3A_740 = arith.addf %add3A_733, %mul3A_739 : vector<16xf32>
        %swap3A_741 = arith.index_cast %add3A_664 : i32 to index
        %swap3A_742 = arith.constant 32 : index
        %swap3A_743 = tpu.vector_load %arg13[%swap3A_741, %swap3A_742] {strides = array<i32>} : memref<128x64xf32, #tpu.memory_space<vmem>>, vector<1x16xf32>,
        %swap3A_744 = vector.shape_cast %swap3A_743 : vector<1x16xf32> to vector<16xf32>
        %swap3A_745 = vector.shape_cast %add3A_740 : vector<16xf32> to vector<1x16xf32>
        tpu.vector_store %arg13[%swap3A_741, %swap3A_742], %swap3A_745 {strides = array<i32>} : memref<128x64xf32, #tpu.memory_space<vmem>>, vector<1x16xf32>,
        %get3A_746 = arith.index_cast %add3A_664 : i32 to index
        %get3A_747 = arith.constant 48 : index
        %get3A_748 = tpu.vector_load %arg9[%get3A_746, %get3A_747] {strides = array<i32>} : memref<128x64xf32, #tpu.memory_space<vmem>>, vector<1x16xf32>,
        %get3A_749 = vector.shape_cast %get3A_748 : vector<1x16xf32> to vector<16xf32>
        %mul3A_750 = vector.broadcast %squeeze3A_666 : f32 to vector<16xf32>
        %mul3A_751 = arith.mulf %get3A_749, %mul3A_750 : vector<16xf32>
        %get3A_752 = arith.index_cast %add3A_664 : i32 to index
        %get3A_753 = arith.constant 48 : index
        %get3A_754 = tpu.vector_load %arg10[%get3A_752, %get3A_753] {strides = array<i32>} : memref<128x64xf32, #tpu.memory_space<vmem>>, vector<1x16xf32>,
        %get3A_755 = vector.shape_cast %get3A_754 : vector<1x16xf32> to vector<16xf32>
        %mul3A_756 = vector.broadcast %squeeze3A_668 : f32 to vector<16xf32>
        %mul3A_757 = arith.mulf %get3A_755, %mul3A_756 : vector<16xf32>
        %add3A_758 = arith.addf %mul3A_751, %mul3A_757 : vector<16xf32>
        %get3A_759 = arith.index_cast %add3A_664 : i32 to index
        %get3A_760 = arith.constant 48 : index
        %get3A_761 = tpu.vector_load %arg11[%get3A_759, %get3A_760] {strides = array<i32>} : memref<128x64xf32, #tpu.memory_space<vmem>>, vector<1x16xf32>,
        %get3A_762 = vector.shape_cast %get3A_761 : vector<1x16xf32> to vector<16xf32>
        %mul3A_763 = vector.broadcast %squeeze3A_670 : f32 to vector<16xf32>
        %mul3A_764 = arith.mulf %get3A_762, %mul3A_763 : vector<16xf32>
        %add3A_765 = arith.addf %add3A_758, %mul3A_764 : vector<16xf32>
        %swap3A_766 = arith.index_cast %add3A_664 : i32 to index
        %swap3A_767 = arith.constant 48 : index
        %swap3A_768 = tpu.vector_load %arg13[%swap3A_766, %swap3A_767] {strides = array<i32>} : memref<128x64xf32, #tpu.memory_space<vmem>>, vector<1x16xf32>,
        %swap3A_769 = vector.shape_cast %swap3A_768 : vector<1x16xf32> to vector<16xf32>
        %swap3A_770 = vector.shape_cast %add3A_765 : vector<16xf32> to vector<1x16xf32>
        tpu.vector_store %arg13[%swap3A_766, %swap3A_767], %swap3A_770 {strides = array<i32>} : memref<128x64xf32, #tpu.memory_space<vmem>>, vector<1x16xf32>,
        %add3A_771 = arith.constant 6 : i32
        %add3A_772 = arith.addi %multiple_of3A, %add3A_771 : i32
        %slice3A_773 = vector.extract_strided_slice %get3A_115 {offsets = [6], sizes = [1], strides = [1]} : vector<16xf32> to vector<1xf32>
        %squeeze3A_774 = vector.extract %slice3A_773[0] : f32 from vector<1xf32>
        %slice3A_775 = vector.extract_strided_slice %get3A_120 {offsets = [6], sizes = [1], strides = [1]} : vector<16xf32> to vector<1xf32>
        %squeeze3A_776 = vector.extract %slice3A_775[0] : f32 from vector<1xf32>
        %slice3A_777 = vector.extract_strided_slice %get3A_125 {offsets = [6], sizes = [1], strides = [1]} : vector<16xf32> to vector<1xf32>
        %squeeze3A_778 = vector.extract %slice3A_777[0] : f32 from vector<1xf32>
        %get3A_779 = arith.index_cast %add3A_772 : i32 to index
        %get3A_780 = arith.constant 0 : index
        %get3A_781 = tpu.vector_load %arg9[%get3A_779, %get3A_780] {strides = array<i32>} : memref<128x64xf32, #tpu.memory_space<vmem>>, vector<1x16xf32>,
        %get3A_782 = vector.shape_cast %get3A_781 : vector<1x16xf32> to vector<16xf32>
        %mul3A_783 = vector.broadcast %squeeze3A_774 : f32 to vector<16xf32>
        %mul3A_784 = arith.mulf %get3A_782, %mul3A_783 : vector<16xf32>
        %get3A_785 = arith.index_cast %add3A_772 : i32 to index
        %get3A_786 = arith.constant 0 : index
        %get3A_787 = tpu.vector_load %arg10[%get3A_785, %get3A_786] {strides = array<i32>} : memref<128x64xf32, #tpu.memory_space<vmem>>, vector<1x16xf32>,
        %get3A_788 = vector.shape_cast %get3A_787 : vector<1x16xf32> to vector<16xf32>
        %mul3A_789 = vector.broadcast %squeeze3A_776 : f32 to vector<16xf32>
        %mul3A_790 = arith.mulf %get3A_788, %mul3A_789 : vector<16xf32>
        %add3A_791 = arith.addf %mul3A_784, %mul3A_790 : vector<16xf32>
        %get3A_792 = arith.index_cast %add3A_772 : i32 to index
        %get3A_793 = arith.constant 0 : index
        %get3A_794 = tpu.vector_load %arg11[%get3A_792, %get3A_793] {strides = array<i32>} : memref<128x64xf32, #tpu.memory_space<vmem>>, vector<1x16xf32>,
        %get3A_795 = vector.shape_cast %get3A_794 : vector<1x16xf32> to vector<16xf32>
        %mul3A_796 = vector.broadcast %squeeze3A_778 : f32 to vector<16xf32>
        %mul3A_797 = arith.mulf %get3A_795, %mul3A_796 : vector<16xf32>
        %add3A_798 = arith.addf %add3A_791, %mul3A_797 : vector<16xf32>
        %swap3A_799 = arith.index_cast %add3A_772 : i32 to index
        %swap3A_800 = arith.constant 0 : index
        %swap3A_801 = tpu.vector_load %arg13[%swap3A_799, %swap3A_800] {strides = array<i32>} : memref<128x64xf32, #tpu.memory_space<vmem>>, vector<1x16xf32>,
        %swap3A_802 = vector.shape_cast %swap3A_801 : vector<1x16xf32> to vector<16xf32>
        %swap3A_803 = vector.shape_cast %add3A_798 : vector<16xf32> to vector<1x16xf32>
        tpu.vector_store %arg13[%swap3A_799, %swap3A_800], %swap3A_803 {strides = array<i32>} : memref<128x64xf32, #tpu.memory_space<vmem>>, vector<1x16xf32>,
        %get3A_804 = arith.index_cast %add3A_772 : i32 to index
        %get3A_805 = arith.constant 16 : index
        %get3A_806 = tpu.vector_load %arg9[%get3A_804, %get3A_805] {strides = array<i32>} : memref<128x64xf32, #tpu.memory_space<vmem>>, vector<1x16xf32>,
        %get3A_807 = vector.shape_cast %get3A_806 : vector<1x16xf32> to vector<16xf32>
        %mul3A_808 = vector.broadcast %squeeze3A_774 : f32 to vector<16xf32>
        %mul3A_809 = arith.mulf %get3A_807, %mul3A_808 : vector<16xf32>
        %get3A_810 = arith.index_cast %add3A_772 : i32 to index
        %get3A_811 = arith.constant 16 : index
        %get3A_812 = tpu.vector_load %arg10[%get3A_810, %get3A_811] {strides = array<i32>} : memref<128x64xf32, #tpu.memory_space<vmem>>, vector<1x16xf32>,
        %get3A_813 = vector.shape_cast %get3A_812 : vector<1x16xf32> to vector<16xf32>
        %mul3A_814 = vector.broadcast %squeeze3A_776 : f32 to vector<16xf32>
        %mul3A_815 = arith.mulf %get3A_813, %mul3A_814 : vector<16xf32>
        %add3A_816 = arith.addf %mul3A_809, %mul3A_815 : vector<16xf32>
        %get3A_817 = arith.index_cast %add3A_772 : i32 to index
        %get3A_818 = arith.constant 16 : index
        %get3A_819 = tpu.vector_load %arg11[%get3A_817, %get3A_818] {strides = array<i32>} : memref<128x64xf32, #tpu.memory_space<vmem>>, vector<1x16xf32>,
        %get3A_820 = vector.shape_cast %get3A_819 : vector<1x16xf32> to vector<16xf32>
        %mul3A_821 = vector.broadcast %squeeze3A_778 : f32 to vector<16xf32>
        %mul3A_822 = arith.mulf %get3A_820, %mul3A_821 : vector<16xf32>
        %add3A_823 = arith.addf %add3A_816, %mul3A_822 : vector<16xf32>
        %swap3A_824 = arith.index_cast %add3A_772 : i32 to index
        %swap3A_825 = arith.constant 16 : index
        %swap3A_826 = tpu.vector_load %arg13[%swap3A_824, %swap3A_825] {strides = array<i32>} : memref<128x64xf32, #tpu.memory_space<vmem>>, vector<1x16xf32>,
        %swap3A_827 = vector.shape_cast %swap3A_826 : vector<1x16xf32> to vector<16xf32>
        %swap3A_828 = vector.shape_cast %add3A_823 : vector<16xf32> to vector<1x16xf32>
        tpu.vector_store %arg13[%swap3A_824, %swap3A_825], %swap3A_828 {strides = array<i32>} : memref<128x64xf32, #tpu.memory_space<vmem>>, vector<1x16xf32>,
        %get3A_829 = arith.index_cast %add3A_772 : i32 to index
        %get3A_830 = arith.constant 32 : index
        %get3A_831 = tpu.vector_load %arg9[%get3A_829, %get3A_830] {strides = array<i32>} : memref<128x64xf32, #tpu.memory_space<vmem>>, vector<1x16xf32>,
        %get3A_832 = vector.shape_cast %get3A_831 : vector<1x16xf32> to vector<16xf32>
        %mul3A_833 = vector.broadcast %squeeze3A_774 : f32 to vector<16xf32>
        %mul3A_834 = arith.mulf %get3A_832, %mul3A_833 : vector<16xf32>
        %get3A_835 = arith.index_cast %add3A_772 : i32 to index
        %get3A_836 = arith.constant 32 : index
        %get3A_837 = tpu.vector_load %arg10[%get3A_835, %get3A_836] {strides = array<i32>} : memref<128x64xf32, #tpu.memory_space<vmem>>, vector<1x16xf32>,
        %get3A_838 = vector.shape_cast %get3A_837 : vector<1x16xf32> to vector<16xf32>
        %mul3A_839 = vector.broadcast %squeeze3A_776 : f32 to vector<16xf32>
        %mul3A_840 = arith.mulf %get3A_838, %mul3A_839 : vector<16xf32>
        %add3A_841 = arith.addf %mul3A_834, %mul3A_840 : vector<16xf32>
        %get3A_842 = arith.index_cast %add3A_772 : i32 to index
        %get3A_843 = arith.constant 32 : index
        %get3A_844 = tpu.vector_load %arg11[%get3A_842, %get3A_843] {strides = array<i32>} : memref<128x64xf32, #tpu.memory_space<vmem>>, vector<1x16xf32>,
        %get3A_845 = vector.shape_cast %get3A_844 : vector<1x16xf32> to vector<16xf32>
        %mul3A_846 = vector.broadcast %squeeze3A_778 : f32 to vector<16xf32>
        %mul3A_847 = arith.mulf %get3A_845, %mul3A_846 : vector<16xf32>
        %add3A_848 = arith.addf %add3A_841, %mul3A_847 : vector<16xf32>
        %swap3A_849 = arith.index_cast %add3A_772 : i32 to index
        %swap3A_850 = arith.constant 32 : index
        %swap3A_851 = tpu.vector_load %arg13[%swap3A_849, %swap3A_850] {strides = array<i32>} : memref<128x64xf32, #tpu.memory_space<vmem>>, vector<1x16xf32>,
        %swap3A_852 = vector.shape_cast %swap3A_851 : vector<1x16xf32> to vector<16xf32>
        %swap3A_853 = vector.shape_cast %add3A_848 : vector<16xf32> to vector<1x16xf32>
        tpu.vector_store %arg13[%swap3A_849, %swap3A_850], %swap3A_853 {strides = array<i32>} : memref<128x64xf32, #tpu.memory_space<vmem>>, vector<1x16xf32>,
        %get3A_854 = arith.index_cast %add3A_772 : i32 to index
        %get3A_855 = arith.constant 48 : index
        %get3A_856 = tpu.vector_load %arg9[%get3A_854, %get3A_855] {strides = array<i32>} : memref<128x64xf32, #tpu.memory_space<vmem>>, vector<1x16xf32>,
        %get3A_857 = vector.shape_cast %get3A_856 : vector<1x16xf32> to vector<16xf32>
        %mul3A_858 = vector.broadcast %squeeze3A_774 : f32 to vector<16xf32>
        %mul3A_859 = arith.mulf %get3A_857, %mul3A_858 : vector<16xf32>
        %get3A_860 = arith.index_cast %add3A_772 : i32 to index
        %get3A_861 = arith.constant 48 : index
        %get3A_862 = tpu.vector_load %arg10[%get3A_860, %get3A_861] {strides = array<i32>} : memref<128x64xf32, #tpu.memory_space<vmem>>, vector<1x16xf32>,
        %get3A_863 = vector.shape_cast %get3A_862 : vector<1x16xf32> to vector<16xf32>
        %mul3A_864 = vector.broadcast %squeeze3A_776 : f32 to vector<16xf32>
        %mul3A_865 = arith.mulf %get3A_863, %mul3A_864 : vector<16xf32>
        %add3A_866 = arith.addf %mul3A_859, %mul3A_865 : vector<16xf32>
        %get3A_867 = arith.index_cast %add3A_772 : i32 to index
        %get3A_868 = arith.constant 48 : index
        %get3A_869 = tpu.vector_load %arg11[%get3A_867, %get3A_868] {strides = array<i32>} : memref<128x64xf32, #tpu.memory_space<vmem>>, vector<1x16xf32>,
        %get3A_870 = vector.shape_cast %get3A_869 : vector<1x16xf32> to vector<16xf32>
        %mul3A_871 = vector.broadcast %squeeze3A_778 : f32 to vector<16xf32>
        %mul3A_872 = arith.mulf %get3A_870, %mul3A_871 : vector<16xf32>
        %add3A_873 = arith.addf %add3A_866, %mul3A_872 : vector<16xf32>
        %swap3A_874 = arith.index_cast %add3A_772 : i32 to index
        %swap3A_875 = arith.constant 48 : index
        %swap3A_876 = tpu.vector_load %arg13[%swap3A_874, %swap3A_875] {strides = array<i32>} : memref<128x64xf32, #tpu.memory_space<vmem>>, vector<1x16xf32>,
        %swap3A_877 = vector.shape_cast %swap3A_876 : vector<1x16xf32> to vector<16xf32>
        %swap3A_878 = vector.shape_cast %add3A_873 : vector<16xf32> to vector<1x16xf32>
        tpu.vector_store %arg13[%swap3A_874, %swap3A_875], %swap3A_878 {strides = array<i32>} : memref<128x64xf32, #tpu.memory_space<vmem>>, vector<1x16xf32>,
        %add3A_879 = arith.constant 7 : i32
        %add3A_880 = arith.addi %multiple_of3A, %add3A_879 : i32
        %slice3A_881 = vector.extract_strided_slice %get3A_115 {offsets = [7], sizes = [1], strides = [1]} : vector<16xf32> to vector<1xf32>
        %squeeze3A_882 = vector.extract %slice3A_881[0] : f32 from vector<1xf32>
        %slice3A_883 = vector.extract_strided_slice %get3A_120 {offsets = [7], sizes = [1], strides = [1]} : vector<16xf32> to vector<1xf32>
        %squeeze3A_884 = vector.extract %slice3A_883[0] : f32 from vector<1xf32>
        %slice3A_885 = vector.extract_strided_slice %get3A_125 {offsets = [7], sizes = [1], strides = [1]} : vector<16xf32> to vector<1xf32>
        %squeeze3A_886 = vector.extract %slice3A_885[0] : f32 from vector<1xf32>
        %get3A_887 = arith.index_cast %add3A_880 : i32 to index
        %get3A_888 = arith.constant 0 : index
        %get3A_889 = tpu.vector_load %arg9[%get3A_887, %get3A_888] {strides = array<i32>} : memref<128x64xf32, #tpu.memory_space<vmem>>, vector<1x16xf32>,
        %get3A_890 = vector.shape_cast %get3A_889 : vector<1x16xf32> to vector<16xf32>
        %mul3A_891 = vector.broadcast %squeeze3A_882 : f32 to vector<16xf32>
        %mul3A_892 = arith.mulf %get3A_890, %mul3A_891 : vector<16xf32>
        %get3A_893 = arith.index_cast %add3A_880 : i32 to index
        %get3A_894 = arith.constant 0 : index
        %get3A_895 = tpu.vector_load %arg10[%get3A_893, %get3A_894] {strides = array<i32>} : memref<128x64xf32, #tpu.memory_space<vmem>>, vector<1x16xf32>,
        %get3A_896 = vector.shape_cast %get3A_895 : vector<1x16xf32> to vector<16xf32>
        %mul3A_897 = vector.broadcast %squeeze3A_884 : f32 to vector<16xf32>
        %mul3A_898 = arith.mulf %get3A_896, %mul3A_897 : vector<16xf32>
        %add3A_899 = arith.addf %mul3A_892, %mul3A_898 : vector<16xf32>
        %get3A_900 = arith.index_cast %add3A_880 : i32 to index
        %get3A_901 = arith.constant 0 : index
        %get3A_902 = tpu.vector_load %arg11[%get3A_900, %get3A_901] {strides = array<i32>} : memref<128x64xf32, #tpu.memory_space<vmem>>, vector<1x16xf32>,
        %get3A_903 = vector.shape_cast %get3A_902 : vector<1x16xf32> to vector<16xf32>
        %mul3A_904 = vector.broadcast %squeeze3A_886 : f32 to vector<16xf32>
        %mul3A_905 = arith.mulf %get3A_903, %mul3A_904 : vector<16xf32>
        %add3A_906 = arith.addf %add3A_899, %mul3A_905 : vector<16xf32>
        %swap3A_907 = arith.index_cast %add3A_880 : i32 to index
        %swap3A_908 = arith.constant 0 : index
        %swap3A_909 = tpu.vector_load %arg13[%swap3A_907, %swap3A_908] {strides = array<i32>} : memref<128x64xf32, #tpu.memory_space<vmem>>, vector<1x16xf32>,
        %swap3A_910 = vector.shape_cast %swap3A_909 : vector<1x16xf32> to vector<16xf32>
        %swap3A_911 = vector.shape_cast %add3A_906 : vector<16xf32> to vector<1x16xf32>
        tpu.vector_store %arg13[%swap3A_907, %swap3A_908], %swap3A_911 {strides = array<i32>} : memref<128x64xf32, #tpu.memory_space<vmem>>, vector<1x16xf32>,
        %get3A_912 = arith.index_cast %add3A_880 : i32 to index
        %get3A_913 = arith.constant 16 : index
        %get3A_914 = tpu.vector_load %arg9[%get3A_912, %get3A_913] {strides = array<i32>} : memref<128x64xf32, #tpu.memory_space<vmem>>, vector<1x16xf32>,
        %get3A_915 = vector.shape_cast %get3A_914 : vector<1x16xf32> to vector<16xf32>
        %mul3A_916 = vector.broadcast %squeeze3A_882 : f32 to vector<16xf32>
        %mul3A_917 = arith.mulf %get3A_915, %mul3A_916 : vector<16xf32>
        %get3A_918 = arith.index_cast %add3A_880 : i32 to index
        %get3A_919 = arith.constant 16 : index
        %get3A_920 = tpu.vector_load %arg10[%get3A_918, %get3A_919] {strides = array<i32>} : memref<128x64xf32, #tpu.memory_space<vmem>>, vector<1x16xf32>,
        %get3A_921 = vector.shape_cast %get3A_920 : vector<1x16xf32> to vector<16xf32>
        %mul3A_922 = vector.broadcast %squeeze3A_884 : f32 to vector<16xf32>
        %mul3A_923 = arith.mulf %get3A_921, %mul3A_922 : vector<16xf32>
        %add3A_924 = arith.addf %mul3A_917, %mul3A_923 : vector<16xf32>
        %get3A_925 = arith.index_cast %add3A_880 : i32 to index
        %get3A_926 = arith.constant 16 : index
        %get3A_927 = tpu.vector_load %arg11[%get3A_925, %get3A_926] {strides = array<i32>} : memref<128x64xf32, #tpu.memory_space<vmem>>, vector<1x16xf32>,
        %get3A_928 = vector.shape_cast %get3A_927 : vector<1x16xf32> to vector<16xf32>
        %mul3A_929 = vector.broadcast %squeeze3A_886 : f32 to vector<16xf32>
        %mul3A_930 = arith.mulf %get3A_928, %mul3A_929 : vector<16xf32>
        %add3A_931 = arith.addf %add3A_924, %mul3A_930 : vector<16xf32>
        %swap3A_932 = arith.index_cast %add3A_880 : i32 to index
        %swap3A_933 = arith.constant 16 : index
        %swap3A_934 = tpu.vector_load %arg13[%swap3A_932, %swap3A_933] {strides = array<i32>} : memref<128x64xf32, #tpu.memory_space<vmem>>, vector<1x16xf32>,
        %swap3A_935 = vector.shape_cast %swap3A_934 : vector<1x16xf32> to vector<16xf32>
        %swap3A_936 = vector.shape_cast %add3A_931 : vector<16xf32> to vector<1x16xf32>
        tpu.vector_store %arg13[%swap3A_932, %swap3A_933], %swap3A_936 {strides = array<i32>} : memref<128x64xf32, #tpu.memory_space<vmem>>, vector<1x16xf32>,
        %get3A_937 = arith.index_cast %add3A_880 : i32 to index
        %get3A_938 = arith.constant 32 : index
        %get3A_939 = tpu.vector_load %arg9[%get3A_937, %get3A_938] {strides = array<i32>} : memref<128x64xf32, #tpu.memory_space<vmem>>, vector<1x16xf32>,
        %get3A_940 = vector.shape_cast %get3A_939 : vector<1x16xf32> to vector<16xf32>
        %mul3A_941 = vector.broadcast %squeeze3A_882 : f32 to vector<16xf32>
        %mul3A_942 = arith.mulf %get3A_940, %mul3A_941 : vector<16xf32>
        %get3A_943 = arith.index_cast %add3A_880 : i32 to index
        %get3A_944 = arith.constant 32 : index
        %get3A_945 = tpu.vector_load %arg10[%get3A_943, %get3A_944] {strides = array<i32>} : memref<128x64xf32, #tpu.memory_space<vmem>>, vector<1x16xf32>,
        %get3A_946 = vector.shape_cast %get3A_945 : vector<1x16xf32> to vector<16xf32>
        %mul3A_947 = vector.broadcast %squeeze3A_884 : f32 to vector<16xf32>
        %mul3A_948 = arith.mulf %get3A_946, %mul3A_947 : vector<16xf32>
        %add3A_949 = arith.addf %mul3A_942, %mul3A_948 : vector<16xf32>
        %get3A_950 = arith.index_cast %add3A_880 : i32 to index
        %get3A_951 = arith.constant 32 : index
        %get3A_952 = tpu.vector_load %arg11[%get3A_950, %get3A_951] {strides = array<i32>} : memref<128x64xf32, #tpu.memory_space<vmem>>, vector<1x16xf32>,
        %get3A_953 = vector.shape_cast %get3A_952 : vector<1x16xf32> to vector<16xf32>
        %mul3A_954 = vector.broadcast %squeeze3A_886 : f32 to vector<16xf32>
        %mul3A_955 = arith.mulf %get3A_953, %mul3A_954 : vector<16xf32>
        %add3A_956 = arith.addf %add3A_949, %mul3A_955 : vector<16xf32>
        %swap3A_957 = arith.index_cast %add3A_880 : i32 to index
        %swap3A_958 = arith.constant 32 : index
        %swap3A_959 = tpu.vector_load %arg13[%swap3A_957, %swap3A_958] {strides = array<i32>} : memref<128x64xf32, #tpu.memory_space<vmem>>, vector<1x16xf32>,
        %swap3A_960 = vector.shape_cast %swap3A_959 : vector<1x16xf32> to vector<16xf32>
        %swap3A_961 = vector.shape_cast %add3A_956 : vector<16xf32> to vector<1x16xf32>
        tpu.vector_store %arg13[%swap3A_957, %swap3A_958], %swap3A_961 {strides = array<i32>} : memref<128x64xf32, #tpu.memory_space<vmem>>, vector<1x16xf32>,
        %get3A_962 = arith.index_cast %add3A_880 : i32 to index
        %get3A_963 = arith.constant 48 : index
        %get3A_964 = tpu.vector_load %arg9[%get3A_962, %get3A_963] {strides = array<i32>} : memref<128x64xf32, #tpu.memory_space<vmem>>, vector<1x16xf32>,
        %get3A_965 = vector.shape_cast %get3A_964 : vector<1x16xf32> to vector<16xf32>
        %mul3A_966 = vector.broadcast %squeeze3A_882 : f32 to vector<16xf32>
        %mul3A_967 = arith.mulf %get3A_965, %mul3A_966 : vector<16xf32>
        %get3A_968 = arith.index_cast %add3A_880 : i32 to index
        %get3A_969 = arith.constant 48 : index
        %get3A_970 = tpu.vector_load %arg10[%get3A_968, %get3A_969] {strides = array<i32>} : memref<128x64xf32, #tpu.memory_space<vmem>>, vector<1x16xf32>,
        %get3A_971 = vector.shape_cast %get3A_970 : vector<1x16xf32> to vector<16xf32>
        %mul3A_972 = vector.broadcast %squeeze3A_884 : f32 to vector<16xf32>
        %mul3A_973 = arith.mulf %get3A_971, %mul3A_972 : vector<16xf32>
        %add3A_974 = arith.addf %mul3A_967, %mul3A_973 : vector<16xf32>
        %get3A_975 = arith.index_cast %add3A_880 : i32 to index
        %get3A_976 = arith.constant 48 : index
        %get3A_977 = tpu.vector_load %arg11[%get3A_975, %get3A_976] {strides = array<i32>} : memref<128x64xf32, #tpu.memory_space<vmem>>, vector<1x16xf32>,
        %get3A_978 = vector.shape_cast %get3A_977 : vector<1x16xf32> to vector<16xf32>
        %mul3A_979 = vector.broadcast %squeeze3A_886 : f32 to vector<16xf32>
        %mul3A_980 = arith.mulf %get3A_978, %mul3A_979 : vector<16xf32>
        %add3A_981 = arith.addf %add3A_974, %mul3A_980 : vector<16xf32>
        %swap3A_982 = arith.index_cast %add3A_880 : i32 to index
        %swap3A_983 = arith.constant 48 : index
        %swap3A_984 = tpu.vector_load %arg13[%swap3A_982, %swap3A_983] {strides = array<i32>} : memref<128x64xf32, #tpu.memory_space<vmem>>, vector<1x16xf32>,
        %swap3A_985 = vector.shape_cast %swap3A_984 : vector<1x16xf32> to vector<16xf32>
        %swap3A_986 = vector.shape_cast %add3A_981 : vector<16xf32> to vector<1x16xf32>
        tpu.vector_store %arg13[%swap3A_982, %swap3A_983], %swap3A_986 {strides = array<i32>} : memref<128x64xf32, #tpu.memory_space<vmem>>, vector<1x16xf32>,
        %add3A_987 = arith.constant 8 : i32
        %add3A_988 = arith.addi %multiple_of3A, %add3A_987 : i32
        %slice3A_989 = vector.extract_strided_slice %get3A_115 {offsets = [8], sizes = [1], strides = [1]} : vector<16xf32> to vector<1xf32>
        %squeeze3A_990 = vector.extract %slice3A_989[0] : f32 from vector<1xf32>
        %slice3A_991 = vector.extract_strided_slice %get3A_120 {offsets = [8], sizes = [1], strides = [1]} : vector<16xf32> to vector<1xf32>
        %squeeze3A_992 = vector.extract %slice3A_991[0] : f32 from vector<1xf32>
        %slice3A_993 = vector.extract_strided_slice %get3A_125 {offsets = [8], sizes = [1], strides = [1]} : vector<16xf32> to vector<1xf32>
        %squeeze3A_994 = vector.extract %slice3A_993[0] : f32 from vector<1xf32>
        %get3A_995 = arith.index_cast %add3A_988 : i32 to index
        %get3A_996 = arith.constant 0 : index
        %get3A_997 = tpu.vector_load %arg9[%get3A_995, %get3A_996] {strides = array<i32>} : memref<128x64xf32, #tpu.memory_space<vmem>>, vector<1x16xf32>,
        %get3A_998 = vector.shape_cast %get3A_997 : vector<1x16xf32> to vector<16xf32>
        %mul3A_999 = vector.broadcast %squeeze3A_990 : f32 to vector<16xf32>
        %mul3A_1000 = arith.mulf %get3A_998, %mul3A_999 : vector<16xf32>
        %get3A_1001 = arith.index_cast %add3A_988 : i32 to index
        %get3A_1002 = arith.constant 0 : index
        %get3A_1003 = tpu.vector_load %arg10[%get3A_1001, %get3A_1002] {strides = array<i32>} : memref<128x64xf32, #tpu.memory_space<vmem>>, vector<1x16xf32>,
        %get3A_1004 = vector.shape_cast %get3A_1003 : vector<1x16xf32> to vector<16xf32>
        %mul3A_1005 = vector.broadcast %squeeze3A_992 : f32 to vector<16xf32>
        %mul3A_1006 = arith.mulf %get3A_1004, %mul3A_1005 : vector<16xf32>
        %add3A_1007 = arith.addf %mul3A_1000, %mul3A_1006 : vector<16xf32>
        %get3A_1008 = arith.index_cast %add3A_988 : i32 to index
        %get3A_1009 = arith.constant 0 : index
        %get3A_1010 = tpu.vector_load %arg11[%get3A_1008, %get3A_1009] {strides = array<i32>} : memref<128x64xf32, #tpu.memory_space<vmem>>, vector<1x16xf32>,
        %get3A_1011 = vector.shape_cast %get3A_1010 : vector<1x16xf32> to vector<16xf32>
        %mul3A_1012 = vector.broadcast %squeeze3A_994 : f32 to vector<16xf32>
        %mul3A_1013 = arith.mulf %get3A_1011, %mul3A_1012 : vector<16xf32>
        %add3A_1014 = arith.addf %add3A_1007, %mul3A_1013 : vector<16xf32>
        %swap3A_1015 = arith.index_cast %add3A_988 : i32 to index
        %swap3A_1016 = arith.constant 0 : index
        %swap3A_1017 = tpu.vector_load %arg13[%swap3A_1015, %swap3A_1016] {strides = array<i32>} : memref<128x64xf32, #tpu.memory_space<vmem>>, vector<1x16xf32>,
        %swap3A_1018 = vector.shape_cast %swap3A_1017 : vector<1x16xf32> to vector<16xf32>
        %swap3A_1019 = vector.shape_cast %add3A_1014 : vector<16xf32> to vector<1x16xf32>
        tpu.vector_store %arg13[%swap3A_1015, %swap3A_1016], %swap3A_1019 {strides = array<i32>} : memref<128x64xf32, #tpu.memory_space<vmem>>, vector<1x16xf32>,
        %get3A_1020 = arith.index_cast %add3A_988 : i32 to index
        %get3A_1021 = arith.constant 16 : index
        %get3A_1022 = tpu.vector_load %arg9[%get3A_1020, %get3A_1021] {strides = array<i32>} : memref<128x64xf32, #tpu.memory_space<vmem>>, vector<1x16xf32>,
        %get3A_1023 = vector.shape_cast %get3A_1022 : vector<1x16xf32> to vector<16xf32>
        %mul3A_1024 = vector.broadcast %squeeze3A_990 : f32 to vector<16xf32>
        %mul3A_1025 = arith.mulf %get3A_1023, %mul3A_1024 : vector<16xf32>
        %get3A_1026 = arith.index_cast %add3A_988 : i32 to index
        %get3A_1027 = arith.constant 16 : index
        %get3A_1028 = tpu.vector_load %arg10[%get3A_1026, %get3A_1027] {strides = array<i32>} : memref<128x64xf32, #tpu.memory_space<vmem>>, vector<1x16xf32>,
        %get3A_1029 = vector.shape_cast %get3A_1028 : vector<1x16xf32> to vector<16xf32>
        %mul3A_1030 = vector.broadcast %squeeze3A_992 : f32 to vector<16xf32>
        %mul3A_1031 = arith.mulf %get3A_1029, %mul3A_1030 : vector<16xf32>
        %add3A_1032 = arith.addf %mul3A_1025, %mul3A_1031 : vector<16xf32>
        %get3A_1033 = arith.index_cast %add3A_988 : i32 to index
        %get3A_1034 = arith.constant 16 : index
        %get3A_1035 = tpu.vector_load %arg11[%get3A_1033, %get3A_1034] {strides = array<i32>} : memref<128x64xf32, #tpu.memory_space<vmem>>, vector<1x16xf32>,
        %get3A_1036 = vector.shape_cast %get3A_1035 : vector<1x16xf32> to vector<16xf32>
        %mul3A_1037 = vector.broadcast %squeeze3A_994 : f32 to vector<16xf32>
        %mul3A_1038 = arith.mulf %get3A_1036, %mul3A_1037 : vector<16xf32>
        %add3A_1039 = arith.addf %add3A_1032, %mul3A_1038 : vector<16xf32>
        %swap3A_1040 = arith.index_cast %add3A_988 : i32 to index
        %swap3A_1041 = arith.constant 16 : index
        %swap3A_1042 = tpu.vector_load %arg13[%swap3A_1040, %swap3A_1041] {strides = array<i32>} : memref<128x64xf32, #tpu.memory_space<vmem>>, vector<1x16xf32>,
        %swap3A_1043 = vector.shape_cast %swap3A_1042 : vector<1x16xf32> to vector<16xf32>
        %swap3A_1044 = vector.shape_cast %add3A_1039 : vector<16xf32> to vector<1x16xf32>
        tpu.vector_store %arg13[%swap3A_1040, %swap3A_1041], %swap3A_1044 {strides = array<i32>} : memref<128x64xf32, #tpu.memory_space<vmem>>, vector<1x16xf32>,
        %get3A_1045 = arith.index_cast %add3A_988 : i32 to index
        %get3A_1046 = arith.constant 32 : index
        %get3A_1047 = tpu.vector_load %arg9[%get3A_1045, %get3A_1046] {strides = array<i32>} : memref<128x64xf32, #tpu.memory_space<vmem>>, vector<1x16xf32>,
        %get3A_1048 = vector.shape_cast %get3A_1047 : vector<1x16xf32> to vector<16xf32>
        %mul3A_1049 = vector.broadcast %squeeze3A_990 : f32 to vector<16xf32>
        %mul3A_1050 = arith.mulf %get3A_1048, %mul3A_1049 : vector<16xf32>
        %get3A_1051 = arith.index_cast %add3A_988 : i32 to index
        %get3A_1052 = arith.constant 32 : index
        %get3A_1053 = tpu.vector_load %arg10[%get3A_1051, %get3A_1052] {strides = array<i32>} : memref<128x64xf32, #tpu.memory_space<vmem>>, vector<1x16xf32>,
        %get3A_1054 = vector.shape_cast %get3A_1053 : vector<1x16xf32> to vector<16xf32>
        %mul3A_1055 = vector.broadcast %squeeze3A_992 : f32 to vector<16xf32>
        %mul3A_1056 = arith.mulf %get3A_1054, %mul3A_1055 : vector<16xf32>
        %add3A_1057 = arith.addf %mul3A_1050, %mul3A_1056 : vector<16xf32>
        %get3A_1058 = arith.index_cast %add3A_988 : i32 to index
        %get3A_1059 = arith.constant 32 : index
        %get3A_1060 = tpu.vector_load %arg11[%get3A_1058, %get3A_1059] {strides = array<i32>} : memref<128x64xf32, #tpu.memory_space<vmem>>, vector<1x16xf32>,
        %get3A_1061 = vector.shape_cast %get3A_1060 : vector<1x16xf32> to vector<16xf32>
        %mul3A_1062 = vector.broadcast %squeeze3A_994 : f32 to vector<16xf32>
        %mul3A_1063 = arith.mulf %get3A_1061, %mul3A_1062 : vector<16xf32>
        %add3A_1064 = arith.addf %add3A_1057, %mul3A_1063 : vector<16xf32>
        %swap3A_1065 = arith.index_cast %add3A_988 : i32 to index
        %swap3A_1066 = arith.constant 32 : index
        %swap3A_1067 = tpu.vector_load %arg13[%swap3A_1065, %swap3A_1066] {strides = array<i32>} : memref<128x64xf32, #tpu.memory_space<vmem>>, vector<1x16xf32>,
        %swap3A_1068 = vector.shape_cast %swap3A_1067 : vector<1x16xf32> to vector<16xf32>
        %swap3A_1069 = vector.shape_cast %add3A_1064 : vector<16xf32> to vector<1x16xf32>
        tpu.vector_store %arg13[%swap3A_1065, %swap3A_1066], %swap3A_1069 {strides = array<i32>} : memref<128x64xf32, #tpu.memory_space<vmem>>, vector<1x16xf32>,
        %get3A_1070 = arith.index_cast %add3A_988 : i32 to index
        %get3A_1071 = arith.constant 48 : index
        %get3A_1072 = tpu.vector_load %arg9[%get3A_1070, %get3A_1071] {strides = array<i32>} : memref<128x64xf32, #tpu.memory_space<vmem>>, vector<1x16xf32>,
        %get3A_1073 = vector.shape_cast %get3A_1072 : vector<1x16xf32> to vector<16xf32>
        %mul3A_1074 = vector.broadcast %squeeze3A_990 : f32 to vector<16xf32>
        %mul3A_1075 = arith.mulf %get3A_1073, %mul3A_1074 : vector<16xf32>
        %get3A_1076 = arith.index_cast %add3A_988 : i32 to index
        %get3A_1077 = arith.constant 48 : index
        %get3A_1078 = tpu.vector_load %arg10[%get3A_1076, %get3A_1077] {strides = array<i32>} : memref<128x64xf32, #tpu.memory_space<vmem>>, vector<1x16xf32>,
        %get3A_1079 = vector.shape_cast %get3A_1078 : vector<1x16xf32> to vector<16xf32>
        %mul3A_1080 = vector.broadcast %squeeze3A_992 : f32 to vector<16xf32>
        %mul3A_1081 = arith.mulf %get3A_1079, %mul3A_1080 : vector<16xf32>
        %add3A_1082 = arith.addf %mul3A_1075, %mul3A_1081 : vector<16xf32>
        %get3A_1083 = arith.index_cast %add3A_988 : i32 to index
        %get3A_1084 = arith.constant 48 : index
        %get3A_1085 = tpu.vector_load %arg11[%get3A_1083, %get3A_1084] {strides = array<i32>} : memref<128x64xf32, #tpu.memory_space<vmem>>, vector<1x16xf32>,
        %get3A_1086 = vector.shape_cast %get3A_1085 : vector<1x16xf32> to vector<16xf32>
        %mul3A_1087 = vector.broadcast %squeeze3A_994 : f32 to vector<16xf32>
        %mul3A_1088 = arith.mulf %get3A_1086, %mul3A_1087 : vector<16xf32>
        %add3A_1089 = arith.addf %add3A_1082, %mul3A_1088 : vector<16xf32>
        %swap3A_1090 = arith.index_cast %add3A_988 : i32 to index
        %swap3A_1091 = arith.constant 48 : index
        %swap3A_1092 = tpu.vector_load %arg13[%swap3A_1090, %swap3A_1091] {strides = array<i32>} : memref<128x64xf32, #tpu.memory_space<vmem>>, vector<1x16xf32>,
        %swap3A_1093 = vector.shape_cast %swap3A_1092 : vector<1x16xf32> to vector<16xf32>
        %swap3A_1094 = vector.shape_cast %add3A_1089 : vector<16xf32> to vector<1x16xf32>
        tpu.vector_store %arg13[%swap3A_1090, %swap3A_1091], %swap3A_1094 {strides = array<i32>} : memref<128x64xf32, #tpu.memory_space<vmem>>, vector<1x16xf32>,
        %add3A_1095 = arith.constant 9 : i32
        %add3A_1096 = arith.addi %multiple_of3A, %add3A_1095 : i32
        %slice3A_1097 = vector.extract_strided_slice %get3A_115 {offsets = [9], sizes = [1], strides = [1]} : vector<16xf32> to vector<1xf32>
        %squeeze3A_1098 = vector.extract %slice3A_1097[0] : f32 from vector<1xf32>
        %slice3A_1099 = vector.extract_strided_slice %get3A_120 {offsets = [9], sizes = [1], strides = [1]} : vector<16xf32> to vector<1xf32>
        %squeeze3A_1100 = vector.extract %slice3A_1099[0] : f32 from vector<1xf32>
        %slice3A_1101 = vector.extract_strided_slice %get3A_125 {offsets = [9], sizes = [1], strides = [1]} : vector<16xf32> to vector<1xf32>
        %squeeze3A_1102 = vector.extract %slice3A_1101[0] : f32 from vector<1xf32>
        %get3A_1103 = arith.index_cast %add3A_1096 : i32 to index
        %get3A_1104 = arith.constant 0 : index
        %get3A_1105 = tpu.vector_load %arg9[%get3A_1103, %get3A_1104] {strides = array<i32>} : memref<128x64xf32, #tpu.memory_space<vmem>>, vector<1x16xf32>,
        %get3A_1106 = vector.shape_cast %get3A_1105 : vector<1x16xf32> to vector<16xf32>
        %mul3A_1107 = vector.broadcast %squeeze3A_1098 : f32 to vector<16xf32>
        %mul3A_1108 = arith.mulf %get3A_1106, %mul3A_1107 : vector<16xf32>
        %get3A_1109 = arith.index_cast %add3A_1096 : i32 to index
        %get3A_1110 = arith.constant 0 : index
        %get3A_1111 = tpu.vector_load %arg10[%get3A_1109, %get3A_1110] {strides = array<i32>} : memref<128x64xf32, #tpu.memory_space<vmem>>, vector<1x16xf32>,
        %get3A_1112 = vector.shape_cast %get3A_1111 : vector<1x16xf32> to vector<16xf32>
        %mul3A_1113 = vector.broadcast %squeeze3A_1100 : f32 to vector<16xf32>
        %mul3A_1114 = arith.mulf %get3A_1112, %mul3A_1113 : vector<16xf32>
        %add3A_1115 = arith.addf %mul3A_1108, %mul3A_1114 : vector<16xf32>
        %get3A_1116 = arith.index_cast %add3A_1096 : i32 to index
        %get3A_1117 = arith.constant 0 : index
        %get3A_1118 = tpu.vector_load %arg11[%get3A_1116, %get3A_1117] {strides = array<i32>} : memref<128x64xf32, #tpu.memory_space<vmem>>, vector<1x16xf32>,
        %get3A_1119 = vector.shape_cast %get3A_1118 : vector<1x16xf32> to vector<16xf32>
        %mul3A_1120 = vector.broadcast %squeeze3A_1102 : f32 to vector<16xf32>
        %mul3A_1121 = arith.mulf %get3A_1119, %mul3A_1120 : vector<16xf32>
        %add3A_1122 = arith.addf %add3A_1115, %mul3A_1121 : vector<16xf32>
        %swap3A_1123 = arith.index_cast %add3A_1096 : i32 to index
        %swap3A_1124 = arith.constant 0 : index
        %swap3A_1125 = tpu.vector_load %arg13[%swap3A_1123, %swap3A_1124] {strides = array<i32>} : memref<128x64xf32, #tpu.memory_space<vmem>>, vector<1x16xf32>,
        %swap3A_1126 = vector.shape_cast %swap3A_1125 : vector<1x16xf32> to vector<16xf32>
        %swap3A_1127 = vector.shape_cast %add3A_1122 : vector<16xf32> to vector<1x16xf32>
        tpu.vector_store %arg13[%swap3A_1123, %swap3A_1124], %swap3A_1127 {strides = array<i32>} : memref<128x64xf32, #tpu.memory_space<vmem>>, vector<1x16xf32>,
        %get3A_1128 = arith.index_cast %add3A_1096 : i32 to index
        %get3A_1129 = arith.constant 16 : index
        %get3A_1130 = tpu.vector_load %arg9[%get3A_1128, %get3A_1129] {strides = array<i32>} : memref<128x64xf32, #tpu.memory_space<vmem>>, vector<1x16xf32>,
        %get3A_1131 = vector.shape_cast %get3A_1130 : vector<1x16xf32> to vector<16xf32>
        %mul3A_1132 = vector.broadcast %squeeze3A_1098 : f32 to vector<16xf32>
        %mul3A_1133 = arith.mulf %get3A_1131, %mul3A_1132 : vector<16xf32>
        %get3A_1134 = arith.index_cast %add3A_1096 : i32 to index
        %get3A_1135 = arith.constant 16 : index
        %get3A_1136 = tpu.vector_load %arg10[%get3A_1134, %get3A_1135] {strides = array<i32>} : memref<128x64xf32, #tpu.memory_space<vmem>>, vector<1x16xf32>,
        %get3A_1137 = vector.shape_cast %get3A_1136 : vector<1x16xf32> to vector<16xf32>
        %mul3A_1138 = vector.broadcast %squeeze3A_1100 : f32 to vector<16xf32>
        %mul3A_1139 = arith.mulf %get3A_1137, %mul3A_1138 : vector<16xf32>
        %add3A_1140 = arith.addf %mul3A_1133, %mul3A_1139 : vector<16xf32>
        %get3A_1141 = arith.index_cast %add3A_1096 : i32 to index
        %get3A_1142 = arith.constant 16 : index
        %get3A_1143 = tpu.vector_load %arg11[%get3A_1141, %get3A_1142] {strides = array<i32>} : memref<128x64xf32, #tpu.memory_space<vmem>>, vector<1x16xf32>,
        %get3A_1144 = vector.shape_cast %get3A_1143 : vector<1x16xf32> to vector<16xf32>
        %mul3A_1145 = vector.broadcast %squeeze3A_1102 : f32 to vector<16xf32>
        %mul3A_1146 = arith.mulf %get3A_1144, %mul3A_1145 : vector<16xf32>
        %add3A_1147 = arith.addf %add3A_1140, %mul3A_1146 : vector<16xf32>
        %swap3A_1148 = arith.index_cast %add3A_1096 : i32 to index
        %swap3A_1149 = arith.constant 16 : index
        %swap3A_1150 = tpu.vector_load %arg13[%swap3A_1148, %swap3A_1149] {strides = array<i32>} : memref<128x64xf32, #tpu.memory_space<vmem>>, vector<1x16xf32>,
        %swap3A_1151 = vector.shape_cast %swap3A_1150 : vector<1x16xf32> to vector<16xf32>
        %swap3A_1152 = vector.shape_cast %add3A_1147 : vector<16xf32> to vector<1x16xf32>
        tpu.vector_store %arg13[%swap3A_1148, %swap3A_1149], %swap3A_1152 {strides = array<i32>} : memref<128x64xf32, #tpu.memory_space<vmem>>, vector<1x16xf32>,
        %get3A_1153 = arith.index_cast %add3A_1096 : i32 to index
        %get3A_1154 = arith.constant 32 : index
        %get3A_1155 = tpu.vector_load %arg9[%get3A_1153, %get3A_1154] {strides = array<i32>} : memref<128x64xf32, #tpu.memory_space<vmem>>, vector<1x16xf32>,
        %get3A_1156 = vector.shape_cast %get3A_1155 : vector<1x16xf32> to vector<16xf32>
        %mul3A_1157 = vector.broadcast %squeeze3A_1098 : f32 to vector<16xf32>
        %mul3A_1158 = arith.mulf %get3A_1156, %mul3A_1157 : vector<16xf32>
        %get3A_1159 = arith.index_cast %add3A_1096 : i32 to index
        %get3A_1160 = arith.constant 32 : index
        %get3A_1161 = tpu.vector_load %arg10[%get3A_1159, %get3A_1160] {strides = array<i32>} : memref<128x64xf32, #tpu.memory_space<vmem>>, vector<1x16xf32>,
        %get3A_1162 = vector.shape_cast %get3A_1161 : vector<1x16xf32> to vector<16xf32>
        %mul3A_1163 = vector.broadcast %squeeze3A_1100 : f32 to vector<16xf32>
        %mul3A_1164 = arith.mulf %get3A_1162, %mul3A_1163 : vector<16xf32>
        %add3A_1165 = arith.addf %mul3A_1158, %mul3A_1164 : vector<16xf32>
        %get3A_1166 = arith.index_cast %add3A_1096 : i32 to index
        %get3A_1167 = arith.constant 32 : index
        %get3A_1168 = tpu.vector_load %arg11[%get3A_1166, %get3A_1167] {strides = array<i32>} : memref<128x64xf32, #tpu.memory_space<vmem>>, vector<1x16xf32>,
        %get3A_1169 = vector.shape_cast %get3A_1168 : vector<1x16xf32> to vector<16xf32>
        %mul3A_1170 = vector.broadcast %squeeze3A_1102 : f32 to vector<16xf32>
        %mul3A_1171 = arith.mulf %get3A_1169, %mul3A_1170 : vector<16xf32>
        %add3A_1172 = arith.addf %add3A_1165, %mul3A_1171 : vector<16xf32>
        %swap3A_1173 = arith.index_cast %add3A_1096 : i32 to index
        %swap3A_1174 = arith.constant 32 : index
        %swap3A_1175 = tpu.vector_load %arg13[%swap3A_1173, %swap3A_1174] {strides = array<i32>} : memref<128x64xf32, #tpu.memory_space<vmem>>, vector<1x16xf32>,
        %swap3A_1176 = vector.shape_cast %swap3A_1175 : vector<1x16xf32> to vector<16xf32>
        %swap3A_1177 = vector.shape_cast %add3A_1172 : vector<16xf32> to vector<1x16xf32>
        tpu.vector_store %arg13[%swap3A_1173, %swap3A_1174], %swap3A_1177 {strides = array<i32>} : memref<128x64xf32, #tpu.memory_space<vmem>>, vector<1x16xf32>,
        %get3A_1178 = arith.index_cast %add3A_1096 : i32 to index
        %get3A_1179 = arith.constant 48 : index
        %get3A_1180 = tpu.vector_load %arg9[%get3A_1178, %get3A_1179] {strides = array<i32>} : memref<128x64xf32, #tpu.memory_space<vmem>>, vector<1x16xf32>,
        %get3A_1181 = vector.shape_cast %get3A_1180 : vector<1x16xf32> to vector<16xf32>
        %mul3A_1182 = vector.broadcast %squeeze3A_1098 : f32 to vector<16xf32>
        %mul3A_1183 = arith.mulf %get3A_1181, %mul3A_1182 : vector<16xf32>
        %get3A_1184 = arith.index_cast %add3A_1096 : i32 to index
        %get3A_1185 = arith.constant 48 : index
        %get3A_1186 = tpu.vector_load %arg10[%get3A_1184, %get3A_1185] {strides = array<i32>} : memref<128x64xf32, #tpu.memory_space<vmem>>, vector<1x16xf32>,
        %get3A_1187 = vector.shape_cast %get3A_1186 : vector<1x16xf32> to vector<16xf32>
        %mul3A_1188 = vector.broadcast %squeeze3A_1100 : f32 to vector<16xf32>
        %mul3A_1189 = arith.mulf %get3A_1187, %mul3A_1188 : vector<16xf32>
        %add3A_1190 = arith.addf %mul3A_1183, %mul3A_1189 : vector<16xf32>
        %get3A_1191 = arith.index_cast %add3A_1096 : i32 to index
        %get3A_1192 = arith.constant 48 : index
        %get3A_1193 = tpu.vector_load %arg11[%get3A_1191, %get3A_1192] {strides = array<i32>} : memref<128x64xf32, #tpu.memory_space<vmem>>, vector<1x16xf32>,
        %get3A_1194 = vector.shape_cast %get3A_1193 : vector<1x16xf32> to vector<16xf32>
        %mul3A_1195 = vector.broadcast %squeeze3A_1102 : f32 to vector<16xf32>
        %mul3A_1196 = arith.mulf %get3A_1194, %mul3A_1195 : vector<16xf32>
        %add3A_1197 = arith.addf %add3A_1190, %mul3A_1196 : vector<16xf32>
        %swap3A_1198 = arith.index_cast %add3A_1096 : i32 to index
        %swap3A_1199 = arith.constant 48 : index
        %swap3A_1200 = tpu.vector_load %arg13[%swap3A_1198, %swap3A_1199] {strides = array<i32>} : memref<128x64xf32, #tpu.memory_space<vmem>>, vector<1x16xf32>,
        %swap3A_1201 = vector.shape_cast %swap3A_1200 : vector<1x16xf32> to vector<16xf32>
        %swap3A_1202 = vector.shape_cast %add3A_1197 : vector<16xf32> to vector<1x16xf32>
        tpu.vector_store %arg13[%swap3A_1198, %swap3A_1199], %swap3A_1202 {strides = array<i32>} : memref<128x64xf32, #tpu.memory_space<vmem>>, vector<1x16xf32>,
        %add3A_1203 = arith.constant 10 : i32
        %add3A_1204 = arith.addi %multiple_of3A, %add3A_1203 : i32
        %slice3A_1205 = vector.extract_strided_slice %get3A_115 {offsets = [10], sizes = [1], strides = [1]} : vector<16xf32> to vector<1xf32>
        %squeeze3A_1206 = vector.extract %slice3A_1205[0] : f32 from vector<1xf32>
        %slice3A_1207 = vector.extract_strided_slice %get3A_120 {offsets = [10], sizes = [1], strides = [1]} : vector<16xf32> to vector<1xf32>
        %squeeze3A_1208 = vector.extract %slice3A_1207[0] : f32 from vector<1xf32>
        %slice3A_1209 = vector.extract_strided_slice %get3A_125 {offsets = [10], sizes = [1], strides = [1]} : vector<16xf32> to vector<1xf32>
        %squeeze3A_1210 = vector.extract %slice3A_1209[0] : f32 from vector<1xf32>
        %get3A_1211 = arith.index_cast %add3A_1204 : i32 to index
        %get3A_1212 = arith.constant 0 : index
        %get3A_1213 = tpu.vector_load %arg9[%get3A_1211, %get3A_1212] {strides = array<i32>} : memref<128x64xf32, #tpu.memory_space<vmem>>, vector<1x16xf32>,
        %get3A_1214 = vector.shape_cast %get3A_1213 : vector<1x16xf32> to vector<16xf32>
        %mul3A_1215 = vector.broadcast %squeeze3A_1206 : f32 to vector<16xf32>
        %mul3A_1216 = arith.mulf %get3A_1214, %mul3A_1215 : vector<16xf32>
        %get3A_1217 = arith.index_cast %add3A_1204 : i32 to index
        %get3A_1218 = arith.constant 0 : index
        %get3A_1219 = tpu.vector_load %arg10[%get3A_1217, %get3A_1218] {strides = array<i32>} : memref<128x64xf32, #tpu.memory_space<vmem>>, vector<1x16xf32>,
        %get3A_1220 = vector.shape_cast %get3A_1219 : vector<1x16xf32> to vector<16xf32>
        %mul3A_1221 = vector.broadcast %squeeze3A_1208 : f32 to vector<16xf32>
        %mul3A_1222 = arith.mulf %get3A_1220, %mul3A_1221 : vector<16xf32>
        %add3A_1223 = arith.addf %mul3A_1216, %mul3A_1222 : vector<16xf32>
        %get3A_1224 = arith.index_cast %add3A_1204 : i32 to index
        %get3A_1225 = arith.constant 0 : index
        %get3A_1226 = tpu.vector_load %arg11[%get3A_1224, %get3A_1225] {strides = array<i32>} : memref<128x64xf32, #tpu.memory_space<vmem>>, vector<1x16xf32>,
        %get3A_1227 = vector.shape_cast %get3A_1226 : vector<1x16xf32> to vector<16xf32>
        %mul3A_1228 = vector.broadcast %squeeze3A_1210 : f32 to vector<16xf32>
        %mul3A_1229 = arith.mulf %get3A_1227, %mul3A_1228 : vector<16xf32>
        %add3A_1230 = arith.addf %add3A_1223, %mul3A_1229 : vector<16xf32>
        %swap3A_1231 = arith.index_cast %add3A_1204 : i32 to index
        %swap3A_1232 = arith.constant 0 : index
        %swap3A_1233 = tpu.vector_load %arg13[%swap3A_1231, %swap3A_1232] {strides = array<i32>} : memref<128x64xf32, #tpu.memory_space<vmem>>, vector<1x16xf32>,
        %swap3A_1234 = vector.shape_cast %swap3A_1233 : vector<1x16xf32> to vector<16xf32>
        %swap3A_1235 = vector.shape_cast %add3A_1230 : vector<16xf32> to vector<1x16xf32>
        tpu.vector_store %arg13[%swap3A_1231, %swap3A_1232], %swap3A_1235 {strides = array<i32>} : memref<128x64xf32, #tpu.memory_space<vmem>>, vector<1x16xf32>,
        %get3A_1236 = arith.index_cast %add3A_1204 : i32 to index
        %get3A_1237 = arith.constant 16 : index
        %get3A_1238 = tpu.vector_load %arg9[%get3A_1236, %get3A_1237] {strides = array<i32>} : memref<128x64xf32, #tpu.memory_space<vmem>>, vector<1x16xf32>,
        %get3A_1239 = vector.shape_cast %get3A_1238 : vector<1x16xf32> to vector<16xf32>
        %mul3A_1240 = vector.broadcast %squeeze3A_1206 : f32 to vector<16xf32>
        %mul3A_1241 = arith.mulf %get3A_1239, %mul3A_1240 : vector<16xf32>
        %get3A_1242 = arith.index_cast %add3A_1204 : i32 to index
        %get3A_1243 = arith.constant 16 : index
        %get3A_1244 = tpu.vector_load %arg10[%get3A_1242, %get3A_1243] {strides = array<i32>} : memref<128x64xf32, #tpu.memory_space<vmem>>, vector<1x16xf32>,
        %get3A_1245 = vector.shape_cast %get3A_1244 : vector<1x16xf32> to vector<16xf32>
        %mul3A_1246 = vector.broadcast %squeeze3A_1208 : f32 to vector<16xf32>
        %mul3A_1247 = arith.mulf %get3A_1245, %mul3A_1246 : vector<16xf32>
        %add3A_1248 = arith.addf %mul3A_1241, %mul3A_1247 : vector<16xf32>
        %get3A_1249 = arith.index_cast %add3A_1204 : i32 to index
        %get3A_1250 = arith.constant 16 : index
        %get3A_1251 = tpu.vector_load %arg11[%get3A_1249, %get3A_1250] {strides = array<i32>} : memref<128x64xf32, #tpu.memory_space<vmem>>, vector<1x16xf32>,
        %get3A_1252 = vector.shape_cast %get3A_1251 : vector<1x16xf32> to vector<16xf32>
        %mul3A_1253 = vector.broadcast %squeeze3A_1210 : f32 to vector<16xf32>
        %mul3A_1254 = arith.mulf %get3A_1252, %mul3A_1253 : vector<16xf32>
        %add3A_1255 = arith.addf %add3A_1248, %mul3A_1254 : vector<16xf32>
        %swap3A_1256 = arith.index_cast %add3A_1204 : i32 to index
        %swap3A_1257 = arith.constant 16 : index
        %swap3A_1258 = tpu.vector_load %arg13[%swap3A_1256, %swap3A_1257] {strides = array<i32>} : memref<128x64xf32, #tpu.memory_space<vmem>>, vector<1x16xf32>,
        %swap3A_1259 = vector.shape_cast %swap3A_1258 : vector<1x16xf32> to vector<16xf32>
        %swap3A_1260 = vector.shape_cast %add3A_1255 : vector<16xf32> to vector<1x16xf32>
        tpu.vector_store %arg13[%swap3A_1256, %swap3A_1257], %swap3A_1260 {strides = array<i32>} : memref<128x64xf32, #tpu.memory_space<vmem>>, vector<1x16xf32>,
        %get3A_1261 = arith.index_cast %add3A_1204 : i32 to index
        %get3A_1262 = arith.constant 32 : index
        %get3A_1263 = tpu.vector_load %arg9[%get3A_1261, %get3A_1262] {strides = array<i32>} : memref<128x64xf32, #tpu.memory_space<vmem>>, vector<1x16xf32>,
        %get3A_1264 = vector.shape_cast %get3A_1263 : vector<1x16xf32> to vector<16xf32>
        %mul3A_1265 = vector.broadcast %squeeze3A_1206 : f32 to vector<16xf32>
        %mul3A_1266 = arith.mulf %get3A_1264, %mul3A_1265 : vector<16xf32>
        %get3A_1267 = arith.index_cast %add3A_1204 : i32 to index
        %get3A_1268 = arith.constant 32 : index
        %get3A_1269 = tpu.vector_load %arg10[%get3A_1267, %get3A_1268] {strides = array<i32>} : memref<128x64xf32, #tpu.memory_space<vmem>>, vector<1x16xf32>,
        %get3A_1270 = vector.shape_cast %get3A_1269 : vector<1x16xf32> to vector<16xf32>
        %mul3A_1271 = vector.broadcast %squeeze3A_1208 : f32 to vector<16xf32>
        %mul3A_1272 = arith.mulf %get3A_1270, %mul3A_1271 : vector<16xf32>
        %add3A_1273 = arith.addf %mul3A_1266, %mul3A_1272 : vector<16xf32>
        %get3A_1274 = arith.index_cast %add3A_1204 : i32 to index
        %get3A_1275 = arith.constant 32 : index
        %get3A_1276 = tpu.vector_load %arg11[%get3A_1274, %get3A_1275] {strides = array<i32>} : memref<128x64xf32, #tpu.memory_space<vmem>>, vector<1x16xf32>,
        %get3A_1277 = vector.shape_cast %get3A_1276 : vector<1x16xf32> to vector<16xf32>
        %mul3A_1278 = vector.broadcast %squeeze3A_1210 : f32 to vector<16xf32>
        %mul3A_1279 = arith.mulf %get3A_1277, %mul3A_1278 : vector<16xf32>
        %add3A_1280 = arith.addf %add3A_1273, %mul3A_1279 : vector<16xf32>
        %swap3A_1281 = arith.index_cast %add3A_1204 : i32 to index
        %swap3A_1282 = arith.constant 32 : index
        %swap3A_1283 = tpu.vector_load %arg13[%swap3A_1281, %swap3A_1282] {strides = array<i32>} : memref<128x64xf32, #tpu.memory_space<vmem>>, vector<1x16xf32>,
        %swap3A_1284 = vector.shape_cast %swap3A_1283 : vector<1x16xf32> to vector<16xf32>
        %swap3A_1285 = vector.shape_cast %add3A_1280 : vector<16xf32> to vector<1x16xf32>
        tpu.vector_store %arg13[%swap3A_1281, %swap3A_1282], %swap3A_1285 {strides = array<i32>} : memref<128x64xf32, #tpu.memory_space<vmem>>, vector<1x16xf32>,
        %get3A_1286 = arith.index_cast %add3A_1204 : i32 to index
        %get3A_1287 = arith.constant 48 : index
        %get3A_1288 = tpu.vector_load %arg9[%get3A_1286, %get3A_1287] {strides = array<i32>} : memref<128x64xf32, #tpu.memory_space<vmem>>, vector<1x16xf32>,
        %get3A_1289 = vector.shape_cast %get3A_1288 : vector<1x16xf32> to vector<16xf32>
        %mul3A_1290 = vector.broadcast %squeeze3A_1206 : f32 to vector<16xf32>
        %mul3A_1291 = arith.mulf %get3A_1289, %mul3A_1290 : vector<16xf32>
        %get3A_1292 = arith.index_cast %add3A_1204 : i32 to index
        %get3A_1293 = arith.constant 48 : index
        %get3A_1294 = tpu.vector_load %arg10[%get3A_1292, %get3A_1293] {strides = array<i32>} : memref<128x64xf32, #tpu.memory_space<vmem>>, vector<1x16xf32>,
        %get3A_1295 = vector.shape_cast %get3A_1294 : vector<1x16xf32> to vector<16xf32>
        %mul3A_1296 = vector.broadcast %squeeze3A_1208 : f32 to vector<16xf32>
        %mul3A_1297 = arith.mulf %get3A_1295, %mul3A_1296 : vector<16xf32>
        %add3A_1298 = arith.addf %mul3A_1291, %mul3A_1297 : vector<16xf32>
        %get3A_1299 = arith.index_cast %add3A_1204 : i32 to index
        %get3A_1300 = arith.constant 48 : index
        %get3A_1301 = tpu.vector_load %arg11[%get3A_1299, %get3A_1300] {strides = array<i32>} : memref<128x64xf32, #tpu.memory_space<vmem>>, vector<1x16xf32>,
        %get3A_1302 = vector.shape_cast %get3A_1301 : vector<1x16xf32> to vector<16xf32>
        %mul3A_1303 = vector.broadcast %squeeze3A_1210 : f32 to vector<16xf32>
        %mul3A_1304 = arith.mulf %get3A_1302, %mul3A_1303 : vector<16xf32>
        %add3A_1305 = arith.addf %add3A_1298, %mul3A_1304 : vector<16xf32>
        %swap3A_1306 = arith.index_cast %add3A_1204 : i32 to index
        %swap3A_1307 = arith.constant 48 : index
        %swap3A_1308 = tpu.vector_load %arg13[%swap3A_1306, %swap3A_1307] {strides = array<i32>} : memref<128x64xf32, #tpu.memory_space<vmem>>, vector<1x16xf32>,
        %swap3A_1309 = vector.shape_cast %swap3A_1308 : vector<1x16xf32> to vector<16xf32>
        %swap3A_1310 = vector.shape_cast %add3A_1305 : vector<16xf32> to vector<1x16xf32>
        tpu.vector_store %arg13[%swap3A_1306, %swap3A_1307], %swap3A_1310 {strides = array<i32>} : memref<128x64xf32, #tpu.memory_space<vmem>>, vector<1x16xf32>,
        %add3A_1311 = arith.constant 11 : i32
        %add3A_1312 = arith.addi %multiple_of3A, %add3A_1311 : i32
        %slice3A_1313 = vector.extract_strided_slice %get3A_115 {offsets = [11], sizes = [1], strides = [1]} : vector<16xf32> to vector<1xf32>
        %squeeze3A_1314 = vector.extract %slice3A_1313[0] : f32 from vector<1xf32>
        %slice3A_1315 = vector.extract_strided_slice %get3A_120 {offsets = [11], sizes = [1], strides = [1]} : vector<16xf32> to vector<1xf32>
        %squeeze3A_1316 = vector.extract %slice3A_1315[0] : f32 from vector<1xf32>
        %slice3A_1317 = vector.extract_strided_slice %get3A_125 {offsets = [11], sizes = [1], strides = [1]} : vector<16xf32> to vector<1xf32>
        %squeeze3A_1318 = vector.extract %slice3A_1317[0] : f32 from vector<1xf32>
        %get3A_1319 = arith.index_cast %add3A_1312 : i32 to index
        %get3A_1320 = arith.constant 0 : index
        %get3A_1321 = tpu.vector_load %arg9[%get3A_1319, %get3A_1320] {strides = array<i32>} : memref<128x64xf32, #tpu.memory_space<vmem>>, vector<1x16xf32>,
        %get3A_1322 = vector.shape_cast %get3A_1321 : vector<1x16xf32> to vector<16xf32>
        %mul3A_1323 = vector.broadcast %squeeze3A_1314 : f32 to vector<16xf32>
        %mul3A_1324 = arith.mulf %get3A_1322, %mul3A_1323 : vector<16xf32>
        %get3A_1325 = arith.index_cast %add3A_1312 : i32 to index
        %get3A_1326 = arith.constant 0 : index
        %get3A_1327 = tpu.vector_load %arg10[%get3A_1325, %get3A_1326] {strides = array<i32>} : memref<128x64xf32, #tpu.memory_space<vmem>>, vector<1x16xf32>,
        %get3A_1328 = vector.shape_cast %get3A_1327 : vector<1x16xf32> to vector<16xf32>
        %mul3A_1329 = vector.broadcast %squeeze3A_1316 : f32 to vector<16xf32>
        %mul3A_1330 = arith.mulf %get3A_1328, %mul3A_1329 : vector<16xf32>
        %add3A_1331 = arith.addf %mul3A_1324, %mul3A_1330 : vector<16xf32>
        %get3A_1332 = arith.index_cast %add3A_1312 : i32 to index
        %get3A_1333 = arith.constant 0 : index
        %get3A_1334 = tpu.vector_load %arg11[%get3A_1332, %get3A_1333] {strides = array<i32>} : memref<128x64xf32, #tpu.memory_space<vmem>>, vector<1x16xf32>,
        %get3A_1335 = vector.shape_cast %get3A_1334 : vector<1x16xf32> to vector<16xf32>
        %mul3A_1336 = vector.broadcast %squeeze3A_1318 : f32 to vector<16xf32>
        %mul3A_1337 = arith.mulf %get3A_1335, %mul3A_1336 : vector<16xf32>
        %add3A_1338 = arith.addf %add3A_1331, %mul3A_1337 : vector<16xf32>
        %swap3A_1339 = arith.index_cast %add3A_1312 : i32 to index
        %swap3A_1340 = arith.constant 0 : index
        %swap3A_1341 = tpu.vector_load %arg13[%swap3A_1339, %swap3A_1340] {strides = array<i32>} : memref<128x64xf32, #tpu.memory_space<vmem>>, vector<1x16xf32>,
        %swap3A_1342 = vector.shape_cast %swap3A_1341 : vector<1x16xf32> to vector<16xf32>
        %swap3A_1343 = vector.shape_cast %add3A_1338 : vector<16xf32> to vector<1x16xf32>
        tpu.vector_store %arg13[%swap3A_1339, %swap3A_1340], %swap3A_1343 {strides = array<i32>} : memref<128x64xf32, #tpu.memory_space<vmem>>, vector<1x16xf32>,
        %get3A_1344 = arith.index_cast %add3A_1312 : i32 to index
        %get3A_1345 = arith.constant 16 : index
        %get3A_1346 = tpu.vector_load %arg9[%get3A_1344, %get3A_1345] {strides = array<i32>} : memref<128x64xf32, #tpu.memory_space<vmem>>, vector<1x16xf32>,
        %get3A_1347 = vector.shape_cast %get3A_1346 : vector<1x16xf32> to vector<16xf32>
        %mul3A_1348 = vector.broadcast %squeeze3A_1314 : f32 to vector<16xf32>
        %mul3A_1349 = arith.mulf %get3A_1347, %mul3A_1348 : vector<16xf32>
        %get3A_1350 = arith.index_cast %add3A_1312 : i32 to index
        %get3A_1351 = arith.constant 16 : index
        %get3A_1352 = tpu.vector_load %arg10[%get3A_1350, %get3A_1351] {strides = array<i32>} : memref<128x64xf32, #tpu.memory_space<vmem>>, vector<1x16xf32>,
        %get3A_1353 = vector.shape_cast %get3A_1352 : vector<1x16xf32> to vector<16xf32>
        %mul3A_1354 = vector.broadcast %squeeze3A_1316 : f32 to vector<16xf32>
        %mul3A_1355 = arith.mulf %get3A_1353, %mul3A_1354 : vector<16xf32>
        %add3A_1356 = arith.addf %mul3A_1349, %mul3A_1355 : vector<16xf32>
        %get3A_1357 = arith.index_cast %add3A_1312 : i32 to index
        %get3A_1358 = arith.constant 16 : index
        %get3A_1359 = tpu.vector_load %arg11[%get3A_1357, %get3A_1358] {strides = array<i32>} : memref<128x64xf32, #tpu.memory_space<vmem>>, vector<1x16xf32>,
        %get3A_1360 = vector.shape_cast %get3A_1359 : vector<1x16xf32> to vector<16xf32>
        %mul3A_1361 = vector.broadcast %squeeze3A_1318 : f32 to vector<16xf32>
        %mul3A_1362 = arith.mulf %get3A_1360, %mul3A_1361 : vector<16xf32>
        %add3A_1363 = arith.addf %add3A_1356, %mul3A_1362 : vector<16xf32>
        %swap3A_1364 = arith.index_cast %add3A_1312 : i32 to index
        %swap3A_1365 = arith.constant 16 : index
        %swap3A_1366 = tpu.vector_load %arg13[%swap3A_1364, %swap3A_1365] {strides = array<i32>} : memref<128x64xf32, #tpu.memory_space<vmem>>, vector<1x16xf32>,
        %swap3A_1367 = vector.shape_cast %swap3A_1366 : vector<1x16xf32> to vector<16xf32>
        %swap3A_1368 = vector.shape_cast %add3A_1363 : vector<16xf32> to vector<1x16xf32>
        tpu.vector_store %arg13[%swap3A_1364, %swap3A_1365], %swap3A_1368 {strides = array<i32>} : memref<128x64xf32, #tpu.memory_space<vmem>>, vector<1x16xf32>,
        %get3A_1369 = arith.index_cast %add3A_1312 : i32 to index
        %get3A_1370 = arith.constant 32 : index
        %get3A_1371 = tpu.vector_load %arg9[%get3A_1369, %get3A_1370] {strides = array<i32>} : memref<128x64xf32, #tpu.memory_space<vmem>>, vector<1x16xf32>,
        %get3A_1372 = vector.shape_cast %get3A_1371 : vector<1x16xf32> to vector<16xf32>
        %mul3A_1373 = vector.broadcast %squeeze3A_1314 : f32 to vector<16xf32>
        %mul3A_1374 = arith.mulf %get3A_1372, %mul3A_1373 : vector<16xf32>
        %get3A_1375 = arith.index_cast %add3A_1312 : i32 to index
        %get3A_1376 = arith.constant 32 : index
        %get3A_1377 = tpu.vector_load %arg10[%get3A_1375, %get3A_1376] {strides = array<i32>} : memref<128x64xf32, #tpu.memory_space<vmem>>, vector<1x16xf32>,
        %get3A_1378 = vector.shape_cast %get3A_1377 : vector<1x16xf32> to vector<16xf32>
        %mul3A_1379 = vector.broadcast %squeeze3A_1316 : f32 to vector<16xf32>
        %mul3A_1380 = arith.mulf %get3A_1378, %mul3A_1379 : vector<16xf32>
        %add3A_1381 = arith.addf %mul3A_1374, %mul3A_1380 : vector<16xf32>
        %get3A_1382 = arith.index_cast %add3A_1312 : i32 to index
        %get3A_1383 = arith.constant 32 : index
        %get3A_1384 = tpu.vector_load %arg11[%get3A_1382, %get3A_1383] {strides = array<i32>} : memref<128x64xf32, #tpu.memory_space<vmem>>, vector<1x16xf32>,
        %get3A_1385 = vector.shape_cast %get3A_1384 : vector<1x16xf32> to vector<16xf32>
        %mul3A_1386 = vector.broadcast %squeeze3A_1318 : f32 to vector<16xf32>
        %mul3A_1387 = arith.mulf %get3A_1385, %mul3A_1386 : vector<16xf32>
        %add3A_1388 = arith.addf %add3A_1381, %mul3A_1387 : vector<16xf32>
        %swap3A_1389 = arith.index_cast %add3A_1312 : i32 to index
        %swap3A_1390 = arith.constant 32 : index
        %swap3A_1391 = tpu.vector_load %arg13[%swap3A_1389, %swap3A_1390] {strides = array<i32>} : memref<128x64xf32, #tpu.memory_space<vmem>>, vector<1x16xf32>,
        %swap3A_1392 = vector.shape_cast %swap3A_1391 : vector<1x16xf32> to vector<16xf32>
        %swap3A_1393 = vector.shape_cast %add3A_1388 : vector<16xf32> to vector<1x16xf32>
        tpu.vector_store %arg13[%swap3A_1389, %swap3A_1390], %swap3A_1393 {strides = array<i32>} : memref<128x64xf32, #tpu.memory_space<vmem>>, vector<1x16xf32>,
        %get3A_1394 = arith.index_cast %add3A_1312 : i32 to index
        %get3A_1395 = arith.constant 48 : index
        %get3A_1396 = tpu.vector_load %arg9[%get3A_1394, %get3A_1395] {strides = array<i32>} : memref<128x64xf32, #tpu.memory_space<vmem>>, vector<1x16xf32>,
        %get3A_1397 = vector.shape_cast %get3A_1396 : vector<1x16xf32> to vector<16xf32>
        %mul3A_1398 = vector.broadcast %squeeze3A_1314 : f32 to vector<16xf32>
        %mul3A_1399 = arith.mulf %get3A_1397, %mul3A_1398 : vector<16xf32>
        %get3A_1400 = arith.index_cast %add3A_1312 : i32 to index
        %get3A_1401 = arith.constant 48 : index
        %get3A_1402 = tpu.vector_load %arg10[%get3A_1400, %get3A_1401] {strides = array<i32>} : memref<128x64xf32, #tpu.memory_space<vmem>>, vector<1x16xf32>,
        %get3A_1403 = vector.shape_cast %get3A_1402 : vector<1x16xf32> to vector<16xf32>
        %mul3A_1404 = vector.broadcast %squeeze3A_1316 : f32 to vector<16xf32>
        %mul3A_1405 = arith.mulf %get3A_1403, %mul3A_1404 : vector<16xf32>
        %add3A_1406 = arith.addf %mul3A_1399, %mul3A_1405 : vector<16xf32>
        %get3A_1407 = arith.index_cast %add3A_1312 : i32 to index
        %get3A_1408 = arith.constant 48 : index
        %get3A_1409 = tpu.vector_load %arg11[%get3A_1407, %get3A_1408] {strides = array<i32>} : memref<128x64xf32, #tpu.memory_space<vmem>>, vector<1x16xf32>,
        %get3A_1410 = vector.shape_cast %get3A_1409 : vector<1x16xf32> to vector<16xf32>
        %mul3A_1411 = vector.broadcast %squeeze3A_1318 : f32 to vector<16xf32>
        %mul3A_1412 = arith.mulf %get3A_1410, %mul3A_1411 : vector<16xf32>
        %add3A_1413 = arith.addf %add3A_1406, %mul3A_1412 : vector<16xf32>
        %swap3A_1414 = arith.index_cast %add3A_1312 : i32 to index
        %swap3A_1415 = arith.constant 48 : index
        %swap3A_1416 = tpu.vector_load %arg13[%swap3A_1414, %swap3A_1415] {strides = array<i32>} : memref<128x64xf32, #tpu.memory_space<vmem>>, vector<1x16xf32>,
        %swap3A_1417 = vector.shape_cast %swap3A_1416 : vector<1x16xf32> to vector<16xf32>
        %swap3A_1418 = vector.shape_cast %add3A_1413 : vector<16xf32> to vector<1x16xf32>
        tpu.vector_store %arg13[%swap3A_1414, %swap3A_1415], %swap3A_1418 {strides = array<i32>} : memref<128x64xf32, #tpu.memory_space<vmem>>, vector<1x16xf32>,
        %add3A_1419 = arith.constant 12 : i32
        %add3A_1420 = arith.addi %multiple_of3A, %add3A_1419 : i32
        %slice3A_1421 = vector.extract_strided_slice %get3A_115 {offsets = [12], sizes = [1], strides = [1]} : vector<16xf32> to vector<1xf32>
        %squeeze3A_1422 = vector.extract %slice3A_1421[0] : f32 from vector<1xf32>
        %slice3A_1423 = vector.extract_strided_slice %get3A_120 {offsets = [12], sizes = [1], strides = [1]} : vector<16xf32> to vector<1xf32>
        %squeeze3A_1424 = vector.extract %slice3A_1423[0] : f32 from vector<1xf32>
        %slice3A_1425 = vector.extract_strided_slice %get3A_125 {offsets = [12], sizes = [1], strides = [1]} : vector<16xf32> to vector<1xf32>
        %squeeze3A_1426 = vector.extract %slice3A_1425[0] : f32 from vector<1xf32>
        %get3A_1427 = arith.index_cast %add3A_1420 : i32 to index
        %get3A_1428 = arith.constant 0 : index
        %get3A_1429 = tpu.vector_load %arg9[%get3A_1427, %get3A_1428] {strides = array<i32>} : memref<128x64xf32, #tpu.memory_space<vmem>>, vector<1x16xf32>,
        %get3A_1430 = vector.shape_cast %get3A_1429 : vector<1x16xf32> to vector<16xf32>
        %mul3A_1431 = vector.broadcast %squeeze3A_1422 : f32 to vector<16xf32>
        %mul3A_1432 = arith.mulf %get3A_1430, %mul3A_1431 : vector<16xf32>
        %get3A_1433 = arith.index_cast %add3A_1420 : i32 to index
        %get3A_1434 = arith.constant 0 : index
        %get3A_1435 = tpu.vector_load %arg10[%get3A_1433, %get3A_1434] {strides = array<i32>} : memref<128x64xf32, #tpu.memory_space<vmem>>, vector<1x16xf32>,
        %get3A_1436 = vector.shape_cast %get3A_1435 : vector<1x16xf32> to vector<16xf32>
        %mul3A_1437 = vector.broadcast %squeeze3A_1424 : f32 to vector<16xf32>
        %mul3A_1438 = arith.mulf %get3A_1436, %mul3A_1437 : vector<16xf32>
        %add3A_1439 = arith.addf %mul3A_1432, %mul3A_1438 : vector<16xf32>
        %get3A_1440 = arith.index_cast %add3A_1420 : i32 to index
        %get3A_1441 = arith.constant 0 : index
        %get3A_1442 = tpu.vector_load %arg11[%get3A_1440, %get3A_1441] {strides = array<i32>} : memref<128x64xf32, #tpu.memory_space<vmem>>, vector<1x16xf32>,
        %get3A_1443 = vector.shape_cast %get3A_1442 : vector<1x16xf32> to vector<16xf32>
        %mul3A_1444 = vector.broadcast %squeeze3A_1426 : f32 to vector<16xf32>
        %mul3A_1445 = arith.mulf %get3A_1443, %mul3A_1444 : vector<16xf32>
        %add3A_1446 = arith.addf %add3A_1439, %mul3A_1445 : vector<16xf32>
        %swap3A_1447 = arith.index_cast %add3A_1420 : i32 to index
        %swap3A_1448 = arith.constant 0 : index
        %swap3A_1449 = tpu.vector_load %arg13[%swap3A_1447, %swap3A_1448] {strides = array<i32>} : memref<128x64xf32, #tpu.memory_space<vmem>>, vector<1x16xf32>,
        %swap3A_1450 = vector.shape_cast %swap3A_1449 : vector<1x16xf32> to vector<16xf32>
        %swap3A_1451 = vector.shape_cast %add3A_1446 : vector<16xf32> to vector<1x16xf32>
        tpu.vector_store %arg13[%swap3A_1447, %swap3A_1448], %swap3A_1451 {strides = array<i32>} : memref<128x64xf32, #tpu.memory_space<vmem>>, vector<1x16xf32>,
        %get3A_1452 = arith.index_cast %add3A_1420 : i32 to index
        %get3A_1453 = arith.constant 16 : index
        %get3A_1454 = tpu.vector_load %arg9[%get3A_1452, %get3A_1453] {strides = array<i32>} : memref<128x64xf32, #tpu.memory_space<vmem>>, vector<1x16xf32>,
        %get3A_1455 = vector.shape_cast %get3A_1454 : vector<1x16xf32> to vector<16xf32>
        %mul3A_1456 = vector.broadcast %squeeze3A_1422 : f32 to vector<16xf32>
        %mul3A_1457 = arith.mulf %get3A_1455, %mul3A_1456 : vector<16xf32>
        %get3A_1458 = arith.index_cast %add3A_1420 : i32 to index
        %get3A_1459 = arith.constant 16 : index
        %get3A_1460 = tpu.vector_load %arg10[%get3A_1458, %get3A_1459] {strides = array<i32>} : memref<128x64xf32, #tpu.memory_space<vmem>>, vector<1x16xf32>,
        %get3A_1461 = vector.shape_cast %get3A_1460 : vector<1x16xf32> to vector<16xf32>
        %mul3A_1462 = vector.broadcast %squeeze3A_1424 : f32 to vector<16xf32>
        %mul3A_1463 = arith.mulf %get3A_1461, %mul3A_1462 : vector<16xf32>
        %add3A_1464 = arith.addf %mul3A_1457, %mul3A_1463 : vector<16xf32>
        %get3A_1465 = arith.index_cast %add3A_1420 : i32 to index
        %get3A_1466 = arith.constant 16 : index
        %get3A_1467 = tpu.vector_load %arg11[%get3A_1465, %get3A_1466] {strides = array<i32>} : memref<128x64xf32, #tpu.memory_space<vmem>>, vector<1x16xf32>,
        %get3A_1468 = vector.shape_cast %get3A_1467 : vector<1x16xf32> to vector<16xf32>
        %mul3A_1469 = vector.broadcast %squeeze3A_1426 : f32 to vector<16xf32>
        %mul3A_1470 = arith.mulf %get3A_1468, %mul3A_1469 : vector<16xf32>
        %add3A_1471 = arith.addf %add3A_1464, %mul3A_1470 : vector<16xf32>
        %swap3A_1472 = arith.index_cast %add3A_1420 : i32 to index
        %swap3A_1473 = arith.constant 16 : index
        %swap3A_1474 = tpu.vector_load %arg13[%swap3A_1472, %swap3A_1473] {strides = array<i32>} : memref<128x64xf32, #tpu.memory_space<vmem>>, vector<1x16xf32>,
        %swap3A_1475 = vector.shape_cast %swap3A_1474 : vector<1x16xf32> to vector<16xf32>
        %swap3A_1476 = vector.shape_cast %add3A_1471 : vector<16xf32> to vector<1x16xf32>
        tpu.vector_store %arg13[%swap3A_1472, %swap3A_1473], %swap3A_1476 {strides = array<i32>} : memref<128x64xf32, #tpu.memory_space<vmem>>, vector<1x16xf32>,
        %get3A_1477 = arith.index_cast %add3A_1420 : i32 to index
        %get3A_1478 = arith.constant 32 : index
        %get3A_1479 = tpu.vector_load %arg9[%get3A_1477, %get3A_1478] {strides = array<i32>} : memref<128x64xf32, #tpu.memory_space<vmem>>, vector<1x16xf32>,
        %get3A_1480 = vector.shape_cast %get3A_1479 : vector<1x16xf32> to vector<16xf32>
        %mul3A_1481 = vector.broadcast %squeeze3A_1422 : f32 to vector<16xf32>
        %mul3A_1482 = arith.mulf %get3A_1480, %mul3A_1481 : vector<16xf32>
        %get3A_1483 = arith.index_cast %add3A_1420 : i32 to index
        %get3A_1484 = arith.constant 32 : index
        %get3A_1485 = tpu.vector_load %arg10[%get3A_1483, %get3A_1484] {strides = array<i32>} : memref<128x64xf32, #tpu.memory_space<vmem>>, vector<1x16xf32>,
        %get3A_1486 = vector.shape_cast %get3A_1485 : vector<1x16xf32> to vector<16xf32>
        %mul3A_1487 = vector.broadcast %squeeze3A_1424 : f32 to vector<16xf32>
        %mul3A_1488 = arith.mulf %get3A_1486, %mul3A_1487 : vector<16xf32>
        %add3A_1489 = arith.addf %mul3A_1482, %mul3A_1488 : vector<16xf32>
        %get3A_1490 = arith.index_cast %add3A_1420 : i32 to index
        %get3A_1491 = arith.constant 32 : index
        %get3A_1492 = tpu.vector_load %arg11[%get3A_1490, %get3A_1491] {strides = array<i32>} : memref<128x64xf32, #tpu.memory_space<vmem>>, vector<1x16xf32>,
        %get3A_1493 = vector.shape_cast %get3A_1492 : vector<1x16xf32> to vector<16xf32>
        %mul3A_1494 = vector.broadcast %squeeze3A_1426 : f32 to vector<16xf32>
        %mul3A_1495 = arith.mulf %get3A_1493, %mul3A_1494 : vector<16xf32>
        %add3A_1496 = arith.addf %add3A_1489, %mul3A_1495 : vector<16xf32>
        %swap3A_1497 = arith.index_cast %add3A_1420 : i32 to index
        %swap3A_1498 = arith.constant 32 : index
        %swap3A_1499 = tpu.vector_load %arg13[%swap3A_1497, %swap3A_1498] {strides = array<i32>} : memref<128x64xf32, #tpu.memory_space<vmem>>, vector<1x16xf32>,
        %swap3A_1500 = vector.shape_cast %swap3A_1499 : vector<1x16xf32> to vector<16xf32>
        %swap3A_1501 = vector.shape_cast %add3A_1496 : vector<16xf32> to vector<1x16xf32>
        tpu.vector_store %arg13[%swap3A_1497, %swap3A_1498], %swap3A_1501 {strides = array<i32>} : memref<128x64xf32, #tpu.memory_space<vmem>>, vector<1x16xf32>,
        %get3A_1502 = arith.index_cast %add3A_1420 : i32 to index
        %get3A_1503 = arith.constant 48 : index
        %get3A_1504 = tpu.vector_load %arg9[%get3A_1502, %get3A_1503] {strides = array<i32>} : memref<128x64xf32, #tpu.memory_space<vmem>>, vector<1x16xf32>,
        %get3A_1505 = vector.shape_cast %get3A_1504 : vector<1x16xf32> to vector<16xf32>
        %mul3A_1506 = vector.broadcast %squeeze3A_1422 : f32 to vector<16xf32>
        %mul3A_1507 = arith.mulf %get3A_1505, %mul3A_1506 : vector<16xf32>
        %get3A_1508 = arith.index_cast %add3A_1420 : i32 to index
        %get3A_1509 = arith.constant 48 : index
        %get3A_1510 = tpu.vector_load %arg10[%get3A_1508, %get3A_1509] {strides = array<i32>} : memref<128x64xf32, #tpu.memory_space<vmem>>, vector<1x16xf32>,
        %get3A_1511 = vector.shape_cast %get3A_1510 : vector<1x16xf32> to vector<16xf32>
        %mul3A_1512 = vector.broadcast %squeeze3A_1424 : f32 to vector<16xf32>
        %mul3A_1513 = arith.mulf %get3A_1511, %mul3A_1512 : vector<16xf32>
        %add3A_1514 = arith.addf %mul3A_1507, %mul3A_1513 : vector<16xf32>
        %get3A_1515 = arith.index_cast %add3A_1420 : i32 to index
        %get3A_1516 = arith.constant 48 : index
        %get3A_1517 = tpu.vector_load %arg11[%get3A_1515, %get3A_1516] {strides = array<i32>} : memref<128x64xf32, #tpu.memory_space<vmem>>, vector<1x16xf32>,
        %get3A_1518 = vector.shape_cast %get3A_1517 : vector<1x16xf32> to vector<16xf32>
        %mul3A_1519 = vector.broadcast %squeeze3A_1426 : f32 to vector<16xf32>
        %mul3A_1520 = arith.mulf %get3A_1518, %mul3A_1519 : vector<16xf32>
        %add3A_1521 = arith.addf %add3A_1514, %mul3A_1520 : vector<16xf32>
        %swap3A_1522 = arith.index_cast %add3A_1420 : i32 to index
        %swap3A_1523 = arith.constant 48 : index
        %swap3A_1524 = tpu.vector_load %arg13[%swap3A_1522, %swap3A_1523] {strides = array<i32>} : memref<128x64xf32, #tpu.memory_space<vmem>>, vector<1x16xf32>,
        %swap3A_1525 = vector.shape_cast %swap3A_1524 : vector<1x16xf32> to vector<16xf32>
        %swap3A_1526 = vector.shape_cast %add3A_1521 : vector<16xf32> to vector<1x16xf32>
        tpu.vector_store %arg13[%swap3A_1522, %swap3A_1523], %swap3A_1526 {strides = array<i32>} : memref<128x64xf32, #tpu.memory_space<vmem>>, vector<1x16xf32>,
        %add3A_1527 = arith.constant 13 : i32
        %add3A_1528 = arith.addi %multiple_of3A, %add3A_1527 : i32
        %slice3A_1529 = vector.extract_strided_slice %get3A_115 {offsets = [13], sizes = [1], strides = [1]} : vector<16xf32> to vector<1xf32>
        %squeeze3A_1530 = vector.extract %slice3A_1529[0] : f32 from vector<1xf32>
        %slice3A_1531 = vector.extract_strided_slice %get3A_120 {offsets = [13], sizes = [1], strides = [1]} : vector<16xf32> to vector<1xf32>
        %squeeze3A_1532 = vector.extract %slice3A_1531[0] : f32 from vector<1xf32>
        %slice3A_1533 = vector.extract_strided_slice %get3A_125 {offsets = [13], sizes = [1], strides = [1]} : vector<16xf32> to vector<1xf32>
        %squeeze3A_1534 = vector.extract %slice3A_1533[0] : f32 from vector<1xf32>
        %get3A_1535 = arith.index_cast %add3A_1528 : i32 to index
        %get3A_1536 = arith.constant 0 : index
        %get3A_1537 = tpu.vector_load %arg9[%get3A_1535, %get3A_1536] {strides = array<i32>} : memref<128x64xf32, #tpu.memory_space<vmem>>, vector<1x16xf32>,
        %get3A_1538 = vector.shape_cast %get3A_1537 : vector<1x16xf32> to vector<16xf32>
        %mul3A_1539 = vector.broadcast %squeeze3A_1530 : f32 to vector<16xf32>
        %mul3A_1540 = arith.mulf %get3A_1538, %mul3A_1539 : vector<16xf32>
        %get3A_1541 = arith.index_cast %add3A_1528 : i32 to index
        %get3A_1542 = arith.constant 0 : index
        %get3A_1543 = tpu.vector_load %arg10[%get3A_1541, %get3A_1542] {strides = array<i32>} : memref<128x64xf32, #tpu.memory_space<vmem>>, vector<1x16xf32>,
        %get3A_1544 = vector.shape_cast %get3A_1543 : vector<1x16xf32> to vector<16xf32>
        %mul3A_1545 = vector.broadcast %squeeze3A_1532 : f32 to vector<16xf32>
        %mul3A_1546 = arith.mulf %get3A_1544, %mul3A_1545 : vector<16xf32>
        %add3A_1547 = arith.addf %mul3A_1540, %mul3A_1546 : vector<16xf32>
        %get3A_1548 = arith.index_cast %add3A_1528 : i32 to index
        %get3A_1549 = arith.constant 0 : index
        %get3A_1550 = tpu.vector_load %arg11[%get3A_1548, %get3A_1549] {strides = array<i32>} : memref<128x64xf32, #tpu.memory_space<vmem>>, vector<1x16xf32>,
        %get3A_1551 = vector.shape_cast %get3A_1550 : vector<1x16xf32> to vector<16xf32>
        %mul3A_1552 = vector.broadcast %squeeze3A_1534 : f32 to vector<16xf32>
        %mul3A_1553 = arith.mulf %get3A_1551, %mul3A_1552 : vector<16xf32>
        %add3A_1554 = arith.addf %add3A_1547, %mul3A_1553 : vector<16xf32>
        %swap3A_1555 = arith.index_cast %add3A_1528 : i32 to index
        %swap3A_1556 = arith.constant 0 : index
        %swap3A_1557 = tpu.vector_load %arg13[%swap3A_1555, %swap3A_1556] {strides = array<i32>} : memref<128x64xf32, #tpu.memory_space<vmem>>, vector<1x16xf32>,
        %swap3A_1558 = vector.shape_cast %swap3A_1557 : vector<1x16xf32> to vector<16xf32>
        %swap3A_1559 = vector.shape_cast %add3A_1554 : vector<16xf32> to vector<1x16xf32>
        tpu.vector_store %arg13[%swap3A_1555, %swap3A_1556], %swap3A_1559 {strides = array<i32>} : memref<128x64xf32, #tpu.memory_space<vmem>>, vector<1x16xf32>,
        %get3A_1560 = arith.index_cast %add3A_1528 : i32 to index
        %get3A_1561 = arith.constant 16 : index
        %get3A_1562 = tpu.vector_load %arg9[%get3A_1560, %get3A_1561] {strides = array<i32>} : memref<128x64xf32, #tpu.memory_space<vmem>>, vector<1x16xf32>,
        %get3A_1563 = vector.shape_cast %get3A_1562 : vector<1x16xf32> to vector<16xf32>
        %mul3A_1564 = vector.broadcast %squeeze3A_1530 : f32 to vector<16xf32>
        %mul3A_1565 = arith.mulf %get3A_1563, %mul3A_1564 : vector<16xf32>
        %get3A_1566 = arith.index_cast %add3A_1528 : i32 to index
        %get3A_1567 = arith.constant 16 : index
        %get3A_1568 = tpu.vector_load %arg10[%get3A_1566, %get3A_1567] {strides = array<i32>} : memref<128x64xf32, #tpu.memory_space<vmem>>, vector<1x16xf32>,
        %get3A_1569 = vector.shape_cast %get3A_1568 : vector<1x16xf32> to vector<16xf32>
        %mul3A_1570 = vector.broadcast %squeeze3A_1532 : f32 to vector<16xf32>
        %mul3A_1571 = arith.mulf %get3A_1569, %mul3A_1570 : vector<16xf32>
        %add3A_1572 = arith.addf %mul3A_1565, %mul3A_1571 : vector<16xf32>
        %get3A_1573 = arith.index_cast %add3A_1528 : i32 to index
        %get3A_1574 = arith.constant 16 : index
        %get3A_1575 = tpu.vector_load %arg11[%get3A_1573, %get3A_1574] {strides = array<i32>} : memref<128x64xf32, #tpu.memory_space<vmem>>, vector<1x16xf32>,
        %get3A_1576 = vector.shape_cast %get3A_1575 : vector<1x16xf32> to vector<16xf32>
        %mul3A_1577 = vector.broadcast %squeeze3A_1534 : f32 to vector<16xf32>
        %mul3A_1578 = arith.mulf %get3A_1576, %mul3A_1577 : vector<16xf32>
        %add3A_1579 = arith.addf %add3A_1572, %mul3A_1578 : vector<16xf32>
        %swap3A_1580 = arith.index_cast %add3A_1528 : i32 to index
        %swap3A_1581 = arith.constant 16 : index
        %swap3A_1582 = tpu.vector_load %arg13[%swap3A_1580, %swap3A_1581] {strides = array<i32>} : memref<128x64xf32, #tpu.memory_space<vmem>>, vector<1x16xf32>,
        %swap3A_1583 = vector.shape_cast %swap3A_1582 : vector<1x16xf32> to vector<16xf32>
        %swap3A_1584 = vector.shape_cast %add3A_1579 : vector<16xf32> to vector<1x16xf32>
        tpu.vector_store %arg13[%swap3A_1580, %swap3A_1581], %swap3A_1584 {strides = array<i32>} : memref<128x64xf32, #tpu.memory_space<vmem>>, vector<1x16xf32>,
        %get3A_1585 = arith.index_cast %add3A_1528 : i32 to index
        %get3A_1586 = arith.constant 32 : index
        %get3A_1587 = tpu.vector_load %arg9[%get3A_1585, %get3A_1586] {strides = array<i32>} : memref<128x64xf32, #tpu.memory_space<vmem>>, vector<1x16xf32>,
        %get3A_1588 = vector.shape_cast %get3A_1587 : vector<1x16xf32> to vector<16xf32>
        %mul3A_1589 = vector.broadcast %squeeze3A_1530 : f32 to vector<16xf32>
        %mul3A_1590 = arith.mulf %get3A_1588, %mul3A_1589 : vector<16xf32>
        %get3A_1591 = arith.index_cast %add3A_1528 : i32 to index
        %get3A_1592 = arith.constant 32 : index
        %get3A_1593 = tpu.vector_load %arg10[%get3A_1591, %get3A_1592] {strides = array<i32>} : memref<128x64xf32, #tpu.memory_space<vmem>>, vector<1x16xf32>,
        %get3A_1594 = vector.shape_cast %get3A_1593 : vector<1x16xf32> to vector<16xf32>
        %mul3A_1595 = vector.broadcast %squeeze3A_1532 : f32 to vector<16xf32>
        %mul3A_1596 = arith.mulf %get3A_1594, %mul3A_1595 : vector<16xf32>
        %add3A_1597 = arith.addf %mul3A_1590, %mul3A_1596 : vector<16xf32>
        %get3A_1598 = arith.index_cast %add3A_1528 : i32 to index
        %get3A_1599 = arith.constant 32 : index
        %get3A_1600 = tpu.vector_load %arg11[%get3A_1598, %get3A_1599] {strides = array<i32>} : memref<128x64xf32, #tpu.memory_space<vmem>>, vector<1x16xf32>,
        %get3A_1601 = vector.shape_cast %get3A_1600 : vector<1x16xf32> to vector<16xf32>
        %mul3A_1602 = vector.broadcast %squeeze3A_1534 : f32 to vector<16xf32>
        %mul3A_1603 = arith.mulf %get3A_1601, %mul3A_1602 : vector<16xf32>
        %add3A_1604 = arith.addf %add3A_1597, %mul3A_1603 : vector<16xf32>
        %swap3A_1605 = arith.index_cast %add3A_1528 : i32 to index
        %swap3A_1606 = arith.constant 32 : index
        %swap3A_1607 = tpu.vector_load %arg13[%swap3A_1605, %swap3A_1606] {strides = array<i32>} : memref<128x64xf32, #tpu.memory_space<vmem>>, vector<1x16xf32>,
        %swap3A_1608 = vector.shape_cast %swap3A_1607 : vector<1x16xf32> to vector<16xf32>
        %swap3A_1609 = vector.shape_cast %add3A_1604 : vector<16xf32> to vector<1x16xf32>
        tpu.vector_store %arg13[%swap3A_1605, %swap3A_1606], %swap3A_1609 {strides = array<i32>} : memref<128x64xf32, #tpu.memory_space<vmem>>, vector<1x16xf32>,
        %get3A_1610 = arith.index_cast %add3A_1528 : i32 to index
        %get3A_1611 = arith.constant 48 : index
        %get3A_1612 = tpu.vector_load %arg9[%get3A_1610, %get3A_1611] {strides = array<i32>} : memref<128x64xf32, #tpu.memory_space<vmem>>, vector<1x16xf32>,
        %get3A_1613 = vector.shape_cast %get3A_1612 : vector<1x16xf32> to vector<16xf32>
        %mul3A_1614 = vector.broadcast %squeeze3A_1530 : f32 to vector<16xf32>
        %mul3A_1615 = arith.mulf %get3A_1613, %mul3A_1614 : vector<16xf32>
        %get3A_1616 = arith.index_cast %add3A_1528 : i32 to index
        %get3A_1617 = arith.constant 48 : index
        %get3A_1618 = tpu.vector_load %arg10[%get3A_1616, %get3A_1617] {strides = array<i32>} : memref<128x64xf32, #tpu.memory_space<vmem>>, vector<1x16xf32>,
        %get3A_1619 = vector.shape_cast %get3A_1618 : vector<1x16xf32> to vector<16xf32>
        %mul3A_1620 = vector.broadcast %squeeze3A_1532 : f32 to vector<16xf32>
        %mul3A_1621 = arith.mulf %get3A_1619, %mul3A_1620 : vector<16xf32>
        %add3A_1622 = arith.addf %mul3A_1615, %mul3A_1621 : vector<16xf32>
        %get3A_1623 = arith.index_cast %add3A_1528 : i32 to index
        %get3A_1624 = arith.constant 48 : index
        %get3A_1625 = tpu.vector_load %arg11[%get3A_1623, %get3A_1624] {strides = array<i32>} : memref<128x64xf32, #tpu.memory_space<vmem>>, vector<1x16xf32>,
        %get3A_1626 = vector.shape_cast %get3A_1625 : vector<1x16xf32> to vector<16xf32>
        %mul3A_1627 = vector.broadcast %squeeze3A_1534 : f32 to vector<16xf32>
        %mul3A_1628 = arith.mulf %get3A_1626, %mul3A_1627 : vector<16xf32>
        %add3A_1629 = arith.addf %add3A_1622, %mul3A_1628 : vector<16xf32>
        %swap3A_1630 = arith.index_cast %add3A_1528 : i32 to index
        %swap3A_1631 = arith.constant 48 : index
        %swap3A_1632 = tpu.vector_load %arg13[%swap3A_1630, %swap3A_1631] {strides = array<i32>} : memref<128x64xf32, #tpu.memory_space<vmem>>, vector<1x16xf32>,
        %swap3A_1633 = vector.shape_cast %swap3A_1632 : vector<1x16xf32> to vector<16xf32>
        %swap3A_1634 = vector.shape_cast %add3A_1629 : vector<16xf32> to vector<1x16xf32>
        tpu.vector_store %arg13[%swap3A_1630, %swap3A_1631], %swap3A_1634 {strides = array<i32>} : memref<128x64xf32, #tpu.memory_space<vmem>>, vector<1x16xf32>,
        %add3A_1635 = arith.constant 14 : i32
        %add3A_1636 = arith.addi %multiple_of3A, %add3A_1635 : i32
        %slice3A_1637 = vector.extract_strided_slice %get3A_115 {offsets = [14], sizes = [1], strides = [1]} : vector<16xf32> to vector<1xf32>
        %squeeze3A_1638 = vector.extract %slice3A_1637[0] : f32 from vector<1xf32>
        %slice3A_1639 = vector.extract_strided_slice %get3A_120 {offsets = [14], sizes = [1], strides = [1]} : vector<16xf32> to vector<1xf32>
        %squeeze3A_1640 = vector.extract %slice3A_1639[0] : f32 from vector<1xf32>
        %slice3A_1641 = vector.extract_strided_slice %get3A_125 {offsets = [14], sizes = [1], strides = [1]} : vector<16xf32> to vector<1xf32>
        %squeeze3A_1642 = vector.extract %slice3A_1641[0] : f32 from vector<1xf32>
        %get3A_1643 = arith.index_cast %add3A_1636 : i32 to index
        %get3A_1644 = arith.constant 0 : index
        %get3A_1645 = tpu.vector_load %arg9[%get3A_1643, %get3A_1644] {strides = array<i32>} : memref<128x64xf32, #tpu.memory_space<vmem>>, vector<1x16xf32>,
        %get3A_1646 = vector.shape_cast %get3A_1645 : vector<1x16xf32> to vector<16xf32>
        %mul3A_1647 = vector.broadcast %squeeze3A_1638 : f32 to vector<16xf32>
        %mul3A_1648 = arith.mulf %get3A_1646, %mul3A_1647 : vector<16xf32>
        %get3A_1649 = arith.index_cast %add3A_1636 : i32 to index
        %get3A_1650 = arith.constant 0 : index
        %get3A_1651 = tpu.vector_load %arg10[%get3A_1649, %get3A_1650] {strides = array<i32>} : memref<128x64xf32, #tpu.memory_space<vmem>>, vector<1x16xf32>,
        %get3A_1652 = vector.shape_cast %get3A_1651 : vector<1x16xf32> to vector<16xf32>
        %mul3A_1653 = vector.broadcast %squeeze3A_1640 : f32 to vector<16xf32>
        %mul3A_1654 = arith.mulf %get3A_1652, %mul3A_1653 : vector<16xf32>
        %add3A_1655 = arith.addf %mul3A_1648, %mul3A_1654 : vector<16xf32>
        %get3A_1656 = arith.index_cast %add3A_1636 : i32 to index
        %get3A_1657 = arith.constant 0 : index
        %get3A_1658 = tpu.vector_load %arg11[%get3A_1656, %get3A_1657] {strides = array<i32>} : memref<128x64xf32, #tpu.memory_space<vmem>>, vector<1x16xf32>,
        %get3A_1659 = vector.shape_cast %get3A_1658 : vector<1x16xf32> to vector<16xf32>
        %mul3A_1660 = vector.broadcast %squeeze3A_1642 : f32 to vector<16xf32>
        %mul3A_1661 = arith.mulf %get3A_1659, %mul3A_1660 : vector<16xf32>
        %add3A_1662 = arith.addf %add3A_1655, %mul3A_1661 : vector<16xf32>
        %swap3A_1663 = arith.index_cast %add3A_1636 : i32 to index
        %swap3A_1664 = arith.constant 0 : index
        %swap3A_1665 = tpu.vector_load %arg13[%swap3A_1663, %swap3A_1664] {strides = array<i32>} : memref<128x64xf32, #tpu.memory_space<vmem>>, vector<1x16xf32>,
        %swap3A_1666 = vector.shape_cast %swap3A_1665 : vector<1x16xf32> to vector<16xf32>
        %swap3A_1667 = vector.shape_cast %add3A_1662 : vector<16xf32> to vector<1x16xf32>
        tpu.vector_store %arg13[%swap3A_1663, %swap3A_1664], %swap3A_1667 {strides = array<i32>} : memref<128x64xf32, #tpu.memory_space<vmem>>, vector<1x16xf32>,
        %get3A_1668 = arith.index_cast %add3A_1636 : i32 to index
        %get3A_1669 = arith.constant 16 : index
        %get3A_1670 = tpu.vector_load %arg9[%get3A_1668, %get3A_1669] {strides = array<i32>} : memref<128x64xf32, #tpu.memory_space<vmem>>, vector<1x16xf32>,
        %get3A_1671 = vector.shape_cast %get3A_1670 : vector<1x16xf32> to vector<16xf32>
        %mul3A_1672 = vector.broadcast %squeeze3A_1638 : f32 to vector<16xf32>
        %mul3A_1673 = arith.mulf %get3A_1671, %mul3A_1672 : vector<16xf32>
        %get3A_1674 = arith.index_cast %add3A_1636 : i32 to index
        %get3A_1675 = arith.constant 16 : index
        %get3A_1676 = tpu.vector_load %arg10[%get3A_1674, %get3A_1675] {strides = array<i32>} : memref<128x64xf32, #tpu.memory_space<vmem>>, vector<1x16xf32>,
        %get3A_1677 = vector.shape_cast %get3A_1676 : vector<1x16xf32> to vector<16xf32>
        %mul3A_1678 = vector.broadcast %squeeze3A_1640 : f32 to vector<16xf32>
        %mul3A_1679 = arith.mulf %get3A_1677, %mul3A_1678 : vector<16xf32>
        %add3A_1680 = arith.addf %mul3A_1673, %mul3A_1679 : vector<16xf32>
        %get3A_1681 = arith.index_cast %add3A_1636 : i32 to index
        %get3A_1682 = arith.constant 16 : index
        %get3A_1683 = tpu.vector_load %arg11[%get3A_1681, %get3A_1682] {strides = array<i32>} : memref<128x64xf32, #tpu.memory_space<vmem>>, vector<1x16xf32>,
        %get3A_1684 = vector.shape_cast %get3A_1683 : vector<1x16xf32> to vector<16xf32>
        %mul3A_1685 = vector.broadcast %squeeze3A_1642 : f32 to vector<16xf32>
        %mul3A_1686 = arith.mulf %get3A_1684, %mul3A_1685 : vector<16xf32>
        %add3A_1687 = arith.addf %add3A_1680, %mul3A_1686 : vector<16xf32>
        %swap3A_1688 = arith.index_cast %add3A_1636 : i32 to index
        %swap3A_1689 = arith.constant 16 : index
        %swap3A_1690 = tpu.vector_load %arg13[%swap3A_1688, %swap3A_1689] {strides = array<i32>} : memref<128x64xf32, #tpu.memory_space<vmem>>, vector<1x16xf32>,
        %swap3A_1691 = vector.shape_cast %swap3A_1690 : vector<1x16xf32> to vector<16xf32>
        %swap3A_1692 = vector.shape_cast %add3A_1687 : vector<16xf32> to vector<1x16xf32>
        tpu.vector_store %arg13[%swap3A_1688, %swap3A_1689], %swap3A_1692 {strides = array<i32>} : memref<128x64xf32, #tpu.memory_space<vmem>>, vector<1x16xf32>,
        %get3A_1693 = arith.index_cast %add3A_1636 : i32 to index
        %get3A_1694 = arith.constant 32 : index
        %get3A_1695 = tpu.vector_load %arg9[%get3A_1693, %get3A_1694] {strides = array<i32>} : memref<128x64xf32, #tpu.memory_space<vmem>>, vector<1x16xf32>,
        %get3A_1696 = vector.shape_cast %get3A_1695 : vector<1x16xf32> to vector<16xf32>
        %mul3A_1697 = vector.broadcast %squeeze3A_1638 : f32 to vector<16xf32>
        %mul3A_1698 = arith.mulf %get3A_1696, %mul3A_1697 : vector<16xf32>
        %get3A_1699 = arith.index_cast %add3A_1636 : i32 to index
        %get3A_1700 = arith.constant 32 : index
        %get3A_1701 = tpu.vector_load %arg10[%get3A_1699, %get3A_1700] {strides = array<i32>} : memref<128x64xf32, #tpu.memory_space<vmem>>, vector<1x16xf32>,
        %get3A_1702 = vector.shape_cast %get3A_1701 : vector<1x16xf32> to vector<16xf32>
        %mul3A_1703 = vector.broadcast %squeeze3A_1640 : f32 to vector<16xf32>
        %mul3A_1704 = arith.mulf %get3A_1702, %mul3A_1703 : vector<16xf32>
        %add3A_1705 = arith.addf %mul3A_1698, %mul3A_1704 : vector<16xf32>
        %get3A_1706 = arith.index_cast %add3A_1636 : i32 to index
        %get3A_1707 = arith.constant 32 : index
        %get3A_1708 = tpu.vector_load %arg11[%get3A_1706, %get3A_1707] {strides = array<i32>} : memref<128x64xf32, #tpu.memory_space<vmem>>, vector<1x16xf32>,
        %get3A_1709 = vector.shape_cast %get3A_1708 : vector<1x16xf32> to vector<16xf32>
        %mul3A_1710 = vector.broadcast %squeeze3A_1642 : f32 to vector<16xf32>
        %mul3A_1711 = arith.mulf %get3A_1709, %mul3A_1710 : vector<16xf32>
        %add3A_1712 = arith.addf %add3A_1705, %mul3A_1711 : vector<16xf32>
        %swap3A_1713 = arith.index_cast %add3A_1636 : i32 to index
        %swap3A_1714 = arith.constant 32 : index
        %swap3A_1715 = tpu.vector_load %arg13[%swap3A_1713, %swap3A_1714] {strides = array<i32>} : memref<128x64xf32, #tpu.memory_space<vmem>>, vector<1x16xf32>,
        %swap3A_1716 = vector.shape_cast %swap3A_1715 : vector<1x16xf32> to vector<16xf32>
        %swap3A_1717 = vector.shape_cast %add3A_1712 : vector<16xf32> to vector<1x16xf32>
        tpu.vector_store %arg13[%swap3A_1713, %swap3A_1714], %swap3A_1717 {strides = array<i32>} : memref<128x64xf32, #tpu.memory_space<vmem>>, vector<1x16xf32>,
        %get3A_1718 = arith.index_cast %add3A_1636 : i32 to index
        %get3A_1719 = arith.constant 48 : index
        %get3A_1720 = tpu.vector_load %arg9[%get3A_1718, %get3A_1719] {strides = array<i32>} : memref<128x64xf32, #tpu.memory_space<vmem>>, vector<1x16xf32>,
        %get3A_1721 = vector.shape_cast %get3A_1720 : vector<1x16xf32> to vector<16xf32>
        %mul3A_1722 = vector.broadcast %squeeze3A_1638 : f32 to vector<16xf32>
        %mul3A_1723 = arith.mulf %get3A_1721, %mul3A_1722 : vector<16xf32>
        %get3A_1724 = arith.index_cast %add3A_1636 : i32 to index
        %get3A_1725 = arith.constant 48 : index
        %get3A_1726 = tpu.vector_load %arg10[%get3A_1724, %get3A_1725] {strides = array<i32>} : memref<128x64xf32, #tpu.memory_space<vmem>>, vector<1x16xf32>,
        %get3A_1727 = vector.shape_cast %get3A_1726 : vector<1x16xf32> to vector<16xf32>
        %mul3A_1728 = vector.broadcast %squeeze3A_1640 : f32 to vector<16xf32>
        %mul3A_1729 = arith.mulf %get3A_1727, %mul3A_1728 : vector<16xf32>
        %add3A_1730 = arith.addf %mul3A_1723, %mul3A_1729 : vector<16xf32>
        %get3A_1731 = arith.index_cast %add3A_1636 : i32 to index
        %get3A_1732 = arith.constant 48 : index
        %get3A_1733 = tpu.vector_load %arg11[%get3A_1731, %get3A_1732] {strides = array<i32>} : memref<128x64xf32, #tpu.memory_space<vmem>>, vector<1x16xf32>,
        %get3A_1734 = vector.shape_cast %get3A_1733 : vector<1x16xf32> to vector<16xf32>
        %mul3A_1735 = vector.broadcast %squeeze3A_1642 : f32 to vector<16xf32>
        %mul3A_1736 = arith.mulf %get3A_1734, %mul3A_1735 : vector<16xf32>
        %add3A_1737 = arith.addf %add3A_1730, %mul3A_1736 : vector<16xf32>
        %swap3A_1738 = arith.index_cast %add3A_1636 : i32 to index
        %swap3A_1739 = arith.constant 48 : index
        %swap3A_1740 = tpu.vector_load %arg13[%swap3A_1738, %swap3A_1739] {strides = array<i32>} : memref<128x64xf32, #tpu.memory_space<vmem>>, vector<1x16xf32>,
        %swap3A_1741 = vector.shape_cast %swap3A_1740 : vector<1x16xf32> to vector<16xf32>
        %swap3A_1742 = vector.shape_cast %add3A_1737 : vector<16xf32> to vector<1x16xf32>
        tpu.vector_store %arg13[%swap3A_1738, %swap3A_1739], %swap3A_1742 {strides = array<i32>} : memref<128x64xf32, #tpu.memory_space<vmem>>, vector<1x16xf32>,
        %add3A_1743 = arith.constant 15 : i32
        %add3A_1744 = arith.addi %multiple_of3A, %add3A_1743 : i32
        %slice3A_1745 = vector.extract_strided_slice %get3A_115 {offsets = [15], sizes = [1], strides = [1]} : vector<16xf32> to vector<1xf32>
        %squeeze3A_1746 = vector.extract %slice3A_1745[0] : f32 from vector<1xf32>
        %slice3A_1747 = vector.extract_strided_slice %get3A_120 {offsets = [15], sizes = [1], strides = [1]} : vector<16xf32> to vector<1xf32>
        %squeeze3A_1748 = vector.extract %slice3A_1747[0] : f32 from vector<1xf32>
        %slice3A_1749 = vector.extract_strided_slice %get3A_125 {offsets = [15], sizes = [1], strides = [1]} : vector<16xf32> to vector<1xf32>
        %squeeze3A_1750 = vector.extract %slice3A_1749[0] : f32 from vector<1xf32>
        %get3A_1751 = arith.index_cast %add3A_1744 : i32 to index
        %get3A_1752 = arith.constant 0 : index
        %get3A_1753 = tpu.vector_load %arg9[%get3A_1751, %get3A_1752] {strides = array<i32>} : memref<128x64xf32, #tpu.memory_space<vmem>>, vector<1x16xf32>,
        %get3A_1754 = vector.shape_cast %get3A_1753 : vector<1x16xf32> to vector<16xf32>
        %mul3A_1755 = vector.broadcast %squeeze3A_1746 : f32 to vector<16xf32>
        %mul3A_1756 = arith.mulf %get3A_1754, %mul3A_1755 : vector<16xf32>
        %get3A_1757 = arith.index_cast %add3A_1744 : i32 to index
        %get3A_1758 = arith.constant 0 : index
        %get3A_1759 = tpu.vector_load %arg10[%get3A_1757, %get3A_1758] {strides = array<i32>} : memref<128x64xf32, #tpu.memory_space<vmem>>, vector<1x16xf32>,
        %get3A_1760 = vector.shape_cast %get3A_1759 : vector<1x16xf32> to vector<16xf32>
        %mul3A_1761 = vector.broadcast %squeeze3A_1748 : f32 to vector<16xf32>
        %mul3A_1762 = arith.mulf %get3A_1760, %mul3A_1761 : vector<16xf32>
        %add3A_1763 = arith.addf %mul3A_1756, %mul3A_1762 : vector<16xf32>
        %get3A_1764 = arith.index_cast %add3A_1744 : i32 to index
        %get3A_1765 = arith.constant 0 : index
        %get3A_1766 = tpu.vector_load %arg11[%get3A_1764, %get3A_1765] {strides = array<i32>} : memref<128x64xf32, #tpu.memory_space<vmem>>, vector<1x16xf32>,
        %get3A_1767 = vector.shape_cast %get3A_1766 : vector<1x16xf32> to vector<16xf32>
        %mul3A_1768 = vector.broadcast %squeeze3A_1750 : f32 to vector<16xf32>
        %mul3A_1769 = arith.mulf %get3A_1767, %mul3A_1768 : vector<16xf32>
        %add3A_1770 = arith.addf %add3A_1763, %mul3A_1769 : vector<16xf32>
        %swap3A_1771 = arith.index_cast %add3A_1744 : i32 to index
        %swap3A_1772 = arith.constant 0 : index
        %swap3A_1773 = tpu.vector_load %arg13[%swap3A_1771, %swap3A_1772] {strides = array<i32>} : memref<128x64xf32, #tpu.memory_space<vmem>>, vector<1x16xf32>,
        %swap3A_1774 = vector.shape_cast %swap3A_1773 : vector<1x16xf32> to vector<16xf32>
        %swap3A_1775 = vector.shape_cast %add3A_1770 : vector<16xf32> to vector<1x16xf32>
        tpu.vector_store %arg13[%swap3A_1771, %swap3A_1772], %swap3A_1775 {strides = array<i32>} : memref<128x64xf32, #tpu.memory_space<vmem>>, vector<1x16xf32>,
        %get3A_1776 = arith.index_cast %add3A_1744 : i32 to index
        %get3A_1777 = arith.constant 16 : index
        %get3A_1778 = tpu.vector_load %arg9[%get3A_1776, %get3A_1777] {strides = array<i32>} : memref<128x64xf32, #tpu.memory_space<vmem>>, vector<1x16xf32>,
        %get3A_1779 = vector.shape_cast %get3A_1778 : vector<1x16xf32> to vector<16xf32>
        %mul3A_1780 = vector.broadcast %squeeze3A_1746 : f32 to vector<16xf32>
        %mul3A_1781 = arith.mulf %get3A_1779, %mul3A_1780 : vector<16xf32>
        %get3A_1782 = arith.index_cast %add3A_1744 : i32 to index
        %get3A_1783 = arith.constant 16 : index
        %get3A_1784 = tpu.vector_load %arg10[%get3A_1782, %get3A_1783] {strides = array<i32>} : memref<128x64xf32, #tpu.memory_space<vmem>>, vector<1x16xf32>,
        %get3A_1785 = vector.shape_cast %get3A_1784 : vector<1x16xf32> to vector<16xf32>
        %mul3A_1786 = vector.broadcast %squeeze3A_1748 : f32 to vector<16xf32>
        %mul3A_1787 = arith.mulf %get3A_1785, %mul3A_1786 : vector<16xf32>
        %add3A_1788 = arith.addf %mul3A_1781, %mul3A_1787 : vector<16xf32>
        %get3A_1789 = arith.index_cast %add3A_1744 : i32 to index
        %get3A_1790 = arith.constant 16 : index
        %get3A_1791 = tpu.vector_load %arg11[%get3A_1789, %get3A_1790] {strides = array<i32>} : memref<128x64xf32, #tpu.memory_space<vmem>>, vector<1x16xf32>,
        %get3A_1792 = vector.shape_cast %get3A_1791 : vector<1x16xf32> to vector<16xf32>
        %mul3A_1793 = vector.broadcast %squeeze3A_1750 : f32 to vector<16xf32>
        %mul3A_1794 = arith.mulf %get3A_1792, %mul3A_1793 : vector<16xf32>
        %add3A_1795 = arith.addf %add3A_1788, %mul3A_1794 : vector<16xf32>
        %swap3A_1796 = arith.index_cast %add3A_1744 : i32 to index
        %swap3A_1797 = arith.constant 16 : index
        %swap3A_1798 = tpu.vector_load %arg13[%swap3A_1796, %swap3A_1797] {strides = array<i32>} : memref<128x64xf32, #tpu.memory_space<vmem>>, vector<1x16xf32>,
        %swap3A_1799 = vector.shape_cast %swap3A_1798 : vector<1x16xf32> to vector<16xf32>
        %swap3A_1800 = vector.shape_cast %add3A_1795 : vector<16xf32> to vector<1x16xf32>
        tpu.vector_store %arg13[%swap3A_1796, %swap3A_1797], %swap3A_1800 {strides = array<i32>} : memref<128x64xf32, #tpu.memory_space<vmem>>, vector<1x16xf32>,
        %get3A_1801 = arith.index_cast %add3A_1744 : i32 to index
        %get3A_1802 = arith.constant 32 : index
        %get3A_1803 = tpu.vector_load %arg9[%get3A_1801, %get3A_1802] {strides = array<i32>} : memref<128x64xf32, #tpu.memory_space<vmem>>, vector<1x16xf32>,
        %get3A_1804 = vector.shape_cast %get3A_1803 : vector<1x16xf32> to vector<16xf32>
        %mul3A_1805 = vector.broadcast %squeeze3A_1746 : f32 to vector<16xf32>
        %mul3A_1806 = arith.mulf %get3A_1804, %mul3A_1805 : vector<16xf32>
        %get3A_1807 = arith.index_cast %add3A_1744 : i32 to index
        %get3A_1808 = arith.constant 32 : index
        %get3A_1809 = tpu.vector_load %arg10[%get3A_1807, %get3A_1808] {strides = array<i32>} : memref<128x64xf32, #tpu.memory_space<vmem>>, vector<1x16xf32>,
        %get3A_1810 = vector.shape_cast %get3A_1809 : vector<1x16xf32> to vector<16xf32>
        %mul3A_1811 = vector.broadcast %squeeze3A_1748 : f32 to vector<16xf32>
        %mul3A_1812 = arith.mulf %get3A_1810, %mul3A_1811 : vector<16xf32>
        %add3A_1813 = arith.addf %mul3A_1806, %mul3A_1812 : vector<16xf32>
        %get3A_1814 = arith.index_cast %add3A_1744 : i32 to index
        %get3A_1815 = arith.constant 32 : index
        %get3A_1816 = tpu.vector_load %arg11[%get3A_1814, %get3A_1815] {strides = array<i32>} : memref<128x64xf32, #tpu.memory_space<vmem>>, vector<1x16xf32>,
        %get3A_1817 = vector.shape_cast %get3A_1816 : vector<1x16xf32> to vector<16xf32>
        %mul3A_1818 = vector.broadcast %squeeze3A_1750 : f32 to vector<16xf32>
        %mul3A_1819 = arith.mulf %get3A_1817, %mul3A_1818 : vector<16xf32>
        %add3A_1820 = arith.addf %add3A_1813, %mul3A_1819 : vector<16xf32>
        %swap3A_1821 = arith.index_cast %add3A_1744 : i32 to index
        %swap3A_1822 = arith.constant 32 : index
        %swap3A_1823 = tpu.vector_load %arg13[%swap3A_1821, %swap3A_1822] {strides = array<i32>} : memref<128x64xf32, #tpu.memory_space<vmem>>, vector<1x16xf32>,
        %swap3A_1824 = vector.shape_cast %swap3A_1823 : vector<1x16xf32> to vector<16xf32>
        %swap3A_1825 = vector.shape_cast %add3A_1820 : vector<16xf32> to vector<1x16xf32>
        tpu.vector_store %arg13[%swap3A_1821, %swap3A_1822], %swap3A_1825 {strides = array<i32>} : memref<128x64xf32, #tpu.memory_space<vmem>>, vector<1x16xf32>,
        %get3A_1826 = arith.index_cast %add3A_1744 : i32 to index
        %get3A_1827 = arith.constant 48 : index
        %get3A_1828 = tpu.vector_load %arg9[%get3A_1826, %get3A_1827] {strides = array<i32>} : memref<128x64xf32, #tpu.memory_space<vmem>>, vector<1x16xf32>,
        %get3A_1829 = vector.shape_cast %get3A_1828 : vector<1x16xf32> to vector<16xf32>
        %mul3A_1830 = vector.broadcast %squeeze3A_1746 : f32 to vector<16xf32>
        %mul3A_1831 = arith.mulf %get3A_1829, %mul3A_1830 : vector<16xf32>
        %get3A_1832 = arith.index_cast %add3A_1744 : i32 to index
        %get3A_1833 = arith.constant 48 : index
        %get3A_1834 = tpu.vector_load %arg10[%get3A_1832, %get3A_1833] {strides = array<i32>} : memref<128x64xf32, #tpu.memory_space<vmem>>, vector<1x16xf32>,
        %get3A_1835 = vector.shape_cast %get3A_1834 : vector<1x16xf32> to vector<16xf32>
        %mul3A_1836 = vector.broadcast %squeeze3A_1748 : f32 to vector<16xf32>
        %mul3A_1837 = arith.mulf %get3A_1835, %mul3A_1836 : vector<16xf32>
        %add3A_1838 = arith.addf %mul3A_1831, %mul3A_1837 : vector<16xf32>
        %get3A_1839 = arith.index_cast %add3A_1744 : i32 to index
        %get3A_1840 = arith.constant 48 : index
        %get3A_1841 = tpu.vector_load %arg11[%get3A_1839, %get3A_1840] {strides = array<i32>} : memref<128x64xf32, #tpu.memory_space<vmem>>, vector<1x16xf32>,
        %get3A_1842 = vector.shape_cast %get3A_1841 : vector<1x16xf32> to vector<16xf32>
        %mul3A_1843 = vector.broadcast %squeeze3A_1750 : f32 to vector<16xf32>
        %mul3A_1844 = arith.mulf %get3A_1842, %mul3A_1843 : vector<16xf32>
        %add3A_1845 = arith.addf %add3A_1838, %mul3A_1844 : vector<16xf32>
        %swap3A_1846 = arith.index_cast %add3A_1744 : i32 to index
        %swap3A_1847 = arith.constant 48 : index
        %swap3A_1848 = tpu.vector_load %arg13[%swap3A_1846, %swap3A_1847] {strides = array<i32>} : memref<128x64xf32, #tpu.memory_space<vmem>>, vector<1x16xf32>,
        %swap3A_1849 = vector.shape_cast %swap3A_1848 : vector<1x16xf32> to vector<16xf32>
        %swap3A_1850 = vector.shape_cast %add3A_1845 : vector<16xf32> to vector<1x16xf32>
        tpu.vector_store %arg13[%swap3A_1846, %swap3A_1847], %swap3A_1850 {strides = array<i32>} : memref<128x64xf32, #tpu.memory_space<vmem>>, vector<1x16xf32>,
      }
      %scan3A_65 = arith.constant 8 : i32
      %jit3A_66 = arith.constant 8 : i32
      %div3A_67 = arith.divsi %select_n3A, %jit3A_66 : i32
      %sign3A_68 = arith.constant 0 : i32
      %sign3A_69 = arith.cmpi sgt, %select_n3A, %sign3A_68 : i32
      %sign3A_70 = arith.extui %sign3A_69 : i1 to i32
      %sign3A_71 = arith.constant 0 : i32
      %sign3A_72 = arith.cmpi slt, %select_n3A, %sign3A_71 : i32
      %sign3A_73 = arith.extui %sign3A_72 : i1 to i32
      %sign3A_74 = arith.subi %sign3A_70, %sign3A_73 : i32
      %sign3A_75 = arith.constant 0 : i32
      %sign3A_76 = arith.cmpi sgt, %jit3A_66, %sign3A_75 : i32
      %sign3A_77 = arith.extui %sign3A_76 : i1 to i32
      %sign3A_78 = arith.constant 0 : i32
      %sign3A_79 = arith.cmpi slt, %jit3A_66, %sign3A_78 : i32
      %sign3A_80 = arith.extui %sign3A_79 : i1 to i32
      %sign3A_81 = arith.subi %sign3A_77, %sign3A_80 : i32
      %ne3A_82 = arith.cmpi ne, %sign3A_74, %sign3A_81 : i32
      %rem3A_83 = arith.remsi %select_n3A, %jit3A_66 : i32
      %ne3A_84 = arith.constant 0 : i32
      %ne3A_85 = arith.cmpi ne, %rem3A_83, %ne3A_84 : i32
      %and3A_86 = arith.andi %ne3A_82, %ne3A_85 : i1
      %sub3A_87 = arith.constant 1 : i32
      %sub3A_88 = arith.subi %div3A_67, %sub3A_87 : i32
      %select_n3A_89 = arith.select %and3A_86, %sub3A_88, %div3A_67 : i32
      %jit3A_90 = arith.constant 8 : i32
      %eq3A_91 = arith.constant 0 : i32
      %eq3A_92 = arith.cmpi eq, %jit3A_90, %eq3A_91 : i32
      %jit3A_93 = arith.constant 1 : i32
      %select_n3A_94 = arith.select %eq3A_92, %jit3A_93, %jit3A_90 : i32
      %rem3A_95 = arith.remsi %select_n3A, %select_n3A_94 : i32
      %ne3A_96 = arith.constant 0 : i32
      %ne3A_97 = arith.cmpi ne, %rem3A_95, %ne3A_96 : i32
      %lt3A_98 = arith.constant 0 : i32
      %lt3A_99 = arith.cmpi slt, %rem3A_95, %lt3A_98 : i32
      %lt3A_100 = arith.constant 0 : i32
      %lt3A_101 = arith.cmpi slt, %select_n3A_94, %lt3A_100 : i32
      %ne3A_102 = arith.xori %lt3A_99, %lt3A_101 : i1
      %and3A_103 = arith.andi %ne3A_102, %ne3A_97 : i1
      %add3A_104 = arith.addi %rem3A_95, %select_n3A_94 : i32
      %select_n3A_105 = arith.select %and3A_103, %add3A_104, %rem3A_95 : i32
      %mul3A_106 = arith.constant 1024 : i32
      %mul3A_107 = arith.muli %select_n3A_105, %mul3A_106 : i32
      %add3A_108 = arith.addi %mul3A_107, %mul3A_41 : i32
      "tpu.region"() ({
        %run_scoped3A_109 = tpu.sem_alloc : memref<!tpu.dma_semaphore, #tpu.memory_space<semaphore_mem>>
        %dma_start3A_110 = arith.constant 0 : i32
        %dma_start3A_111 = tpu.memref_slice %arg5[%add3A_108, %select_n3A_89, %dma_start3A_110] : memref<8192x8x64xf32, #tpu.memory_space<hbm>> -> memref<128x1x64xf32, #tpu.memory_space<hbm>>
        %dma_start3A_112 = tpu.memref_squeeze %dma_start3A_111 : memref<128x1x64xf32, #tpu.memory_space<hbm>> -> memref<128x64xf32, #tpu.memory_space<hbm>>
        %dma_start3A_113 = arith.constant 0 : i32
        %dma_start3A_114 = tpu.memref_slice %arg5[%add3A_108, %select_n3A_89, %dma_start3A_113] : memref<8192x8x64xf32, #tpu.memory_space<hbm>> -> memref<128x1x64xf32, #tpu.memory_space<hbm>>
        %dma_start3A_115 = tpu.memref_squeeze %dma_start3A_114 : memref<128x1x64xf32, #tpu.memory_space<hbm>> -> memref<128x64xf32, #tpu.memory_space<hbm>>
        tpu.enqueue_dma source(%arg13 : memref<128x64xf32, #tpu.memory_space<vmem>>) target(%dma_start3A_115 : memref<128x64xf32, #tpu.memory_space<hbm>>) target_semaphore(%run_scoped3A_109 : memref<!tpu.dma_semaphore, #tpu.memory_space<semaphore_mem>>)
        %dma_wait3A_116 = arith.constant 0 : i32
        %dma_wait3A_117 = tpu.memref_slice %arg5[%add3A_108, %select_n3A_89, %dma_wait3A_116] : memref<8192x8x64xf32, #tpu.memory_space<hbm>> -> memref<128x1x64xf32, #tpu.memory_space<hbm>>
        %dma_wait3A_118 = tpu.memref_squeeze %dma_wait3A_117 : memref<128x1x64xf32, #tpu.memory_space<hbm>> -> memref<128x64xf32, #tpu.memory_space<hbm>>
        %dma_wait3A_119 = arith.constant 0 : i32
        %dma_wait3A_120 = tpu.memref_slice %arg5[%add3A_108, %select_n3A_89, %dma_wait3A_119] : memref<8192x8x64xf32, #tpu.memory_space<hbm>> -> memref<128x1x64xf32, #tpu.memory_space<hbm>>
        %dma_wait3A_121 = tpu.memref_squeeze %dma_wait3A_120 : memref<128x1x64xf32, #tpu.memory_space<hbm>> -> memref<128x64xf32, #tpu.memory_space<hbm>>
        tpu.wait_dma2 semaphore(%run_scoped3A_109 : memref<!tpu.dma_semaphore, #tpu.memory_space<semaphore_mem>>) src(%arg13 : memref<128x64xf32, #tpu.memory_space<vmem>>) dst(%dma_wait3A_121 : memref<128x64xf32, #tpu.memory_space<hbm>>)
        tpu.yield
      }) : () -> ()
    }
    %scan3A_5 = arith.constant 16 : i32
    return
  }
}

module attributes {stable_mosaic.version = 14 : i64} {
  func.func @_topk_tc_body(%arg0: i32, %arg1: i32, %arg2: memref<1x2048x8xf32, #tpu.memory_space<vmem>>, %arg3: memref<1x8x1024xf32, #tpu.memory_space<vmem>>, %arg4: memref<1x8x1024xi32, #tpu.memory_space<vmem>>, %arg5: memref<1x8x1024xf32, #tpu.memory_space<vmem>>) attributes {dimension_semantics = [#tpu.dimension_semantics<arbitrary>, #tpu.dimension_semantics<arbitrary>], iteration_bounds = array<i64: 8, 8>, scalar_prefetch = 0 : i64, scratch_operands = 0 : i64, tpu.core_type = #tpu.core_type<tc>, window_params = [{transform_indices = @transform_0, window_bounds = array<i64: 1, 2048, 8>}, {transform_indices = @transform_1, window_bounds = array<i64: 1, 8, 1024>}, {transform_indices = @transform_2, window_bounds = array<i64: 1, 8, 1024>}, {transform_indices = @transform_3, window_bounds = array<i64: 1, 8, 1024>}]} {
    %get3A = arith.constant 0 : index
    %get3A_0 = arith.constant 0 : index
    %get3A_1 = arith.constant 0 : index
    %get3A_2 = vector.load %arg2[%get3A, %get3A_0, %get3A_1] : memref<1x2048x8xf32, #tpu.memory_space<vmem>>, vector<1x2048x8xf32>
    %get3A_3 = vector.shape_cast %get3A_2 : vector<1x2048x8xf32> to vector<2048x8xf32>
    %get3A_4 = arith.constant 0 : index
    %get3A_5 = arith.constant 0 : index
    %get3A_6 = arith.constant 0 : index
    %get3A_7 = vector.load %arg3[%get3A_4, %get3A_5, %get3A_6] : memref<1x8x1024xf32, #tpu.memory_space<vmem>>, vector<1x8x1024xf32>
    %get3A_8 = vector.shape_cast %get3A_7 : vector<1x8x1024xf32> to vector<8x1024xf32>
    %convert_element_type3A = arith.truncf %get3A_3 : vector<2048x8xf32> to vector<2048x8xbf16>
    %convert_element_type3A_9 = arith.truncf %get3A_8 : vector<8x1024xf32> to vector<8x1024xbf16>
    %dot_general3A = arith.constant dense<0.000000e+00> : vector<2048x1024xf32>
    %dot_general3A_10 = tpu.matmul %convert_element_type3A, %convert_element_type3A_9, %dot_general3A {dimension_numbers = #tpu.dot_dimension_numbers<[1], [0], [0], [1], [0, 0, 1, 1], [], []>, transpose_lhs_hint = false} : vector<2048x8xbf16>, vector<8x1024xbf16>, vector<2048x1024xf32> -> vector<2048x1024xf32>
    %mul3A = arith.mulf %get3A_3, %get3A_3 : vector<2048x8xf32>
    %reduce_sum3A = arith.constant dense<0.000000e+00> : vector<2048xf32>
    %reduce_sum3A_11 = vector.multi_reduction <add>, %mul3A, %reduce_sum3A [1] : vector<2048x8xf32> to vector<2048xf32>
    %broadcast_in_dim3A = vector.shape_cast %reduce_sum3A_11 : vector<2048xf32> to vector<2048x1xf32>
    %mul3A_12 = arith.mulf %get3A_8, %get3A_8 : vector<8x1024xf32>
    %reduce_sum3A_13 = arith.constant dense<0.000000e+00> : vector<1024xf32>
    %reduce_sum3A_14 = vector.multi_reduction <add>, %mul3A_12, %reduce_sum3A_13 [0] : vector<8x1024xf32> to vector<1024xf32>
    %broadcast_in_dim3A_15 = vector.shape_cast %reduce_sum3A_14 : vector<1024xf32> to vector<1x1024xf32>
    %add3A = vector.broadcast %broadcast_in_dim3A : vector<2048x1xf32> to vector<2048x1024xf32>
    %add3A_16 = vector.broadcast %broadcast_in_dim3A_15 : vector<1x1024xf32> to vector<2048x1024xf32>
    %add3A_17 = arith.addf %add3A, %add3A_16 : vector<2048x1024xf32>
    %mul3A_18 = arith.constant 2.000000e+00 : f32
    %mul3A_19 = vector.broadcast %mul3A_18 : f32 to vector<2048x1024xf32>
    %mul3A_20 = arith.mulf %mul3A_19, %dot_general3A_10 : vector<2048x1024xf32>
    %sub3A = arith.subf %add3A_17, %mul3A_20 : vector<2048x1024xf32>
    %max3A = arith.constant 0.000000e+00 : f32
    %max3A_21 = vector.broadcast %max3A : f32 to vector<2048x1024xf32>
    %max3A_22 = arith.maximumf %sub3A, %max3A_21 : vector<2048x1024xf32>
    %iota3A = tpu.iota {dimensions = array<i32: 0>} : vector<2048x1024xi32>
    %convert_element_type3A_23 = arith.sitofp %iota3A : vector<2048x1024xi32> to vector<2048x1024xf32>
    %reduce_min3A = arith.constant dense<0x7F800000> : vector<1024xf32>
    %reduce_min3A_24 = vector.multi_reduction <minimumf>, %max3A_22, %reduce_min3A [0] : vector<2048x1024xf32> to vector<1024xf32>
    %broadcast_in_dim3A_25 = vector.shape_cast %reduce_min3A_24 : vector<1024xf32> to vector<1x1024xf32>
    %eq3A = vector.broadcast %broadcast_in_dim3A_25 : vector<1x1024xf32> to vector<2048x1024xf32>
    %eq3A_26 = arith.cmpf oeq, %max3A_22, %eq3A : vector<2048x1024xf32>
    %jit3A = arith.constant 2.048000e+03 : f32
    %broadcast_in_dim3A_27 = vector.broadcast %jit3A : f32 to vector<2048x1024xf32>
    %select_n3A = arith.select %eq3A_26, %convert_element_type3A_23, %broadcast_in_dim3A_27 : vector<2048x1024xi1>, vector<2048x1024xf32>
    %reduce_min3A_28 = arith.constant dense<0x7F800000> : vector<1024xf32>
    %reduce_min3A_29 = vector.multi_reduction <minimumf>, %select_n3A, %reduce_min3A_28 [0] : vector<2048x1024xf32> to vector<1024xf32>
    %broadcast_in_dim3A_30 = vector.shape_cast %reduce_min3A_29 : vector<1024xf32> to vector<1x1024xf32>
    %eq3A_31 = vector.broadcast %broadcast_in_dim3A_30 : vector<1x1024xf32> to vector<2048x1024xf32>
    %eq3A_32 = arith.cmpf oeq, %convert_element_type3A_23, %eq3A_31 : vector<2048x1024xf32>
    %jit3A_33 = arith.constant 1.000000e+30 : f32
    %broadcast_in_dim3A_34 = vector.broadcast %jit3A_33 : f32 to vector<2048x1024xf32>
    %select_n3A_35 = arith.select %eq3A_32, %broadcast_in_dim3A_34, %max3A_22 : vector<2048x1024xi1>, vector<2048x1024xf32>
    %reduce_min3A_36 = arith.constant dense<0x7F800000> : vector<1024xf32>
    %reduce_min3A_37 = vector.multi_reduction <minimumf>, %select_n3A_35, %reduce_min3A_36 [0] : vector<2048x1024xf32> to vector<1024xf32>
    %broadcast_in_dim3A_38 = vector.shape_cast %reduce_min3A_37 : vector<1024xf32> to vector<1x1024xf32>
    %eq3A_39 = vector.broadcast %broadcast_in_dim3A_38 : vector<1x1024xf32> to vector<2048x1024xf32>
    %eq3A_40 = arith.cmpf oeq, %select_n3A_35, %eq3A_39 : vector<2048x1024xf32>
    %jit3A_41 = arith.constant 2.048000e+03 : f32
    %broadcast_in_dim3A_42 = vector.broadcast %jit3A_41 : f32 to vector<2048x1024xf32>
    %select_n3A_43 = arith.select %eq3A_40, %convert_element_type3A_23, %broadcast_in_dim3A_42 : vector<2048x1024xi1>, vector<2048x1024xf32>
    %reduce_min3A_44 = arith.constant dense<0x7F800000> : vector<1024xf32>
    %reduce_min3A_45 = vector.multi_reduction <minimumf>, %select_n3A_43, %reduce_min3A_44 [0] : vector<2048x1024xf32> to vector<1024xf32>
    %broadcast_in_dim3A_46 = vector.shape_cast %reduce_min3A_45 : vector<1024xf32> to vector<1x1024xf32>
    %eq3A_47 = vector.broadcast %broadcast_in_dim3A_46 : vector<1x1024xf32> to vector<2048x1024xf32>
    %eq3A_48 = arith.cmpf oeq, %convert_element_type3A_23, %eq3A_47 : vector<2048x1024xf32>
    %jit3A_49 = arith.constant 1.000000e+30 : f32
    %broadcast_in_dim3A_50 = vector.broadcast %jit3A_49 : f32 to vector<2048x1024xf32>
    %select_n3A_51 = arith.select %eq3A_48, %broadcast_in_dim3A_50, %select_n3A_35 : vector<2048x1024xi1>, vector<2048x1024xf32>
    %reduce_min3A_52 = arith.constant dense<0x7F800000> : vector<1024xf32>
    %reduce_min3A_53 = vector.multi_reduction <minimumf>, %select_n3A_51, %reduce_min3A_52 [0] : vector<2048x1024xf32> to vector<1024xf32>
    %broadcast_in_dim3A_54 = vector.shape_cast %reduce_min3A_53 : vector<1024xf32> to vector<1x1024xf32>
    %eq3A_55 = vector.broadcast %broadcast_in_dim3A_54 : vector<1x1024xf32> to vector<2048x1024xf32>
    %eq3A_56 = arith.cmpf oeq, %select_n3A_51, %eq3A_55 : vector<2048x1024xf32>
    %jit3A_57 = arith.constant 2.048000e+03 : f32
    %broadcast_in_dim3A_58 = vector.broadcast %jit3A_57 : f32 to vector<2048x1024xf32>
    %select_n3A_59 = arith.select %eq3A_56, %convert_element_type3A_23, %broadcast_in_dim3A_58 : vector<2048x1024xi1>, vector<2048x1024xf32>
    %reduce_min3A_60 = arith.constant dense<0x7F800000> : vector<1024xf32>
    %reduce_min3A_61 = vector.multi_reduction <minimumf>, %select_n3A_59, %reduce_min3A_60 [0] : vector<2048x1024xf32> to vector<1024xf32>
    %broadcast_in_dim3A_62 = vector.shape_cast %reduce_min3A_61 : vector<1024xf32> to vector<1x1024xf32>
    %convert_element_type3A_63 = arith.fptosi %broadcast_in_dim3A_30 : vector<1x1024xf32> to vector<1x1024xi32>
    %convert_element_type3A_64 = arith.fptosi %broadcast_in_dim3A_46 : vector<1x1024xf32> to vector<1x1024xi32>
    %convert_element_type3A_65 = arith.fptosi %broadcast_in_dim3A_62 : vector<1x1024xf32> to vector<1x1024xi32>
    %add3A_66 = arith.constant 9.99999997E-7 : f32
    %add3A_67 = vector.broadcast %add3A_66 : f32 to vector<1x1024xf32>
    %add3A_68 = arith.addf %broadcast_in_dim3A_25, %add3A_67 : vector<1x1024xf32>
    %div3A = arith.constant 1.000000e+00 : f32
    %div3A_69 = vector.broadcast %div3A : f32 to vector<1x1024xf32>
    %div3A_70 = arith.divf %div3A_69, %add3A_68 : vector<1x1024xf32>
    %add3A_71 = arith.constant 9.99999997E-7 : f32
    %add3A_72 = vector.broadcast %add3A_71 : f32 to vector<1x1024xf32>
    %add3A_73 = arith.addf %broadcast_in_dim3A_38, %add3A_72 : vector<1x1024xf32>
    %div3A_74 = arith.constant 1.000000e+00 : f32
    %div3A_75 = vector.broadcast %div3A_74 : f32 to vector<1x1024xf32>
    %div3A_76 = arith.divf %div3A_75, %add3A_73 : vector<1x1024xf32>
    %add3A_77 = arith.constant 9.99999997E-7 : f32
    %add3A_78 = vector.broadcast %add3A_77 : f32 to vector<1x1024xf32>
    %add3A_79 = arith.addf %broadcast_in_dim3A_54, %add3A_78 : vector<1x1024xf32>
    %div3A_80 = arith.constant 1.000000e+00 : f32
    %div3A_81 = vector.broadcast %div3A_80 : f32 to vector<1x1024xf32>
    %div3A_82 = arith.divf %div3A_81, %add3A_79 : vector<1x1024xf32>
    %add3A_83 = arith.addf %div3A_70, %div3A_76 : vector<1x1024xf32>
    %add3A_84 = arith.addf %add3A_83, %div3A_82 : vector<1x1024xf32>
    %add3A_85 = arith.constant 0 : i32
    %add3A_86 = arith.addi %add3A_85, %arg0 : i32
    %mul3A_87 = arith.constant 2048 : i32
    %mul3A_88 = arith.muli %add3A_86, %mul3A_87 : i32
    %broadcast_in_dim3A_89 = arith.constant 0 : i32
    %broadcast_in_dim3A_90 = vector.broadcast %broadcast_in_dim3A_89 : i32 to vector<5x1024xi32>
    %broadcast_in_dim3A_91 = arith.constant 0.000000e+00 : f32
    %broadcast_in_dim3A_92 = vector.broadcast %broadcast_in_dim3A_91 : f32 to vector<5x1024xf32>
    %add3A_93 = vector.broadcast %mul3A_88 : i32 to vector<1x1024xi32>
    %add3A_94 = arith.addi %convert_element_type3A_63, %add3A_93 : vector<1x1024xi32>
    %add3A_95 = vector.broadcast %mul3A_88 : i32 to vector<1x1024xi32>
    %add3A_96 = arith.addi %convert_element_type3A_64, %add3A_95 : vector<1x1024xi32>
    %add3A_97 = vector.broadcast %mul3A_88 : i32 to vector<1x1024xi32>
    %add3A_98 = arith.addi %convert_element_type3A_65, %add3A_97 : vector<1x1024xi32>
    %concatenate3A = tpu.concatenate %add3A_94, %add3A_96, %add3A_98, %broadcast_in_dim3A_90 in 0 : vector<1x1024xi32>, vector<1x1024xi32>, vector<1x1024xi32>, vector<5x1024xi32> -> vector<8x1024xi32>
    %swap3A = arith.constant 0 : index
    %swap3A_99 = arith.constant 0 : index
    %swap3A_100 = arith.constant 0 : index
    %swap3A_101 = vector.load %arg4[%swap3A, %swap3A_99, %swap3A_100] : memref<1x8x1024xi32, #tpu.memory_space<vmem>>, vector<1x8x1024xi32>
    %swap3A_102 = vector.shape_cast %swap3A_101 : vector<1x8x1024xi32> to vector<8x1024xi32>
    %swap3A_103 = vector.shape_cast %concatenate3A : vector<8x1024xi32> to vector<1x8x1024xi32>
    tpu.vector_store %arg4[%swap3A, %swap3A_99, %swap3A_100], %swap3A_103 {strides = array<i32>} : memref<1x8x1024xi32, #tpu.memory_space<vmem>>, vector<1x8x1024xi32>,
    %div3A_104 = arith.divf %div3A_70, %add3A_84 : vector<1x1024xf32>
    %div3A_105 = arith.divf %div3A_76, %add3A_84 : vector<1x1024xf32>
    %div3A_106 = arith.divf %div3A_82, %add3A_84 : vector<1x1024xf32>
    %concatenate3A_107 = tpu.concatenate %div3A_104, %div3A_105, %div3A_106, %broadcast_in_dim3A_92 in 0 : vector<1x1024xf32>, vector<1x1024xf32>, vector<1x1024xf32>, vector<5x1024xf32> -> vector<8x1024xf32>
    %swap3A_108 = arith.constant 0 : index
    %swap3A_109 = arith.constant 0 : index
    %swap3A_110 = arith.constant 0 : index
    %swap3A_111 = vector.load %arg5[%swap3A_108, %swap3A_109, %swap3A_110] : memref<1x8x1024xf32, #tpu.memory_space<vmem>>, vector<1x8x1024xf32>
    %swap3A_112 = vector.shape_cast %swap3A_111 : vector<1x8x1024xf32> to vector<8x1024xf32>
    %swap3A_113 = vector.shape_cast %concatenate3A_107 : vector<8x1024xf32> to vector<1x8x1024xf32>
    tpu.vector_store %arg5[%swap3A_108, %swap3A_109, %swap3A_110], %swap3A_113 {strides = array<i32>} : memref<1x8x1024xf32, #tpu.memory_space<vmem>>, vector<1x8x1024xf32>,
    return
  }
  func.func @transform_0(%arg0: i32, %arg1: i32) -> (i32, i32, i32) {
    %c0_i32 = arith.constant 0 : i32
    %c0_i32_0 = arith.constant 0 : i32
    %c0_i32_1 = arith.constant 0 : i32
    return %arg0, %c0_i32, %c0_i32_0 : i32, i32, i32
  }
  func.func @transform_1(%arg0: i32, %arg1: i32) -> (i32, i32, i32) {
    %c0_i32 = arith.constant 0 : i32
    %c0_i32_0 = arith.constant 0 : i32
    return %arg0, %c0_i32, %arg1 : i32, i32, i32
  }
  func.func @transform_2(%arg0: i32, %arg1: i32) -> (i32, i32, i32) {
    %mul3A = arith.constant 8 : i32
    %mul3A_0 = arith.muli %arg0, %mul3A : i32
    %add3A = arith.addi %mul3A_0, %arg1 : i32
    %c0_i32 = arith.constant 0 : i32
    %c0_i32_1 = arith.constant 0 : i32
    %c0_i32_2 = arith.constant 0 : i32
    return %add3A, %c0_i32, %c0_i32_1 : i32, i32, i32
  }
  func.func @transform_3(%arg0: i32, %arg1: i32) -> (i32, i32, i32) {
    %mul3A = arith.constant 8 : i32
    %mul3A_0 = arith.muli %arg0, %mul3A : i32
    %add3A = arith.addi %mul3A_0, %arg1 : i32
    %c0_i32 = arith.constant 0 : i32
    %c0_i32_1 = arith.constant 0 : i32
    %c0_i32_2 = arith.constant 0 : i32
    return %add3A, %c0_i32, %c0_i32_1 : i32, i32, i32
  }
}

</mosaic_0001>

<sc_bundles>
// kernel: kernel.4.cloned.1.call-start
scs
__scs_entry_jumppad:
0x0: {  	(pc) =	sbr.rel $0x88, $3  }
0x1: {  	(tag) =	ssettag $0x0;
	lr =	simm.s32 $0x1  }
0x2: {  	[smem:$0x3F9E] =	sst lr;
	_ =	strace $0xD0000000  }
0x3: {  	_ = 	snop  }
0x4: {  	_ = 	snop  }
0x5: {  	_ = 	snop  }
0x6: {  	_ = 	snop  }
0x7: {  	_ = 	snop  }
__scs_overlays_trampoline_lowered:
0x8: {  	[smem:$0x3FAD] =	sst s0  }
0x9: {  	[smem:$0x3FAE] =	sst s1  }
0xa: {  	[smem:$0x3FAF] =	sst s2  }
0xb: {  	[smem:$0x3FB0] =	sst s3  }
0xc: {  	[smem:$0x3FB1] =	sst s4  }
0xd: {  	[smem:$0x3FB2] =	sst s5  }
0xe: {  	[smem:$0x3FB3] =	sst s6  }
0xf: {  	[smem:$0x3FB4] =	sst s7  }
0x10: {  	[smem:$0x3FB5] =	sst s8  }
0x11: {  	[smem:$0x3FB6] =	sst s9;
	s0 =	simm.s32 @!p0 $0x0  }
0x12: {  	s1 =	sld [smem:$0x3F9C];
	s0 =	simm.s32 @p0 $0x1  }
0x13: {  	[smem:$0x3FB7] =	sst s0;
	s0 =	simm.s32 @!p1 $0x0  }
0x14: {  	s2 =	sld [smem:$0x3F9B];
	s0 =	simm.s32 @p1 $0x1  }
0x15: {  	[smem:$0x3FB8] =	sst s0;
	s0 =	simm.s32 @!p2 $0x0  }
0x16: {  	s3 =	sld [smem:$0x3FDB];
	s0 =	simm.s32 @p2 $0x1  }
0x17: {  	s4 =	simm.s32 $0x1BF5;
	[smem:$0x3FBA] =	sst s0  }
0x18: {  	s0 =	sld [smem:$0x3F9D];
	_ =	swait.ge [sflag:s4], $0x0  }
0x19: {  	s7 =	sld [smem:$0x3F9E]  }
0x1a: {  	s8 =	sadd.s32 $0xFFFFE003, lr  }
0x1b: {  	s9 =	sadd.s32 $0xFFFFFEF7, lr;
	s5 =	simm.s32 $0xFFFFFFFF;
	p2 =	slt.u32 s8, $0xFFFFF086  }
0x1c: {  	p1 =	slt.u32 s9, $0xF7A;
	s5 =	simm.s32 @!p2 $0x0  }
0x1d: {  	s5 =	simm.s32 @p1 $0x1;
	p0 =	seq.s32 s7, s2  }
0x1e: {  	s7 =	smul.u32 @!p0 $0xF7A, s2;
	p2 =	seq.s32 @!p0 s5, $0x0  }
0x1f: {  	s9 =	smul.u32 $0xF7A, s1;
	s8 =	simm.s32 @!p0 $0x1BF5;
	p2 =	por !p2, p0  }
0x20: {  	[sflag:s8] =	ssyncset.s32 @!p0 $0xFFFFF086;
	s6 =	sadd.s32 @!p0 s3, s7;
	s7 =	simm.s32 @!p0 $0x108  }
0x21: {  	s3 =	sadd.s32 s3, s9;
	s6 =	sadd.s32 @!p0 $0x88, s6;
	s7 =	simm.s32 @p2 $0x1082  }
0x22: {  	[simem:s7], [sflag:s8] =	dma.local @!p0 [hbm:s6], $0xF7A  }
0x23: {  	s9 =	sor.u32 $0xD0000000, s2;
	s6 =	simm.s32 $0x108;
	_ =	swait.ge @!p0 [sflag:s8], $0x0  }
0x24: {  	s3 =	sadd.s32 $0x88, s3;
	s6 =	simm.s32 @!p1 $0x1082;
	[sflag:s4] =	ssyncset.s32 $0xFFFFF086  }
0x25: {  	[simem:s6], [sflag:s4] =	dma.local [hbm:s3], $0xF7A  }
0x26: {  	[smem:$0x3F9E] =	sst s1;
	(tag) =	ssettag s2;
	_ =	strace s9  }
0x27: {  	s1 =	sld [smem:$0x3FAE]  }
0x28: {  	s2 =	sld [smem:$0x3FAF]  }
0x29: {  	s4 =	sld [smem:$0x3FB1]  }
0x2a: {  	p0 =	seq.s32 s5, $0x0;
	s5 =	sld [smem:$0x3FB2]  }
0x2b: {  	s6 =	sld [smem:$0x3FB3]  }
0x2c: {  	s7 =	sld [smem:$0x3FB4]  }
0x2d: {  	s3 =	simm.s32 $0x108;
	s8 =	sld [smem:$0x3FB5]  }
0x2e: {  	s3 =	simm.s32 @!p0 $0x1082;
	s9 =	sld [smem:$0x3FB6]  }
0x2f: {  	lr =	sadd.s32 s0, s3;
	s0 =	sld [smem:$0x3FAD]  }
0x30: {  	s3 =	sld [smem:$0x3FB0]  }
0x31: {  	[smem:$0x3FB9] =	sst s10  }
0x32: {  	s10 =	sld [smem:$0x3FB7];
	_ =	sdelay $0x3  }
0x33: {  	p0 =	seq.s32 s10, $0x1;
	s10 =	sld [smem:$0x3FB9];
	_ =	sdelay $0x3  }
0x34: {  	[smem:$0x3FB9] =	sst s10  }
0x35: {  	s10 =	sld [smem:$0x3FB8];
	_ =	sdelay $0x3  }
0x36: {  	p1 =	seq.s32 s10, $0x1;
	s10 =	sld [smem:$0x3FB9];
	_ =	sdelay $0x3  }
0x37: {  	[smem:$0x3FB9] =	sst s10  }
0x38: {  	s10 =	sld [smem:$0x3FBA]  }
0x39: {  	_ = 	snop;
	(pc) =	sbr.ind lr, $3  }
0x3a: {  	_ = 	snop  }
0x3b: {  	_ = 	snop  }
0x3c: {  	p2 =	seq.s32 s10, $0x1;
	s10 =	sld [smem:$0x3FB9]  }
0x3d: {  	_ =	shalt  }
0x3e: {  	_ =	shalt  }
0x3f: {  	_ =	shalt  }
0x40: {  	_ =	shalt  }
0x41: {  	_ =	shalt  }
0x42: {  	_ =	shalt  }
0x43: {  	_ =	shalt  }
0x44: {  	_ =	shalt  }
0x45: {  	_ =	shalt  }
0x46: {  	_ =	shalt  }
0x47: {  	_ =	shalt  }
0x48: {  	_ =	shalt  }
0x49: {  	_ =	shalt  }
0x4a: {  	_ =	shalt  }
0x4b: {  	_ =	shalt  }
0x4c: {  	_ =	shalt  }
0x4d: {  	_ =	shalt  }
0x4e: {  	_ =	shalt  }
0x4f: {  	_ =	shalt  }
0x50: {  	_ =	shalt  }
0x51: {  	_ =	shalt  }
0x52: {  	_ =	shalt  }
0x53: {  	_ =	shalt  }
0x54: {  	_ =	shalt  }
0x55: {  	_ =	shalt  }
0x56: {  	_ =	shalt  }
0x57: {  	_ =	shalt  }
0x58: {  	_ =	shalt  }
0x59: {  	_ =	shalt  }
0x5a: {  	_ =	shalt  }
0x5b: {  	_ =	shalt  }
0x5c: {  	_ =	shalt  }
0x5d: {  	_ =	shalt  }
0x5e: {  	_ =	shalt  }
0x5f: {  	_ =	shalt  }
0x60: {  	_ =	shalt  }
0x61: {  	_ =	shalt  }
0x62: {  	_ =	shalt  }
0x63: {  	_ =	shalt  }
0x64: {  	_ =	shalt  }
0x65: {  	_ =	shalt  }
0x66: {  	_ =	shalt  }
0x67: {  	_ =	shalt  }
0x68: {  	_ =	shalt  }
0x69: {  	_ =	shalt  }
0x6a: {  	_ =	shalt  }
0x6b: {  	_ =	shalt  }
0x6c: {  	_ =	shalt  }
0x6d: {  	_ =	shalt  }
0x6e: {  	_ =	shalt  }
0x6f: {  	_ =	shalt  }
0x70: {  	_ =	shalt  }
0x71: {  	_ =	shalt  }
0x72: {  	_ =	shalt  }
0x73: {  	_ =	shalt  }
0x74: {  	_ =	shalt  }
0x75: {  	_ =	shalt  }
0x76: {  	_ =	shalt  }
0x77: {  	_ =	shalt  }
0x78: {  	_ =	shalt  }
0x79: {  	_ =	shalt  }
0x7a: {  	_ =	shalt  }
0x7b: {  	_ =	shalt  }
0x7c: {  	_ =	shalt  }
0x7d: {  	_ =	shalt  }
0x7e: {  	_ =	shalt  }
0x7f: {  	_ =	shalt  }
0x80: {  	_ =	shalt  }
0x81: {  	_ =	shalt  }
0x82: {  	_ =	shalt  }
0x83: {  	_ =	shalt  }
0x84: {  	_ =	shalt  }
0x85: {  	_ =	shalt  }
0x86: {  	_ =	shalt  }
0x87: {  	_ =	shalt  }
.Lfunc_end0:
.L_simem_size_0:
called_computation_lowered:
.L_overlay_start_0:
0x88: {  	s2 =	sld [smem:$0x3FD9]  }
0x89: {  	s3 =	sld [smem:$0x3FFE];
	_ =	sdelay $0x1  }
0x8a: {  	s1 =	srdreg.scid  }
0x8b: {  	s0 =	sand.u32 $0x1, s1  }
0x8c: {  	s17 =	sshll.u32 s0, $0xA;
	s2 =	sadd.s32 s3, s2  }
0x8d: {  	s2 =	sadd.s32 s2, s17  }
0x8e: {  	[smem:$0x3FC5] =	sst s2  }
0x8f: {  	_ = 	snop  }
0x90: {  	s2 =	sld [smem:$0x3FD0];
	(tm) =	ssettm $0x1  }
0x91: {  	s18 =	sld [smem:$0x3FFB];
	_ =	sdelay $0x3  }
0x92: {  	_ =	strace s18  }
0x93: {  	s3 =	sld [smem:$0x3FFC];
	_ =	sdelay $0x3  }
0x94: {  	_ =	strace s3  }
0x95: {  	s3 =	sld [smem:$0x3FFD];
	_ =	sdelay $0x3  }
0x96: {  	_ =	strace s3  }
0x97: {  	_ =	strace $0x8FFFFFFF  }
0x98: {  	s19 =	sld [smem:$0x3FDB];
	_ =	sdelay $0x1  }
0x99: {  	s4 =	simm.s32 $_scs_section_size  }
0x9a: {  	s5 =	simm.s32 $_size__tile_overlayer_lowered;
	s6 =	simm.s32 $_tile_overlayer_lowered  }
0x9b: {  	s22 =	simm.s32 $0x1BFF;
	s21 =	sshll.u32 s6, $0x1;
	s3 =	sadd.s32 s4, s19  }
0x9c: {  	s7 =	simm.s32 $0x0;
	s20 =	sshll.u32 s5, $0x1;
	s5 =	sadd.s32 s21, s3  }
0x9d: {  	[timem:s7], [sflag:s22] =	dma.local [hbm:s5], s20  }
0x9e: {  	_ =	swait.ge [sflag:s22], s20  }
0x9f: {  	s4 =	ssub.s32 $0x0, s20;
	[sflag:s22] =	ssyncset.done $0x0  }
0xa0: {  	[sflag:s22] =	ssyncadd.s32 s4;
	_ =	sdelay $0x1  }
0xa1: {  	s23 =	simm.s32 $0x1B8B  }
0xa2: {  	_ =	swait.ge [sflag:s23], $0x1  }
0xa3: {  	[sflag:s23] =	ssyncset.done $0x0  }
0xa4: {  	s25 =	simm.s32 $0x1B8E;
	s24 =	sld [smem:$0x3FFE];
	[sflag:s23] =	ssyncadd.s32 $0xFFFFFFFF  }
0xa5: {  	s26 =	simm.s32 $execute0_lowered;
	[smem:$0x3FD2] =	sst s25  }
0xa6: {  	s5 =	sshll.u32 s26, $0x1;
	_ =	strace $0x80000046;
	[dreg:$0x1] =	wrdreg $0xFFFFFFFF  }
0xa7: {  	s28 =	simm.s32 $_size_execute0_lowered;
	s3 =	sadd.s32 s3, s5;
	[dreg:$0x0] =	wrdreg $0x0  }
0xa8: {  	s5 =	sshll.u32 s28, $0x1;
	[dreg:$0x2] =	wrdreg s3  }
0xa9: {  	[dreg:$0x3] =	wrdreg s5  }
0xaa: {  	[dreg:$0x4] =	wrdreg $0xC0  }
0xab: {  	_ =	task [dreg:s7], $0x5FFFF  }
0xac: {  	[dreg:$0x1] =	wrdreg $0xFFFFFFFF  }
0xad: {  	[dreg:$0x0] =	wrdreg $0x60  }
0xae: {  	[dreg:$0x2] =	wrdreg s24  }
0xaf: {  	[dreg:$0x3] =	wrdreg s2  }
0xb0: {  	[dreg:$0x4] =	wrdreg $0x9  }
0xb1: {  	_ =	task.clear_ibuf [dreg:s7], $0x5FFFF;
	_ =	strace $0x90000046  }
0xb2: {  	s29 =	simm.s32 $0x9;
	_ =	strace $0x80000048  }
0xb3: {  	_ =	swait.ge [sflag:s29], $0x1  }
0xb4: {  	[sflag:s29] =	ssyncadd.s32 $0xFFFFFFFF  }
0xb5: {  	_ =	strace $0x90000048  }
0xb6: {  	_ =	sfence  }
0xb7: {  	s30 =	sld [smem:$0x0];
	_ =	sdelay $0x2  }
0xb8: {  	s31 =	sshll.u32 s1, $0xD;
	s1 =	sshrl.u32 s1, $0x2  }
0xb9: {  	s3 =	sand.u32 $0x4000, s31;
	s1 =	sadd.s32 s1, s30  }
0xba: {  	s0 =	sor.u32 s3, s0;
	s1 =	sshll.u32 s1, $0x11  }
0xbb: {  	s0 =	sor.u32 s1, s0  }
0xbc: {  	s0 =	sadd.s32 $0x8F2B, s0  }
0xbd: {  	[sflag:s0] =	ssyncadd.remote.s32 $0x1  }
0xbe: {  	_ =	sfence.sel $0xFFFF  }
0xbf: {  	[dreg:$0x0] =	wrdreg $0xFFFFFFFF;
	(pc) =	sbr.abs _section_cstart, $3  }
0xc0: {  	[dreg:$0x1] =	wrdreg $0xFFFFFFFF  }
0xc1: {  	_ =	task.clear_ibuf [dreg:s7], $0x2FFFF;
	_ =	strace $0x9FFFFFFF  }
0xc2: {  	(tm) =	ssettm $0x7FFFFFFF  }
0xc3: {  	_ =	shalt  }
tec
execute0_lowered:
.L_overlay_start_1:
0x0: {  	(tag) =	ssettag $0x1  }
0x1: {  	s9 =	rddreg [dreg:$0x0]  }
0x2: {  	s1 =	rddreg [dreg:$0x1]  }
0x3: {  	s0 =	rddreg [dreg:$0x2]  }
0x4: {  	s2 =	simm.s32 $0x0;
	s3 =	srdreg.scid;
	s13 =	simm.s32 $0x80  }
0x5: {  	s14 =	simm.s32 $0x100;
	s15 =	simm.s32 $0x400;
	s16 =	simm.s32 $0x6180  }
0x6: {  	s17 =	simm.s32 $0x180;
	s18 =	simm.s32 $0x2180;
	s19 =	simm.s32 $0x4180  }
0x7: {  	s20 =	simm.s32 $0x40;
	s21 =	simm.s32 $0x200;
	s22 =	simm.s32 $0x6380  }
0x8: {  	[smem:$0x7FF] =	sst s2;
	s4 =	sadd.s32 $0x20800, s9;
	s6 =	sand.u32 $0x1, s3  }
0x9: {  	s5 =	sadd.s32 $0x800, s9;
	s3 =	stileid.u32;
	s7 =	ssub.s32 $0x2, s6  }
0xa: {  	_ =	strace $0x80000047;
	s10 =	sshll.u32 s3, $0x5;
	s8 =	sshrl.u32 s7, $0x1  }
0xb: {  	s11 =	sshll.u32 s6, $0x4;
	s6 =	sadd.s32 $0x10800, s9;
	s12 =	ssub.s32 s7, s8  }
0xc: {  	s7 =	sor.u32 s11, s10;
	s8 =	sadd.s32 $0x880, s9;
	s9 =	sadd.s32 $0x900, s9  }
0xd: {  	s11 =	simm.s32 $0x1;
	s10 =	smax.u32 s12, $0x1;
	s12 =	simm.s32 $0x2  }
.LBB2_1:
0xe: {  	s23 =	simm.s32 $0x0  }
.LBB2_2:
0xf: {  	s24 =	sadd.s32 s7, s23;
	s25 =	sand.u32 $0x7, s23  }
0x10: {  	p0 =	seq.s32 s24, $0x0;
	p1 =	sne.s32 s25, $0x0  }
0x11: {  	p0 =	por !p0, !p1  }
0x12: {  	s25 =	simm.s32 $0x1;
	p0 =	por !p0, !p0  }
0x13: {  	s24 =	sshrl.u32 s24, $0x3;
	s25 =	simm.s32 @!p0 $0x0  }
0x14: {  	s29 =	sshll.u32 s23, $0x7;
	s25 =	ssub.s32 s24, s25  }
0x15: {  	s24 =	sand.u32 $0x380, s29;
	s26 =	sshll.u32 s25, $0xD  }
0x16: {  	s26 =	sor.u32 s24, s26  }
0x17: {  	s28 =	sshrl.u32 s26, $0x3  }
0x18: {  	s26 =	simm.s32 $0x0;
	s29 =	sadd.s32 s5, s28  }
0x19: {  	[tilespmem:s26], [sflag:$0x2] =	stream.linear.gather [hbm4b:s29+s26], $0x80, $0x38;
	[tilespmem:$0x8380] =	vst v63  }
0x1a: {  	_ =	swait.ge [sflag:s12], $0x80  }
0x1b: {  	[sflag:s12] =	ssyncset.done $0x0  }
0x1c: {  	s30 =	sadd.s32 s28, s8;
	[sflag:s12] =	ssyncadd.s32 $0xFFFFFF80  }
0x1d: {  	[tilespmem:s13], [sflag:$0x2] =	stream.linear.gather [hbm4b:s30+s26], $0x80, $0x38;
	[tilespmem:$0x8380] =	vst v63  }
0x1e: {  	_ =	swait.ge [sflag:s12], $0x80  }
0x1f: {  	[sflag:s12] =	ssyncset.done $0x0  }
0x20: {  	s31 =	sadd.s32 s28, s9;
	[sflag:s12] =	ssyncadd.s32 $0xFFFFFF80  }
0x21: {  	[tilespmem:s14], [sflag:$0x2] =	stream.linear.gather [hbm4b:s31+s26], $0x80, $0x38;
	[tilespmem:$0x8380] =	vst v63  }
0x22: {  	_ =	swait.ge [sflag:s12], $0x80  }
0x23: {  	[sflag:s12] =	ssyncset.done $0x0  }
0x24: {  	s28 =	sadd.s32 s6, s28;
	[sflag:s12] =	ssyncadd.s32 $0xFFFFFF80  }
0x25: {  	[tilespmem:s16], [sflag:$0x2] =	stream.strided.gather [hbm4b:s28+s13], $0x200, s15, s13, $0x38;
	[tilespmem:$0x8380] =	vst v63  }
0x26: {  	_ =	swait.ge [sflag:s12], $0x200  }
0x27: {  	[sflag:s12] =	ssyncset.done $0x0  }
0x28: {  	[sflag:s12] =	ssyncadd.s32 $0xFFFFFE00  }
0x29: {  	[tilespmem:s17], [sflag:$0x1] =	stream.indirect.gather [hbm4b:s4+s13], $0x40, s26, s13, $0xb8;
	[tilespmem:$0x8380] =	vst v63  }
0x2a: {  	_ = 	snop  }
0x2b: {  	[tilespmem:s18], [sflag:$0x1] =	stream.indirect.gather [hbm4b:s4+s13], $0x40, s13, s13, $0xb8;
	[tilespmem:$0x8380] =	vst v63  }
0x2c: {  	_ = 	snop  }
0x2d: {  	[tilespmem:s19], [sflag:$0x1] =	stream.indirect.gather [hbm4b:s4+s13], $0x40, s14, s13, $0xb8;
	[tilespmem:$0x8380] =	vst v63  }
0x2e: {  	_ =	swait.ge [sflag:s11], $0x2000  }
0x2f: {  	[sflag:s11] =	ssyncset.done $0x0  }
0x30: {  	[sflag:s11] =	ssyncadd.s32 $0xFFFFE000  }
0x31: {  	_ =	swait.ge [sflag:s11], $0x2000  }
0x32: {  	[sflag:s11] =	ssyncset.done $0x0  }
0x33: {  	[sflag:s11] =	ssyncadd.s32 $0xFFFFE000  }
0x34: {  	_ =	swait.ge [sflag:s11], $0x2000  }
0x35: {  	[sflag:s11] =	ssyncset.done $0x0  }
0x36: {  	[sflag:s11] =	ssyncadd.s32 $0xFFFFE000  }
.LBB2_3:
0x37: {  	s31 =	sshll.u32 s26, $0xA  }
0x38: {  	v13 =	vld [tilespmem:s31+$0x180]  }
0x39: {  	v19 =	vld [tilespmem:s31+$0x2180]  }
0x3a: {  	v22 =	vld [tilespmem:s31+$0x4180]  }
0x3b: {  	v23 =	vld [tilespmem:s31+$0x190]  }
0x3c: {  	v30 =	vld [tilespmem:s31+$0x2190]  }
0x3d: {  	v31 =	vld [tilespmem:s31+$0x4190]  }
0x3e: {  	v38 =	vld [tilespmem:s31+$0x1A0]  }
0x3f: {  	v39 =	vld [tilespmem:s31+$0x21A0]  }
0x40: {  	v40 =	vld [tilespmem:s31+$0x41A0]  }
0x41: {  	v4 =	vld [tilespmem:s31+$0x42B0]  }
0x42: {  	v41 =	vld [tilespmem:s31+$0x1B0]  }
0x43: {  	v42 =	vld [tilespmem:s31+$0x21B0]  }
0x44: {  	v43 =	vld [tilespmem:s31+$0x41B0]  }
0x45: {  	v47 =	vld [tilespmem:s31+$0x1C0]  }
0x46: {  	[tilespmem:$0x1FD80] =	vst v4;
	v4 =	vld [tilespmem:s31+$0x2C0]  }
0x47: {  	v48 =	vld [tilespmem:s31+$0x21C0]  }
0x48: {  	v49 =	vld [tilespmem:s31+$0x41C0]  }
0x49: {  	v52 =	vld [tilespmem:s31+$0x1D0]  }
0x4a: {  	v54 =	vld [tilespmem:s31+$0x21D0]  }
0x4b: {  	[tilespmem:$0x1FD90] =	vst v4;
	v4 =	vld [tilespmem:s31+$0x22C0]  }
0x4c: {  	v56 =	vld [tilespmem:s31+$0x41D0]  }
0x4d: {  	v58 =	vld [tilespmem:s31+$0x1E0]  }
0x4e: {  	v60 =	vld [tilespmem:s31+$0x21E0]  }
0x4f: {  	v12 =	vld [tilespmem:s31+$0x41E0]  }
0x50: {  	[tilespmem:$0x1FDA0] =	vst v4;
	v4 =	vld [tilespmem:s31+$0x42C0]  }
0x51: {  	v8 =	vld [tilespmem:s31+$0x1F0]  }
0x52: {  	v9 =	vld [tilespmem:s31+$0x21F0]  }
0x53: {  	v10 =	vld [tilespmem:s31+$0x41F0]  }
0x54: {  	v5 =	vld [tilespmem:s31+$0x200]  }
0x55: {  	[tilespmem:$0x1FDF0] =	vst v4;
	v4 =	vld [tilespmem:s31+$0x2D0]  }
0x56: {  	v11 =	vld [tilespmem:s31+$0x2200]  }
0x57: {  	v25 =	vld [tilespmem:s31+$0x4200]  }
0x58: {  	v15 =	vld [tilespmem:s31+$0x210]  }
0x59: {  	v18 =	vld [tilespmem:s31+$0x2210]  }
0x5a: {  	[tilespmem:$0x1FDB0] =	vst v4;
	v4 =	vld [tilespmem:s31+$0x22D0]  }
0x5b: {  	v24 =	vld [tilespmem:s31+$0x4210]  }
0x5c: {  	v17 =	vld [tilespmem:s31+$0x220]  }
0x5d: {  	v21 =	vld [tilespmem:s31+$0x2220]  }
0x5e: {  	v26 =	vld [tilespmem:s31+$0x4220]  }
0x5f: {  	[tilespmem:$0x1FDC0] =	vst v4;
	v4 =	vld [tilespmem:s31+$0x42D0]  }
0x60: {  	v16 =	vld [tilespmem:s31+$0x230]  }
0x61: {  	v20 =	vld [tilespmem:s31+$0x2230]  }
0x62: {  	v27 =	vld [tilespmem:s31+$0x4230]  }
0x63: {  	v61 =	vld [tilespmem:s31+$0x240]  }
0x64: {  	[tilespmem:$0x1FE00] =	vst v4;
	v4 =	vld [tilespmem:s31+$0x2E0]  }
0x65: {  	v55 =	vld [tilespmem:s31+$0x2240]  }
0x66: {  	v34 =	vld [tilespmem:s31+$0x4240]  }
0x67: {  	v28 =	vld [tilespmem:s31+$0x250]  }
0x68: {  	v29 =	vld [tilespmem:s31+$0x2250]  }
0x69: {  	[tilespmem:$0x1FDD0] =	vst v4;
	v4 =	vld [tilespmem:s31+$0x22E0]  }
0x6a: {  	v32 =	vld [tilespmem:s31+$0x4250]  }
0x6b: {  	v33 =	vld [tilespmem:s31+$0x260]  }
0x6c: {  	v36 =	vld [tilespmem:s31+$0x2260]  }
0x6d: {  	v62 =	vld [tilespmem:s31+$0x4260]  }
0x6e: {  	[tilespmem:$0x1FE10] =	vst v4;
	v4 =	vld [tilespmem:s31+$0x42E0]  }
0x6f: {  	v35 =	vld [tilespmem:s31+$0x270]  }
0x70: {  	v37 =	vld [tilespmem:s31+$0x2270]  }
0x71: {  	v45 =	vld [tilespmem:s31+$0x4270]  }
0x72: {  	v44 =	vld [tilespmem:s31+$0x280]  }
0x73: {  	[tilespmem:$0x1FE30] =	vst v4;
	v4 =	vld [tilespmem:s31+$0x2F0]  }
0x74: {  	v46 =	vld [tilespmem:s31+$0x2280]  }
0x75: {  	v59 =	vld [tilespmem:s31+$0x4280]  }
0x76: {  	v51 =	vld [tilespmem:s31+$0x290]  }
0x77: {  	v0 =	vld [tilespmem:s31+$0x4290]  }
0x78: {  	[tilespmem:$0x1FDE0] =	vst v4;
	v4 =	vld [tilespmem:s31+$0x22F0]  }
0x79: {  	s28 =	sshll.u32 s26, $0x4;
	v1 =	vld [tilespmem:s31+$0x300]  }
0x7a: {  	s28 =	sand.u32 $0x3FFFFFF0, s28;
	v2 =	vld [tilespmem:s31+$0x2300]  }
0x7b: {  	v6 =	vld [tilespmem:s28+$0x6180]  }
0x7c: {  	v7 =	vld [tilespmem:s28+$0x6200]  }
0x7d: {  	[tilespmem:$0x1FE20] =	vst v4;
	v4 =	vld [tilespmem:s31+$0x42F0]  }
0x7e: {  	v14 =	vld [tilespmem:s28+$0x6280]  }
0x7f: {  	v50 =	vld [tilespmem:s31+$0x2290]  }
0x80: {  	v53 =	vld [tilespmem:s31+$0x22A0];
	[tilespmem:$0x1FD50] =	vst v0  }
0x81: {  	v57 =	vld [tilespmem:s31+$0x42A0];
	[tilespmem:$0x1FE50] =	vst v1  }
0x82: {  	v0 =	vbroadcast v6, $0x0;
	v1 =	vbroadcast v7, $0x0;
	[tilespmem:$0x1FE40] =	vst v4;
	v4 =	vld [tilespmem:s31+$0x4300]  }
0x83: {  	v3 =	vld [tilespmem:s31+$0x310];
	[tilespmem:$0x1FE60] =	vst v2;
	v2 =	vbroadcast v14, $0x0  }
0x84: {  	v63 =	vld [tilespmem:s31+$0x2A0];
	v13 =	vmul.f32 v13, v0;
	v19 =	vmul.f32 v19, v1  }
0x85: {  	[tilespmem:$0x1FD60] =	vst v53;
	v53 =	vld [tilespmem:s31+$0x2B0]  }
0x86: {  	[tilespmem:$0x1FD70] =	vst v57;
	v57 =	vld [tilespmem:s31+$0x22B0];
	v13 =	vadd.f32 v19, v13;
	v19 =	vmul.f32 v22, v2  }
0x87: {  	[tilespmem:$0x1FE80] =	vst v4;
	v4 =	vld [tilespmem:s31+$0x4310]  }
0x88: {  	[tilespmem:$0x1FE70] =	vst v3;
	v3 =	vmul.f32 v23, v0;
	v13 =	vadd.f32 v19, v13;
	v19 =	vld [tilespmem:s31+$0x4320]  }
0x89: {  	v38 =	vmul.f32 v38, v0;
	v0 =	vmul.f32 v41, v0;
	v41 =	vld [tilespmem:s31+$0x2320]  }
0x8a: {  	v30 =	vmul.f32 v30, v1;
	v23 =	vld [tilespmem:s31+$0x2310]  }
0x8b: {  	v39 =	vmul.f32 v39, v1;
	v1 =	vmul.f32 v42, v1;
	v42 =	vld [tilespmem:s31+$0x2330]  }
0x8c: {  	[tilespmem:$0x1FE90] =	vst v4;
	v4 =	vadd.f32 v30, v3;
	v30 =	vmul.f32 v31, v2;
	v31 =	vld [tilespmem:s31+$0x320]  }
0x8d: {  	v22 =	vadd.f32 v39, v38;
	v38 =	vld [tilespmem:s31+$0x4330];
	[tilespmem:$0x1FEC0] =	vst v19;
	v19 =	vbroadcast v7, $0x1  }
0x8e: {  	v39 =	vld [tilespmem:s31+$0x4340];
	[tilespmem:$0x1FEB0] =	vst v41;
	v3 =	vadd.f32 v30, v4;
	v30 =	vmul.f32 v40, v2  }
0x8f: {  	v41 =	vld [tilespmem:s31+$0x330];
	[tilespmem:$0x1FED0] =	vst v13;
	v13 =	vbroadcast v14, $0x1;
	v48 =	vmul.f32 v48, v19  }
0x90: {  	v40 =	vld [tilespmem:s31+$0x340];
	[tilespmem:$0x1FEE0] =	vst v3;
	v3 =	vbroadcast v6, $0x1;
	v4 =	vadd.f32 v30, v22;
	v22 =	vmul.f32 v54, v19  }
0x91: {  	v0 =	vadd.f32 v1, v0;
	v30 =	vmul.f32 v49, v13;
	v54 =	vld [tilespmem:s31+$0x2360];
	[tilespmem:$0x1FEA0] =	vst v31;
	v31 =	vmul.f32 v43, v2  }
0x92: {  	v49 =	vmul.f32 v10, v13;
	v10 =	vld [tilespmem:s31+$0x3D0];
	v47 =	vmul.f32 v47, v3  }
0x93: {  	v43 =	vld [tilespmem:s31+$0x2340];
	v0 =	vadd.f32 v31, v0  }
0x94: {  	v31 =	vmul.f32 v58, v3;
	v58 =	vmul.f32 v56, v13;
	v56 =	vld [tilespmem:s31+$0x360];
	v2 =	vadd.f32 v48, v47  }
0x95: {  	v52 =	vmul.f32 v52, v3;
	v1 =	vmul.f32 v8, v3;
	v48 =	vld [tilespmem:s31+$0x350]  }
0x96: {  	v8 =	vmul.f32 v60, v19;
	v3 =	vbroadcast v7, $0x2;
	v47 =	vld [tilespmem:s31+$0x4350];
	v2 =	vadd.f32 v30, v2  }
0x97: {  	[tilespmem:$0x1FF00] =	vst v0;
	v0 =	vadd.f32 v22, v52;
	v22 =	vmul.f32 v9, v19;
	v52 =	vld [tilespmem:s31+$0x2350];
	v30 =	vbroadcast v6, $0x2  }
0x98: {  	v9 =	vld [tilespmem:s31+$0x3B0];
	[tilespmem:$0x1FF10] =	vst v2;
	v2 =	vadd.f32 v8, v31;
	v31 =	vmul.f32 v12, v13  }
0x99: {  	v1 =	vadd.f32 v22, v1;
	v22 =	vld [tilespmem:s31+$0x370];
	v60 =	vmul.f32 v5, v30;
	v12 =	vmul.f32 v11, v3  }
0x9a: {  	v0 =	vadd.f32 v58, v0;
	v58 =	vld [tilespmem:s31+$0x4370];
	v13 =	vmul.f32 v15, v30;
	v8 =	vbroadcast v14, $0x2  }
0x9b: {  	v15 =	vmul.f32 v18, v3;
	v17 =	vmul.f32 v17, v30;
	v5 =	vld [tilespmem:$0x1FD80]  }
0x9c: {  	v11 =	vbroadcast v14, $0x3;
	[tilespmem:$0x1FF20] =	vst v0;
	v1 =	vadd.f32 v49, v1;
	v49 =	vld [tilespmem:s31+$0x4360];
	v0 =	vmul.f32 v16, v30  }
0x9d: {  	v30 =	vld [tilespmem:s31+$0x2370];
	v2 =	vadd.f32 v31, v2;
	v18 =	vmul.f32 v25, v8;
	v19 =	vmul.f32 v24, v8  }
0x9e: {  	[tilespmem:$0x1FEF0] =	vst v4;
	v16 =	vld [tilespmem:s31+$0x43B0];
	v4 =	vadd.f32 v12, v60;
	v24 =	vmul.f32 v21, v3;
	v3 =	vmul.f32 v20, v3  }
0x9f: {  	v25 =	vmul.f32 v26, v8;
	v12 =	vbroadcast v7, $0x3;
	v60 =	vld [tilespmem:s31+$0x380];
	[tilespmem:$0x1FF40] =	vst v1;
	v1 =	vadd.f32 v15, v13  }
0xa0: {  	v8 =	vmul.f32 v27, v8;
	v31 =	vld [tilespmem:s31+$0x2380];
	v20 =	vbroadcast v7, $0x4;
	v4 =	vadd.f32 v18, v4  }
0xa1: {  	v26 =	vadd.f32 v24, v17;
	v15 =	vmul.f32 v55, v12;
	v55 =	vld [tilespmem:s31+$0x4380];
	v1 =	vadd.f32 v19, v1  }
0xa2: {  	v0 =	vadd.f32 v3, v0;
	v24 =	vmul.f32 v29, v12;
	v18 =	vld [tilespmem:s31+$0x390];
	[tilespmem:$0x1FF50] =	vst v4;
	v4 =	vbroadcast v6, $0x3  }
0xa3: {  	v29 =	vld [tilespmem:s31+$0x2390];
	[tilespmem:$0x1FF60] =	vst v1;
	v1 =	vadd.f32 v25, v26;
	v26 =	vmul.f32 v34, v11;
	v34 =	vmul.f32 v36, v12  }
0xa4: {  	v19 =	vld [tilespmem:s31+$0x23A0];
	v36 =	vmul.f32 v62, v11;
	v13 =	vmul.f32 v61, v4  }
0xa5: {  	v0 =	vadd.f32 v8, v0;
	v8 =	vld [tilespmem:$0x1FD90];
	v21 =	vmul.f32 v28, v4;
	v28 =	vmul.f32 v32, v11  }
0xa6: {  	v62 =	vld [tilespmem:s31+$0x43A0];
	v32 =	vmul.f32 v33, v4;
	v33 =	vmul.f32 v35, v4  }
0xa7: {  	v61 =	vld [tilespmem:s31+$0x4390];
	v35 =	vmul.f32 v37, v12;
	v12 =	vbroadcast v6, $0x4  }
0xa8: {  	v25 =	vadd.f32 v15, v13;
	v15 =	vld [tilespmem:s31+$0x3A0]  }
0xa9: {  	v46 =	vmul.f32 v46, v20;
	[tilespmem:$0x1FF70] =	vst v1;
	v1 =	vadd.f32 v24, v21;
	v44 =	vmul.f32 v44, v12;
	v13 =	vld [tilespmem:s31+$0x23B0]  }
0xaa: {  	v37 =	vadd.f32 v35, v33;
	v24 =	vbroadcast v14, $0x4;
	v35 =	vmul.f32 v63, v12;
	v63 =	vld [tilespmem:s31+$0x23C0]  }
0xab: {  	v4 =	vadd.f32 v34, v32;
	v33 =	vmul.f32 v50, v20;
	v50 =	vmul.f32 v57, v20;
	v57 =	vld [tilespmem:s31+$0x43C0]  }
0xac: {  	v32 =	vmul.f32 v51, v12;
	v12 =	vmul.f32 v53, v12;
	v53 =	vld [tilespmem:$0x1FD70]  }
0xad: {  	v11 =	vmul.f32 v45, v11;
	v45 =	vadd.f32 v36, v4;
	v36 =	vld [tilespmem:$0x1FD50]  }
0xae: {  	v4 =	vadd.f32 v46, v44;
	v34 =	vmul.f32 v59, v24;
	v59 =	vld [tilespmem:s31+$0x3C0]  }
0xaf: {  	[tilespmem:$0x1FFB0] =	vst v45;
	v45 =	vld [tilespmem:$0x1FD60]  }
0xb0: {  	v12 =	vadd.f32 v50, v12;
	v50 =	vld [tilespmem:$0x1FDB0];
	v44 =	vadd.f32 v34, v4  }
0xb1: {  	v1 =	vadd.f32 v28, v1;
	v4 =	vmul.f32 v53, v24;
	v53 =	vld [tilespmem:s31+$0x23D0]  }
0xb2: {  	v28 =	vadd.f32 v11, v37;
	v11 =	vadd.f32 v33, v32;
	[tilespmem:$0x1FFD0] =	vst v44;
	v44 =	vld [tilespmem:s31+$0x23E0];
	v37 =	vmul.f32 v36, v24  }
0xb3: {  	v24 =	vmul.f32 v5, v24;
	v5 =	vld [tilespmem:$0x1FDC0]  }
0xb4: {  	v46 =	vmul.f32 v45, v20;
	v51 =	vadd.f32 v37, v11;
	v20 =	vld [tilespmem:$0x1FDA0]  }
0xb5: {  	v45 =	vld [tilespmem:$0x1FE40]  }
0xb6: {  	[tilespmem:$0x1FFE0] =	vst v51;
	v51 =	vld [tilespmem:s31+$0x43D0]  }
0xb7: {  	[tilespmem:$0x1FF80] =	vst v0;
	v0 =	vadd.f32 v26, v25;
	v11 =	vbroadcast v6, $0x5;
	v26 =	vadd.f32 v46, v35;
	v35 =	vld [tilespmem:$0x1FE00]  }
0xb8: {  	v46 =	vld [tilespmem:s31+$0x23F0]  }
0xb9: {  	v25 =	vbroadcast v7, $0x5;
	v32 =	vadd.f32 v4, v26;
	v26 =	vmul.f32 v50, v11;
	v50 =	vld [tilespmem:s31+$0x3E0]  }
0xba: {  	v17 =	vmul.f32 v8, v11;
	v4 =	vadd.f32 v24, v12;
	v12 =	vld [tilespmem:$0x1FDD0]  }
0xbb: {  	v8 =	vmul.f32 v5, v25;
	v21 =	vmul.f32 v20, v25;
	v20 =	vld [tilespmem:$0x1FDF0]  }
0xbc: {  	[tilespmem:$0x1FFF0] =	vst v4;
	v4 =	vld [tilespmem:$0x1FE10]  }
0xbd: {  	v24 =	vadd.f32 v8, v26;
	v8 =	vld [tilespmem:$0x1FE20]  }
0xbe: {  	v27 =	vbroadcast v14, $0x5;
	v26 =	vld [tilespmem:$0x1FE80]  }
0xbf: {  	[tilespmem:$0x1FFC0] =	vst v28;
	v28 =	vadd.f32 v21, v17;
	v17 =	vld [tilespmem:$0x1FDE0]  }
0xc0: {  	[tilespmem:s31+$0x64A0] =	vst v32;
	v32 =	vld [tilespmem:s31+$0x44B0];
	v36 =	vmul.f32 v35, v27  }
0xc1: {  	v37 =	vmul.f32 v12, v11;
	v12 =	vld [tilespmem:s31+$0x43E0]  }
0xc2: {  	v34 =	vadd.f32 v36, v24;
	v36 =	vld [tilespmem:s31+$0x43F0]  }
0xc3: {  	v21 =	vmul.f32 v20, v27;
	v5 =	vmul.f32 v4, v25;
	v4 =	vld [tilespmem:$0x1FE50]  }
0xc4: {  	v33 =	vmul.f32 v17, v11;
	v17 =	vld [tilespmem:$0x1FE30]  }
0xc5: {  	v35 =	vadd.f32 v21, v28;
	v21 =	vadd.f32 v5, v37;
	v5 =	vld [tilespmem:$0x1FE60]  }
0xc6: {  	v24 =	vld [tilespmem:$0x1FE70]  }
0xc7: {  	[tilespmem:$0x1FF90] =	vst v0;
	v0 =	vbroadcast v7, $0x6;
	v11 =	vld [tilespmem:s31+$0x3F0]  }
0xc8: {  	v25 =	vmul.f32 v8, v25;
	v28 =	vbroadcast v6, $0x6;
	v37 =	vld [tilespmem:s31+$0x400]  }
0xc9: {  	[tilespmem:s31+$0x64C0] =	vst v35;
	v35 =	vld [tilespmem:s31+$0x4E0];
	v20 =	vmul.f32 v17, v27;
	v27 =	vmul.f32 v45, v27  }
0xca: {  	v17 =	vmul.f32 v4, v28;
	v45 =	vld [tilespmem:s31+$0x2400];
	v8 =	vmul.f32 v5, v0  }
0xcb: {  	v3 =	vbroadcast v14, $0x6;
	v4 =	vadd.f32 v25, v33;
	v33 =	vld [tilespmem:s31+$0x4400]  }
0xcc: {  	[tilespmem:$0x1FF30] =	vst v2;
	v2 =	vadd.f32 v8, v17;
	v8 =	vld [tilespmem:$0x1FEA0]  }
0xcd: {  	[tilespmem:$0x1FFA0] =	vst v1;
	v1 =	vmul.f32 v24, v28;
	v24 =	vadd.f32 v27, v4;
	v4 =	vmul.f32 v26, v3;
	v26 =	vld [tilespmem:s31+$0x410]  }
0xce: {  	v27 =	vld [tilespmem:$0x1FE90]  }
0xcf: {  	v25 =	vadd.f32 v20, v21;
	v21 =	vld [tilespmem:$0x1FEB0]  }
0xd0: {  	v17 =	vmul.f32 v41, v28;
	v41 =	vld [tilespmem:s31+$0x4410]  }
0xd1: {  	v23 =	vmul.f32 v23, v0;
	v5 =	vmul.f32 v8, v28;
	v28 =	vld [tilespmem:$0x1FEC0]  }
0xd2: {  	[tilespmem:s31+$0x64F0] =	vst v24;
	v24 =	vld [tilespmem:s31+$0x4500]  }
0xd3: {  	v1 =	vadd.f32 v23, v1;
	[tilespmem:s31+$0x64E0] =	vst v25;
	v25 =	vld [tilespmem:s31+$0x510];
	v23 =	vmul.f32 v27, v3  }
0xd4: {  	v20 =	vadd.f32 v4, v2;
	v27 =	vld [tilespmem:s31+$0x2410];
	v4 =	vmul.f32 v21, v0  }
0xd5: {  	v0 =	vmul.f32 v42, v0;
	v42 =	vld [tilespmem:s31+$0x420];
	v21 =	vadd.f32 v23, v1;
	v1 =	vbroadcast v6, $0x7  }
0xd6: {  	[tilespmem:s31+$0x6500] =	vst v20;
	v20 =	vld [tilespmem:s31+$0x24F0];
	v4 =	vadd.f32 v4, v5;
	v5 =	vmul.f32 v28, v3;
	v28 =	vbroadcast v7, $0x7  }
0xd7: {  	v2 =	vmul.f32 v38, v3;
	v38 =	vbroadcast v14, $0x7;
	v8 =	vld [tilespmem:s31+$0x430];
	v0 =	vadd.f32 v0, v17  }
0xd8: {  	v23 =	vld [tilespmem:s31+$0x2420];
	v3 =	vmul.f32 v40, v1;
	v17 =	vadd.f32 v5, v4;
	v5 =	vmul.f32 v43, v28  }
0xd9: {  	v40 =	vld [tilespmem:s31+$0x4420];
	v43 =	vadd.f32 v2, v0;
	v0 =	vmul.f32 v48, v1;
	v2 =	vmul.f32 v52, v28  }
0xda: {  	v48 =	vld [tilespmem:s31+$0x2430];
	v3 =	vadd.f32 v5, v3;
	v5 =	vmul.f32 v39, v38  }
0xdb: {  	v4 =	vmul.f32 v56, v1;
	v52 =	vld [tilespmem:s31+$0x4430];
	v0 =	vadd.f32 v2, v0;
	v2 =	vmul.f32 v47, v38  }
0xdc: {  	v1 =	vmul.f32 v22, v1;
	v39 =	vld [tilespmem:s31+$0x440];
	v56 =	vadd.f32 v5, v3;
	v3 =	vmul.f32 v54, v28  }
0xdd: {  	v47 =	vld [tilespmem:s31+$0x2440];
	v54 =	vmul.f32 v30, v28;
	v5 =	vadd.f32 v2, v0;
	v0 =	vbroadcast v6, $0x8  }
0xde: {  	[tilespmem:s31+$0x6530] =	vst v43;
	v43 =	vld [tilespmem:s31+$0x4F0];
	v28 =	vbroadcast v7, $0x8;
	v2 =	vadd.f32 v3, v4;
	v3 =	vmul.f32 v49, v38  }
0xdf: {  	v30 =	vld [tilespmem:s31+$0x4440];
	v4 =	vmul.f32 v58, v38;
	v1 =	vadd.f32 v54, v1;
	v49 =	vmul.f32 v60, v0  }
0xe0: {  	v38 =	vld [tilespmem:s31+$0x450];
	v31 =	vmul.f32 v31, v28;
	v22 =	vadd.f32 v3, v2;
	v2 =	vmul.f32 v18, v0  }
0xe1: {  	v54 =	vld [tilespmem:s31+$0x2450];
	v3 =	vbroadcast v14, $0x8;
	v18 =	vadd.f32 v4, v1;
	v1 =	vmul.f32 v29, v28  }
0xe2: {  	v58 =	vld [tilespmem:$0x1FED0];
	v9 =	vmul.f32 v9, v0;
	v4 =	vmul.f32 v15, v0;
	v29 =	vadd.f32 v31, v49  }
0xe3: {  	v60 =	vld [tilespmem:$0x1FEE0];
	v0 =	vmul.f32 v55, v3;
	v1 =	vadd.f32 v1, v2;
	v49 =	vmul.f32 v61, v3  }
0xe4: {  	v15 =	vld [tilespmem:s31+$0x460]  }
0xe5: {  	v2 =	vadd.f32 v0, v29;
	v0 =	vadd.f32 v49, v1;
	v1 =	vmul.f32 v62, v3;
	v62 =	vld [tilespmem:$0x1FF40]  }
0xe6: {  	v31 =	vld [tilespmem:s31+$0x2460]  }
0xe7: {  	v19 =	vmul.f32 v19, v28;
	v55 =	vld [tilespmem:$0x1FF00]  }
0xe8: {  	v61 =	vld [tilespmem:$0x1FF20]  }
0xe9: {  	v4 =	vadd.f32 v19, v4;
	v19 =	vld [tilespmem:s31+$0x4470]  }
0xea: {  	[tilespmem:s31+$0x63F0] =	vst v62;
	v62 =	vld [tilespmem:$0x1FF50]  }
0xeb: {  	v13 =	vmul.f32 v13, v28;
	[tilespmem:s31+$0x6380] =	vst v58;
	v58 =	vld [tilespmem:s31+$0x4450]  }
0xec: {  	v28 =	vbroadcast v6, $0x9;
	[tilespmem:s31+$0x6390] =	vst v60;
	v60 =	vld [tilespmem:$0x1FEF0];
	v49 =	vbroadcast v7, $0x9  }
0xed: {  	v29 =	vld [tilespmem:s31+$0x470]  }
0xee: {  	v1 =	vadd.f32 v1, v4;
	v4 =	vmul.f32 v10, v28;
	v10 =	vmul.f32 v53, v49;
	v53 =	vld [tilespmem:s31+$0x2480]  }
0xef: {  	v50 =	vmul.f32 v50, v28;
	[tilespmem:s31+$0x6400] =	vst v62;
	v62 =	vld [tilespmem:$0x1FF60]  }
0xf0: {  	v9 =	vadd.f32 v13, v9;
	v11 =	vmul.f32 v11, v28;
	v13 =	vmul.f32 v63, v49;
	v63 =	vld [tilespmem:$0x1FF70]  }
0xf1: {  	v3 =	vmul.f32 v16, v3;
	v16 =	vmul.f32 v59, v28;
	v28 =	vld [tilespmem:s31+$0x2490];
	[tilespmem:s31+$0x63B0] =	vst v55  }
0xf2: {  	v55 =	vld [tilespmem:s31+$0x4460];
	[tilespmem:s31+$0x63D0] =	vst v61  }
0xf3: {  	v59 =	vbroadcast v14, $0x9;
	v61 =	vld [tilespmem:$0x1FF30];
	[tilespmem:s31+$0x63A0] =	vst v60  }
0xf4: {  	v3 =	vadd.f32 v3, v9;
	[tilespmem:s31+$0x6410] =	vst v62;
	v62 =	vld [tilespmem:$0x1FF80]  }
0xf5: {  	v60 =	vld [tilespmem:$0x1FF10];
	v9 =	vadd.f32 v13, v16;
	v13 =	vmul.f32 v57, v59;
	[tilespmem:s31+$0x6420] =	vst v63;
	v63 =	vmul.f32 v44, v49  }
0xf6: {  	v16 =	vld [tilespmem:s31+$0x4480];
	v4 =	vadd.f32 v10, v4  }
0xf7: {  	v10 =	vmul.f32 v51, v59;
	v9 =	vadd.f32 v13, v9;
	v13 =	vadd.f32 v63, v50;
	v63 =	vld [tilespmem:$0x1FFB0]  }
0xf8: {  	[tilespmem:s31+$0x64D0] =	vst v34;
	v34 =	vbroadcast v14, $0xB;
	v51 =	vld [tilespmem:s31+$0x490]  }
0xf9: {  	v4 =	vadd.f32 v10, v4;
	v10 =	vmul.f32 v46, v49;
	[tilespmem:s31+$0x6430] =	vst v62;
	v62 =	vld [tilespmem:$0x1FFA0]  }
0xfa: {  	v30 =	vmul.f32 v30, v34;
	v57 =	vld [tilespmem:$0x1FF90];
	v44 =	vbroadcast v6, $0xA  }
0xfb: {  	v46 =	vld [tilespmem:s31+$0x4490];
	v49 =	vbroadcast v7, $0xA;
	v10 =	vadd.f32 v10, v11;
	v11 =	vmul.f32 v36, v59  }
0xfc: {  	v12 =	vmul.f32 v12, v59;
	v36 =	vmul.f32 v37, v44;
	[tilespmem:s31+$0x6460] =	vst v63;
	v63 =	vld [tilespmem:$0x1FFD0]  }
0xfd: {  	v59 =	vld [tilespmem:$0x1FFF0];
	v10 =	vadd.f32 v11, v10;
	v11 =	vmul.f32 v26, v44;
	v26 =	vmul.f32 v27, v49  }
0xfe: {  	v23 =	vmul.f32 v23, v49;
	v12 =	vadd.f32 v12, v13;
	v13 =	vmul.f32 v45, v49;
	[tilespmem:s31+$0x6450] =	vst v62;
	v62 =	vld [tilespmem:$0x1FFC0]  }
0xff: {  	[tilespmem:s31+$0x63E0] =	vst v61;
	v61 =	vld [tilespmem:s31+$0x480];
	v8 =	vmul.f32 v8, v44;
	v45 =	vbroadcast v14, $0xA;
	v11 =	vadd.f32 v26, v11  }
0x100: {  	[tilespmem:s31+$0x63C0] =	vst v60;
	v60 =	vld [tilespmem:s31+$0x2470];
	v26 =	vmul.f32 v42, v44;
	v13 =	vadd.f32 v13, v36;
	v36 =	vbroadcast v6, $0xB  }
0x101: {  	v50 =	vld [tilespmem:s31+$0x4A0];
	v33 =	vmul.f32 v33, v45;
	[tilespmem:s31+$0x6480] =	vst v63;
	v63 =	vmul.f32 v41, v45  }
0x102: {  	v37 =	vld [tilespmem:s31+$0x24A0];
	[tilespmem:s31+$0x64B0] =	vst v59;
	v23 =	vadd.f32 v23, v26;
	v26 =	vbroadcast v7, $0xB;
	v59 =	vmul.f32 v38, v36  }
0x103: {  	v11 =	vadd.f32 v63, v11;
	v63 =	vmul.f32 v48, v49;
	v48 =	vmul.f32 v52, v45;
	[tilespmem:s31+$0x6470] =	vst v62;
	v62 =	vld [tilespmem:$0x1FFE0]  }
0x104: {  	[tilespmem:s31+$0x6440] =	vst v57;
	v57 =	vld [tilespmem:s31+$0x44A0];
	v49 =	vmul.f32 v39, v36;
	v52 =	vmul.f32 v47, v26  }
0x105: {  	v27 =	vld [tilespmem:s31+$0x4B0];
	v15 =	vmul.f32 v15, v36;
	v29 =	vmul.f32 v29, v36  }
0x106: {  	v42 =	vld [tilespmem:s31+$0x24C0];
	v8 =	vadd.f32 v63, v8;
	v63 =	vadd.f32 v52, v49;
	v49 =	vmul.f32 v55, v34  }
0x107: {  	v44 =	vld [tilespmem:s31+$0x44C0];
	v13 =	vadd.f32 v33, v13;
	v52 =	vbroadcast v6, $0xC;
	v55 =	vbroadcast v7, $0xC  }
0x108: {  	v33 =	vld [tilespmem:s31+$0x24D0];
	v8 =	vadd.f32 v48, v8;
	v48 =	vmul.f32 v31, v26;
	[tilespmem:s31+$0x6490] =	vst v62;
	v62 =	vmul.f32 v40, v45  }
0x109: {  	[tilespmem:s31+$0x6510] =	vst v21;
	v41 =	vld [tilespmem:s31+$0x24B0];
	v21 =	vadd.f32 v30, v63;
	v63 =	vmul.f32 v51, v52;
	v50 =	vmul.f32 v50, v52  }
0x10a: {  	[tilespmem:s31+$0x6520] =	vst v17;
	v38 =	vld [tilespmem:s31+$0x44D0];
	v51 =	vmul.f32 v37, v55;
	v23 =	vadd.f32 v62, v23;
	v62 =	vmul.f32 v54, v26  }
0x10b: {  	[tilespmem:s31+$0x6540] =	vst v56;
	v39 =	vld [tilespmem:s31+$0x4D0];
	v45 =	vmul.f32 v58, v34;
	v58 =	vmul.f32 v19, v34  }
0x10c: {  	[tilespmem:s31+$0x6550] =	vst v5;
	v36 =	vld [tilespmem:s31+$0x44E0];
	v54 =	vmul.f32 v60, v26;
	v47 =	vadd.f32 v62, v59;
	v59 =	vmul.f32 v61, v52  }
0x10d: {  	[tilespmem:s31+$0x6560] =	vst v22;
	v56 =	vadd.f32 v48, v15;
	v40 =	vld [tilespmem:s31+$0x4C0];
	v61 =	vmul.f32 v53, v55;
	v62 =	vbroadcast v14, $0xC  }
0x10e: {  	[tilespmem:s31+$0x6570] =	vst v18;
	v31 =	vld [tilespmem:s31+$0x24E0];
	v60 =	vadd.f32 v54, v29;
	v52 =	vmul.f32 v27, v52;
	v53 =	vmul.f32 v41, v55  }
0x10f: {  	[tilespmem:s31+$0x6580] =	vst v2;
	v30 =	vld [tilespmem:s31+$0x2520];
	v54 =	vbroadcast v6, $0xD;
	v17 =	vadd.f32 v45, v47;
	v45 =	vmul.f32 v28, v55  }
0x110: {  	[tilespmem:s31+$0x6590] =	vst v0;
	v5 =	vadd.f32 v49, v56;
	v34 =	vld [tilespmem:s31+$0x44F0];
	v16 =	vmul.f32 v16, v62;
	v49 =	vmul.f32 v46, v62  }
0x111: {  	[tilespmem:s31+$0x65A0] =	vst v1;
	v19 =	vld [tilespmem:s31+$0x2500];
	v2 =	vadd.f32 v58, v60;
	v56 =	vmul.f32 v57, v62;
	v57 =	vbroadcast v7, $0xD  }
0x112: {  	[tilespmem:s31+$0x65B0] =	vst v3;
	v26 =	vld [tilespmem:s31+$0x2510];
	v47 =	vadd.f32 v61, v59;
	v58 =	vmul.f32 v32, v62;
	v59 =	vmul.f32 v40, v54  }
0x113: {  	[tilespmem:s31+$0x65C0] =	vst v9;
	v27 =	vld [tilespmem:s31+$0x4510];
	v61 =	vbroadcast v14, $0xD;
	v62 =	vmul.f32 v39, v54  }
0x114: {  	[tilespmem:s31+$0x65D0] =	vst v4;
	v29 =	vld [tilespmem:s31+$0x520];
	v55 =	vadd.f32 v51, v50;
	v40 =	vmul.f32 v35, v54;
	v18 =	vmul.f32 v43, v54  }
0x115: {  	[tilespmem:s31+$0x65F0] =	vst v10;
	v28 =	vld [tilespmem:s31+$0x500];
	v3 =	vadd.f32 v53, v52;
	v50 =	vbroadcast v14, $0xE;
	v60 =	vmul.f32 v42, v57  }
0x116: {  	[tilespmem:s31+$0x65E0] =	vst v12;
	v32 =	vld [tilespmem:s31+$0x4520];
	v48 =	vadd.f32 v45, v63;
	v63 =	vmul.f32 v33, v57;
	v37 =	vmul.f32 v44, v61  }
0x117: {  	[tilespmem:s31+$0x6600] =	vst v13;
	v39 =	vld [tilespmem:s31+$0x530];
	v1 =	vadd.f32 v16, v47;
	v38 =	vmul.f32 v38, v61;
	v41 =	vmul.f32 v31, v57  }
0x118: {  	[tilespmem:s31+$0x6610] =	vst v11;
	v51 =	vld [tilespmem:s31+$0x2540];
	v9 =	vadd.f32 v56, v55;
	v44 =	vmul.f32 v36, v61;
	v46 =	vmul.f32 v20, v57  }
0x119: {  	[tilespmem:s31+$0x6630] =	vst v8;
	v35 =	vld [tilespmem:s31+$0x560];
	v3 =	vadd.f32 v58, v3;
	v47 =	vbroadcast v6, $0xE;
	v15 =	vmul.f32 v34, v61  }
0x11a: {  	[tilespmem:s31+$0x6640] =	vst v21;
	v42 =	vld [tilespmem:s31+$0x2530];
	v55 =	vmul.f32 v24, v50;
	v6 =	vbroadcast v6, $0xF;
	v0 =	vadd.f32 v49, v48  }
0x11b: {  	[tilespmem:s31+$0x6660] =	vst v5;
	v45 =	vld [tilespmem:s31+$0x4530];
	v12 =	vadd.f32 v60, v59;
	v49 =	vbroadcast v7, $0xE;
	v58 =	vmul.f32 v25, v47  }
0x11c: {  	[tilespmem:s31+$0x6620] =	vst v23;
	v56 =	vld [tilespmem:s31+$0x550];
	v4 =	vadd.f32 v63, v62;
	v62 =	vmul.f32 v27, v50;
	v63 =	vmul.f32 v29, v47  }
0x11d: {  	[tilespmem:s31+$0x6650] =	vst v17;
	v48 =	vld [tilespmem:s31+$0x540];
	v10 =	vadd.f32 v41, v40;
	v7 =	vbroadcast v7, $0xF;
	v52 =	vmul.f32 v28, v47  }
0x11e: {  	[tilespmem:s31+$0x6670] =	vst v2;
	v8 =	vadd.f32 v46, v18;
	v18 =	vld [tilespmem:s31+$0x4540];
	v34 =	vmul.f32 v32, v50;
	v36 =	vmul.f32 v39, v47  }
0x11f: {  	v60 =	vld [tilespmem:s31+$0x2550];
	[tilespmem:s31+$0x6680] =	vst v1;
	v12 =	vadd.f32 v37, v12;
	v4 =	vadd.f32 v38, v4;
	v54 =	vmul.f32 v19, v49  }
0x120: {  	[tilespmem:s31+$0x66A0] =	vst v9;
	v28 =	vld [tilespmem:s31+$0x4550];
	v53 =	vadd.f32 v44, v10;
	v59 =	vmul.f32 v26, v49;
	v30 =	vmul.f32 v30, v49  }
0x121: {  	[tilespmem:s31+$0x66B0] =	vst v3;
	v39 =	vld [tilespmem:s31+$0x2560];
	v57 =	vadd.f32 v15, v8;
	v43 =	vmul.f32 v51, v7;
	v44 =	vbroadcast v14, $0xF  }
0x122: {  	[tilespmem:s31+$0x6690] =	vst v0;
	v37 =	vld [tilespmem:s31+$0x570];
	v38 =	vmul.f32 v42, v49;
	v40 =	vmul.f32 v45, v50;
	v61 =	vadd.f32 v54, v52  }
0x123: {  	v42 =	vld [tilespmem:s31+$0x2570];
	v47 =	vmul.f32 v56, v6;
	v29 =	vadd.f32 v59, v58;
	[tilespmem:s31+$0x66C0] =	vst v12;
	v8 =	vadd.f32 v30, v63  }
0x124: {  	v45 =	vld [tilespmem:s31+$0x4560];
	[tilespmem:s31+$0x66D0] =	vst v4;
	v41 =	vmul.f32 v48, v6;
	v3 =	vadd.f32 v38, v36;
	v48 =	vmul.f32 v35, v6  }
0x125: {  	v49 =	vld [tilespmem:s31+$0x4570];
	[tilespmem:s31+$0x66E0] =	vst v53;
	v52 =	vmul.f32 v60, v7;
	v54 =	vmul.f32 v18, v44;
	v1 =	vadd.f32 v55, v61  }
0x126: {  	[tilespmem:s31+$0x66F0] =	vst v57;
	v0 =	vadd.f32 v62, v29;
	v46 =	vadd.f32 v34, v8;
	v10 =	vmul.f32 v39, v7  }
0x127: {  	v57 =	vmul.f32 v28, v44;
	v50 =	vadd.f32 v40, v3;
	v53 =	vadd.f32 v43, v41;
	[tilespmem:s31+$0x6700] =	vst v1  }
0x128: {  	v51 =	vmul.f32 v37, v6;
	v55 =	vadd.f32 v52, v47;
	[tilespmem:s31+$0x6710] =	vst v0;
	v56 =	vmul.f32 v42, v7  }
0x129: {  	p0 =	sne.s32 s26, $0x7;
	[tilespmem:s31+$0x6720] =	vst v46;
	v58 =	vadd.f32 v10, v48;
	v59 =	vmul.f32 v45, v44;
	v1 =	vadd.f32 v54, v53  }
.Ltmp0:
0x12a: {  	v61 =	vmul.f32 v49, v44;
	[tilespmem:s31+$0x6730] =	vst v50;
	v0 =	vadd.f32 v57, v55;
	v60 =	vadd.f32 v56, v51;
	(pc) =	sbr.rel @p0 .LBB2_3-.Ltmp0, $4  }
0x12b: {  	v62 =	vadd.f32 v59, v58;
	[tilespmem:s31+$0x6740] =	vst v1  }
0x12c: {  	[tilespmem:s31+$0x6750] =	vst v0;
	v63 =	vadd.f32 v61, v60  }
0x12d: {  	[tilespmem:s31+$0x6760] =	vst v62  }
0x12e: {  	s26 =	sadd.s32 $0x1, s26;
	[tilespmem:s31+$0x6770] =	vst v63  }
0x12f: {  	s26 =	sshra.s32 s25, $0x1F  }
0x130: {  	s26 =	sshrl.u32 s26, $0x1D  }
0x131: {  	s26 =	sadd.s32 s26, s25  }
0x132: {  	s28 =	sand.u32 $0xFFFFFFF8, s26  }
0x133: {  	p0 =	slt.s32 s25, $0x1;
	p1 =	sne.s32 s25, s28  }
0x134: {  	s30 =	sshll.u32 s25, $0xA;
	p0 =	por !p0, !p1  }
0x135: {  	s25 =	sadd.s32 $0x2000, s30;
	s28 =	simm.s32 $0x1;
	p0 =	por !p0, !p0  }
0x136: {  	s26 =	sshrl.u32 s26, $0x3;
	s25 =	sand.u32 $0x1C00, s25;
	s28 =	simm.s32 @!p0 $0x0  }
0x137: {  	s24 =	sor.u32 s24, s25;
	s31 =	ssub.s32 s26, s28  }
0x138: {  	s24 =	sshll.u32 s24, $0x9;
	s25 =	sshll.u32 s31, $0x6  }
0x139: {  	s23 =	sadd.s32 $0x1, s23;
	s24 =	sadd.s32 s24, s25  }
0x13a: {  	p0 =	sne.s32 s23, $0x10;
	s24 =	sshrl.u32 s24, $0x3  }
.Ltmp1:
0x13b: {  	s24 =	sadd.s32 s1, s24;
	(pc) =	sbr.rel @p0 .LBB2_2-.Ltmp1, $4  }
0x13c: {  	[hbm4b:s24+s20] =	stream.strided.scatter [tilespmem:s22], [sflag:$0x2], $0x2000, s21, s20, $0x38;
	[tilespmem:$0x8380] =	vst v63  }
0x13d: {  	_ =	swait.ge [sflag:s12], $0x2000  }
0x13e: {  	[sflag:s12] =	ssyncset.done $0x0  }
0x13f: {  	[sflag:s12] =	ssyncadd.s32 $0xFFFFE000  }
0x140: {  	s2 =	sadd.s32 $0x1, s2  }
0x141: {  	p0 =	sne.s32 s2, s10  }
.Ltmp2:
0x142: {  	_ = 	snop;
	(pc) =	sbr.rel @p0 .LBB2_1-.Ltmp2, $1  }
0x143: {  	_ =	sdelay $0x3  }
0x144: {  	_ =	sfence.sel $0x180000  }
0x145: {  	[bflag:$0x0] =	sbarrier.arrive $0xFFFF  }
0x146: {  	p0 =	sne.s32 s3, $0x0;
	_ =	strace $0x90000047  }
0x147: {  	s0 =	sadd.s32 @!p0 $0x100000, s0;
	[bflag:$0x2] =	sbarrier.arrive $0xFFFF  }
0x148: {  	[sflag:s0] =	ssyncadd.tile.s32 @!p0 $0x1;
	_ =	shalt  }
.Lfunc_end2:
_tile_overlayer_lowered:
.L_overlay_start_2:
0x149: {  	(tag) =	ssettag $0x2  }
0x14a: {  	s0 =	rddreg [dreg:$0x0];
	s2 =	stileid.u32  }
0x14b: {  	s1 =	rddreg [dreg:$0x1];
	p0 =	sne.s32 s2, $0x0  }
0x14c: {  	s3 =	rddreg [dreg:$0x2];
	[bflag:$0x3] =	sbarrier.arrive $0xFFFF;
	s2 =	simm.s32 @!p0 $0x1C02  }
0x14d: {  	[timem:s3], [sflag:s2] =	dma.local @!p0 [hbm:s0], s1  }
0x14e: {  	s0 =	simm.s32 @!p0 $0x2  }
0x14f: {  	_ =	swait.ge @!p0 [sflag:s0], s1  }
0x150: {  	s1 =	ssub.s32 @!p0 $0x0, s1;
	[sflag:s0] =	ssyncset.done @!p0 $0x0  }
0x151: {  	[sflag:s0] =	ssyncadd.s32 @!p0 s1  }
0x152: {  	[bflag:$0x3] =	sbarrier.arrive $0xFFFF  }
0x153: {  	_ =	shalt  }

</sc_bundles>
